<compile_context>
chip_gen: v7x
topology: tpu7x:2x2x1
jax: 0.10.2.dev20260603
libtpu: 0.0.44.dev20260713+nightly
codegen_flags: <defaults>
</compile_context>

<pallas_src>
import functools

import jax
import jax.numpy as jnp
from jax import lax
from jax.experimental import pallas as pl
from jax.experimental.pallas import tpu as pltpu
from jax.experimental.pallas import tpu_sc as plsc

N = 50000
V = 128
G = 256
EPS = 1e-05
BLK = 5000
NB = N // BLK

NC = 2
NS = 16
CHUNK = 128
FULL = N // CHUNK
TAIL = N - FULL * CHUNK
GPAD = G + 8


def _pass1_kernel(posf_ref, batch_ref, nrm_ref, cnt_ref):
    i = pl.program_id(0)
    x = posf_ref[...]
    x0 = x[:, :V]
    x1 = x[:, V:2 * V]
    x2 = x[:, 2 * V:]
    nrm_ref[...] = jnp.sqrt(x0 * x0 + x1 * x1 + x2 * x2)
    b = batch_ref[0, 0, :]
    oh = (jax.lax.broadcasted_iota(jnp.int32, (G, BLK), 0)
          == b[None, :]).astype(jnp.float32)
    pcnt = jnp.sum(oh, axis=1)[None, :]

    @pl.when(i == 0)
    def _():
        cnt_ref[...] = jnp.zeros_like(cnt_ref)

    cnt_ref[...] += pcnt


def _sc_seg_body(norm_hbm, batch_hbm, seg_hbm,
                 nrm_v, idx_v, zer_v, seg_sh):
    cid = lax.axis_index("c")
    sid = lax.axis_index("s")
    gid = cid * NS + sid

    def _zrow(r, _):
        for g in range(V // 16):
            zer_v[r, pl.ds(g * 16, 16)] = jnp.zeros((16,), jnp.float32)
        return 0
    lax.fori_loop(0, 16, _zrow, 0)
    pltpu.sync_copy(zer_v, seg_sh.at[pl.ds(sid * 16, 16)])

    @pl.when(sid == 0)
    def _():
        pltpu.sync_copy(zer_v.at[pl.ds(0, GPAD - G)],
                        seg_sh.at[pl.ds(G, GPAD - G)])

    plsc.subcore_barrier()

    for k in range(13):
        c = gid + 32 * k

        @pl.when(c < FULL)
        def _():
            base = c * CHUNK
            pltpu.sync_copy(batch_hbm.at[pl.ds(base, CHUNK)], idx_v)
            pltpu.sync_copy(norm_hbm.at[pl.ds(base, CHUNK)], nrm_v)
            pltpu.sync_copy(nrm_v, seg_sh.at[idx_v], add=True)

        @pl.when(c == FULL)
        def _():
            for m in range(CHUNK // 16):
                idx_v[pl.ds(m * 16, 16)] = jnp.full((16,), G, jnp.int32)
            pltpu.sync_copy(batch_hbm.at[pl.ds(FULL * CHUNK, TAIL)],
                            idx_v.at[pl.ds(0, TAIL)])
            pltpu.sync_copy(norm_hbm.at[pl.ds(FULL * CHUNK, TAIL)],
                            nrm_v.at[pl.ds(0, TAIL)])
            pltpu.sync_copy(nrm_v, seg_sh.at[idx_v], add=True)

    plsc.subcore_barrier()

    @pl.when(sid == 0)
    def _():
        pltpu.sync_copy(seg_sh.at[pl.ds(0, G)], seg_hbm.at[cid])


@functools.lru_cache(maxsize=1)
def _make_sc_seg():
    mesh = plsc.VectorSubcoreMesh(core_axis_name="c", subcore_axis_name="s")
    return pl.kernel(
        _sc_seg_body,
        out_type=jax.ShapeDtypeStruct((NC, G, V), jnp.float32),
        mesh=mesh,
        scratch_types=[
            pltpu.VMEM((CHUNK, V), jnp.float32),
            pltpu.VMEM((CHUNK,), jnp.int32),
            pltpu.VMEM((16, V), jnp.float32),
            pltpu.VMEM_SHARED((GPAD, V), jnp.float32),
        ],
    )


def _pass2_kernel(posf_ref, batch_ref, seg_ref, cnt_ref, w_ref, out_ref):
    x = posf_ref[...]
    b = batch_ref[0, 0, :]
    cnt = jnp.maximum(cnt_ref[0, :], 1.0)
    seg = seg_ref[0] + seg_ref[1]
    mean = seg / cnt[:, None]
    oh = (b[:, None] == jax.lax.broadcasted_iota(jnp.int32, (BLK, G), 1)
          ).astype(jnp.float32)
    gm = jnp.dot(oh, mean, preferred_element_type=jnp.float32)
    w = w_ref[0, 0, :]
    scale = w[None, :] / (gm + EPS)
    out_ref[:, :V] = x[:, :V] * scale
    out_ref[:, V:2 * V] = x[:, V:2 * V] * scale
    out_ref[:, 2 * V:] = x[:, 2 * V:] * scale


def kernel(pos, weight, batch):
    posf = pos.reshape(N, 3 * V)
    b32 = batch.astype(jnp.int32)
    b3 = b32.reshape(NB, 1, BLK)

    nrm, cnt = pl.pallas_call(
        _pass1_kernel,
        grid=(NB,),
        in_specs=[
            pl.BlockSpec((BLK, 3 * V), lambda i: (i, 0)),
            pl.BlockSpec((1, 1, BLK), lambda i: (i, 0, 0)),
        ],
        out_specs=[
            pl.BlockSpec((BLK, V), lambda i: (i, 0)),
            pl.BlockSpec((1, G), lambda i: (0, 0)),
        ],
        out_shape=[
            jax.ShapeDtypeStruct((N, V), jnp.float32),
            jax.ShapeDtypeStruct((1, G), jnp.float32),
        ],
    )(posf, b3)

    seg = _make_sc_seg()(nrm, b32)

    out = pl.pallas_call(
        _pass2_kernel,
        grid=(NB,),
        in_specs=[
            pl.BlockSpec((BLK, 3 * V), lambda i: (i, 0)),
            pl.BlockSpec((1, 1, BLK), lambda i: (i, 0, 0)),
            pl.BlockSpec((NC, G, V), lambda i: (0, 0, 0)),
            pl.BlockSpec((1, G), lambda i: (0, 0)),
            pl.BlockSpec((1, 1, V), lambda i: (0, 0, 0)),
        ],
        out_specs=pl.BlockSpec((BLK, 3 * V), lambda i: (i, 0)),
        out_shape=jax.ShapeDtypeStruct((N, 3 * V), jnp.float32),
    )(posf, b3, seg, cnt, weight)

    return out.reshape(N, 3, V)

# --- scband reference (transcript-rebuilt; emitter-appended) ---
"""Pipeline reference for scband-e3-norm-16441134809188 (READ-ONLY COPY).

The authoritative reference and input builder live on the scoring server;
editing this copy changes nothing except your own understanding.
"""

import jax, jax.numpy as jnp
import numpy as np

N = 50000
V = 128
NUM_GRAPHS = 256
EPS = 1e-05

def setup_inputs(seed: int = 0) -> dict:
    key = jax.random.key(seed)
    k1, k2 = jax.random.split(key)
    pos = jax.random.normal(k1, (N, 3, V), dtype=jnp.float32)
    batch = jnp.sort(jax.random.randint(k2, (N,), 0, NUM_GRAPHS)).astype(jnp.int64)
    weight = jnp.ones((1, 1, V), dtype=jnp.float32)
    return {"pos": pos, "weight": weight, "batch": batch}

def reference(pos, weight, batch):
    # norm over the 3D vector axis (dim=1), keepdim -> [N, 1, V]
    norm = jnp.sqrt(jnp.sum(pos * pos, axis=1, keepdims=True))
    # scatter_mean over nodes by graph id -> [B, 1, V]
    seg_sum = jax.ops.segment_sum(norm, batch, num_segments=NUM_GRAPHS)
    counts = jax.ops.segment_sum(jnp.ones((pos.shape[0],), dtype=pos.dtype), batch, num_segments=NUM_GRAPHS)
    counts = jnp.clip(counts, 1.0, None).reshape(-1, 1, 1)
    mean_norm = seg_sum / counts
    # gather per-node mean norm and normalize
    new_pos = weight * pos / (mean_norm[batch] + EPS)
    return new_pos

if __name__ == "__main__":
    import jax
    _d = setup_inputs()
    print(jax.jit(kernel)(*tuple(_d.values())))

</pallas_src>

<mosaic_0001>
#map = affine_map<(d0, d1) -> (0, 0)>
#map1 = affine_map<(d0, d1) -> (0)>
#map2 = affine_map<(d0, d1) -> (0, 0, 0)>
module attributes {stable_mosaic.version = 14 : i64} {
  func.func @_sc_seg_body(%arg0: i32, %arg1: i32, %arg2: memref<50000x128xf32, #tpu.memory_space<hbm>>, %arg3: memref<50000xi32, #tpu.memory_space<hbm>>, %arg4: memref<2x256x128xf32, #tpu.memory_space<hbm>>, %arg5: memref<128x128xf32, #tpu.memory_space<vmem>>, %arg6: memref<128xi32, #tpu.memory_space<vmem>>, %arg7: memref<16x128xf32, #tpu.memory_space<vmem>>, %arg8: memref<264x128xf32, #tpu.memory_space<vmem_shared>>) attributes {dimension_semantics = [#tpu.dimension_semantics<core_parallel>, #tpu.dimension_semantics<subcore_parallel>], iteration_bounds = array<i64: 2, 16>, scalar_prefetch = 0 : i64, scratch_operands = 4 : i64, tpu.core_type = #tpu.core_type<sc_vector_subcore>, window_params = [{transform_indices = #map}, {transform_indices = #map1}, {transform_indices = #map2}]} {
    %mul3A = arith.constant 16 : i32
    %mul3A_0 = arith.muli %arg0, %mul3A : i32
    %add3A = arith.addi %mul3A_0, %arg1 : i32
    %scan3A = arith.constant 0 : i32
    %scan3A_1 = arith.constant 0 : i32
    %scan3A_2 = arith.constant 16 : i32
    %scan3A_3 = arith.addi %scan3A_1, %scan3A_2 : i32
    %scan3A_4 = arith.constant 1 : i32
    %scan3A_5 = scf.for %scan3A_172 = %scan3A_1 to %scan3A_3 step %scan3A_4 iter_args(%scan3A_173 = %scan3A) -> (i32)  : i32 {
      %broadcast_in_dim3A = arith.constant 0.000000e+00 : f32
      %broadcast_in_dim3A_174 = vector.broadcast %broadcast_in_dim3A : f32 to vector<16xf32>
      %swap3A = arith.index_cast %scan3A_172 : i32 to index
      %swap3A_175 = arith.constant 0 : index
      %swap3A_176 = tpu.vector_load %arg7[%swap3A, %swap3A_175] {strides = array<i32>} : memref<16x128xf32, #tpu.memory_space<vmem>>, vector<1x16xf32>,
      %swap3A_177 = vector.shape_cast %swap3A_176 : vector<1x16xf32> to vector<16xf32>
      %swap3A_178 = vector.shape_cast %broadcast_in_dim3A_174 : vector<16xf32> to vector<1x16xf32>
      tpu.vector_store %arg7[%swap3A, %swap3A_175], %swap3A_178 {strides = array<i32>} : memref<16x128xf32, #tpu.memory_space<vmem>>, vector<1x16xf32>,
      %broadcast_in_dim3A_179 = arith.constant 0.000000e+00 : f32
      %broadcast_in_dim3A_180 = vector.broadcast %broadcast_in_dim3A_179 : f32 to vector<16xf32>
      %swap3A_181 = arith.index_cast %scan3A_172 : i32 to index
      %swap3A_182 = arith.constant 16 : index
      %swap3A_183 = tpu.vector_load %arg7[%swap3A_181, %swap3A_182] {strides = array<i32>} : memref<16x128xf32, #tpu.memory_space<vmem>>, vector<1x16xf32>,
      %swap3A_184 = vector.shape_cast %swap3A_183 : vector<1x16xf32> to vector<16xf32>
      %swap3A_185 = vector.shape_cast %broadcast_in_dim3A_180 : vector<16xf32> to vector<1x16xf32>
      tpu.vector_store %arg7[%swap3A_181, %swap3A_182], %swap3A_185 {strides = array<i32>} : memref<16x128xf32, #tpu.memory_space<vmem>>, vector<1x16xf32>,
      %broadcast_in_dim3A_186 = arith.constant 0.000000e+00 : f32
      %broadcast_in_dim3A_187 = vector.broadcast %broadcast_in_dim3A_186 : f32 to vector<16xf32>
      %swap3A_188 = arith.index_cast %scan3A_172 : i32 to index
      %swap3A_189 = arith.constant 32 : index
      %swap3A_190 = tpu.vector_load %arg7[%swap3A_188, %swap3A_189] {strides = array<i32>} : memref<16x128xf32, #tpu.memory_space<vmem>>, vector<1x16xf32>,
      %swap3A_191 = vector.shape_cast %swap3A_190 : vector<1x16xf32> to vector<16xf32>
      %swap3A_192 = vector.shape_cast %broadcast_in_dim3A_187 : vector<16xf32> to vector<1x16xf32>
      tpu.vector_store %arg7[%swap3A_188, %swap3A_189], %swap3A_192 {strides = array<i32>} : memref<16x128xf32, #tpu.memory_space<vmem>>, vector<1x16xf32>,
      %broadcast_in_dim3A_193 = arith.constant 0.000000e+00 : f32
      %broadcast_in_dim3A_194 = vector.broadcast %broadcast_in_dim3A_193 : f32 to vector<16xf32>
      %swap3A_195 = arith.index_cast %scan3A_172 : i32 to index
      %swap3A_196 = arith.constant 48 : index
      %swap3A_197 = tpu.vector_load %arg7[%swap3A_195, %swap3A_196] {strides = array<i32>} : memref<16x128xf32, #tpu.memory_space<vmem>>, vector<1x16xf32>,
      %swap3A_198 = vector.shape_cast %swap3A_197 : vector<1x16xf32> to vector<16xf32>
      %swap3A_199 = vector.shape_cast %broadcast_in_dim3A_194 : vector<16xf32> to vector<1x16xf32>
      tpu.vector_store %arg7[%swap3A_195, %swap3A_196], %swap3A_199 {strides = array<i32>} : memref<16x128xf32, #tpu.memory_space<vmem>>, vector<1x16xf32>,
      %broadcast_in_dim3A_200 = arith.constant 0.000000e+00 : f32
      %broadcast_in_dim3A_201 = vector.broadcast %broadcast_in_dim3A_200 : f32 to vector<16xf32>
      %swap3A_202 = arith.index_cast %scan3A_172 : i32 to index
      %swap3A_203 = arith.constant 64 : index
      %swap3A_204 = tpu.vector_load %arg7[%swap3A_202, %swap3A_203] {strides = array<i32>} : memref<16x128xf32, #tpu.memory_space<vmem>>, vector<1x16xf32>,
      %swap3A_205 = vector.shape_cast %swap3A_204 : vector<1x16xf32> to vector<16xf32>
      %swap3A_206 = vector.shape_cast %broadcast_in_dim3A_201 : vector<16xf32> to vector<1x16xf32>
      tpu.vector_store %arg7[%swap3A_202, %swap3A_203], %swap3A_206 {strides = array<i32>} : memref<16x128xf32, #tpu.memory_space<vmem>>, vector<1x16xf32>,
      %broadcast_in_dim3A_207 = arith.constant 0.000000e+00 : f32
      %broadcast_in_dim3A_208 = vector.broadcast %broadcast_in_dim3A_207 : f32 to vector<16xf32>
      %swap3A_209 = arith.index_cast %scan3A_172 : i32 to index
      %swap3A_210 = arith.constant 80 : index
      %swap3A_211 = tpu.vector_load %arg7[%swap3A_209, %swap3A_210] {strides = array<i32>} : memref<16x128xf32, #tpu.memory_space<vmem>>, vector<1x16xf32>,
      %swap3A_212 = vector.shape_cast %swap3A_211 : vector<1x16xf32> to vector<16xf32>
      %swap3A_213 = vector.shape_cast %broadcast_in_dim3A_208 : vector<16xf32> to vector<1x16xf32>
      tpu.vector_store %arg7[%swap3A_209, %swap3A_210], %swap3A_213 {strides = array<i32>} : memref<16x128xf32, #tpu.memory_space<vmem>>, vector<1x16xf32>,
      %broadcast_in_dim3A_214 = arith.constant 0.000000e+00 : f32
      %broadcast_in_dim3A_215 = vector.broadcast %broadcast_in_dim3A_214 : f32 to vector<16xf32>
      %swap3A_216 = arith.index_cast %scan3A_172 : i32 to index
      %swap3A_217 = arith.constant 96 : index
      %swap3A_218 = tpu.vector_load %arg7[%swap3A_216, %swap3A_217] {strides = array<i32>} : memref<16x128xf32, #tpu.memory_space<vmem>>, vector<1x16xf32>,
      %swap3A_219 = vector.shape_cast %swap3A_218 : vector<1x16xf32> to vector<16xf32>
      %swap3A_220 = vector.shape_cast %broadcast_in_dim3A_215 : vector<16xf32> to vector<1x16xf32>
      tpu.vector_store %arg7[%swap3A_216, %swap3A_217], %swap3A_220 {strides = array<i32>} : memref<16x128xf32, #tpu.memory_space<vmem>>, vector<1x16xf32>,
      %broadcast_in_dim3A_221 = arith.constant 0.000000e+00 : f32
      %broadcast_in_dim3A_222 = vector.broadcast %broadcast_in_dim3A_221 : f32 to vector<16xf32>
      %swap3A_223 = arith.index_cast %scan3A_172 : i32 to index
      %swap3A_224 = arith.constant 112 : index
      %swap3A_225 = tpu.vector_load %arg7[%swap3A_223, %swap3A_224] {strides = array<i32>} : memref<16x128xf32, #tpu.memory_space<vmem>>, vector<1x16xf32>,
      %swap3A_226 = vector.shape_cast %swap3A_225 : vector<1x16xf32> to vector<16xf32>
      %swap3A_227 = vector.shape_cast %broadcast_in_dim3A_222 : vector<16xf32> to vector<1x16xf32>
      tpu.vector_store %arg7[%swap3A_223, %swap3A_224], %swap3A_227 {strides = array<i32>} : memref<16x128xf32, #tpu.memory_space<vmem>>, vector<1x16xf32>,
      %scan3A_228 = arith.constant 0 : i32
      scf.yield %scan3A_228 : i32
    }
    %scan3A_6 = arith.constant 16 : i32
    %mul3A_7 = arith.constant 16 : i32
    %mul3A_8 = arith.muli %arg1, %mul3A_7 : i32
    "tpu.region"() ({
      %run_scoped3A = tpu.sem_alloc : memref<!tpu.dma_semaphore, #tpu.memory_space<semaphore_mem>>
      %dma_start3A = arith.constant 0 : i32
      %dma_start3A_172 = tpu.memref_slice %arg8[%mul3A_8, %dma_start3A] : memref<264x128xf32, #tpu.memory_space<vmem_shared>> -> memref<16x128xf32, #tpu.memory_space<vmem_shared>>
      %dma_start3A_173 = arith.constant 0 : i32
      %dma_start3A_174 = tpu.memref_slice %arg8[%mul3A_8, %dma_start3A_173] : memref<264x128xf32, #tpu.memory_space<vmem_shared>> -> memref<16x128xf32, #tpu.memory_space<vmem_shared>>
      tpu.enqueue_dma source(%arg7 : memref<16x128xf32, #tpu.memory_space<vmem>>) target(%dma_start3A_174 : memref<16x128xf32, #tpu.memory_space<vmem_shared>>) target_semaphore(%run_scoped3A : memref<!tpu.dma_semaphore, #tpu.memory_space<semaphore_mem>>)
      %dma_wait3A = arith.constant 0 : i32
      %dma_wait3A_175 = tpu.memref_slice %arg8[%mul3A_8, %dma_wait3A] : memref<264x128xf32, #tpu.memory_space<vmem_shared>> -> memref<16x128xf32, #tpu.memory_space<vmem_shared>>
      %dma_wait3A_176 = arith.constant 0 : i32
      %dma_wait3A_177 = tpu.memref_slice %arg8[%mul3A_8, %dma_wait3A_176] : memref<264x128xf32, #tpu.memory_space<vmem_shared>> -> memref<16x128xf32, #tpu.memory_space<vmem_shared>>
      tpu.wait_dma2 semaphore(%run_scoped3A : memref<!tpu.dma_semaphore, #tpu.memory_space<semaphore_mem>>) src(%arg7 : memref<16x128xf32, #tpu.memory_space<vmem>>) dst(%dma_wait3A_177 : memref<16x128xf32, #tpu.memory_space<vmem_shared>>)
      tpu.yield
    }) : () -> ()
    %eq3A = arith.constant 0 : i32
    %eq3A_9 = arith.cmpi eq, %arg1, %eq3A : i32
    %convert_element_type3A = arith.extui %eq3A_9 : i1 to i32
    %cond3A = arith.constant 0 : i32
    %cond3A_10 = arith.cmpi ne, %convert_element_type3A, %cond3A : i32
    scf.if %cond3A_10 {
      "tpu.region"() ({
        %run_scoped3A = tpu.sem_alloc : memref<!tpu.dma_semaphore, #tpu.memory_space<semaphore_mem>>
        %dma_start3A = arith.constant 0 : i32
        %dma_start3A_172 = arith.constant 0 : i32
        %dma_start3A_173 = tpu.memref_slice %arg7[%dma_start3A, %dma_start3A_172] : memref<16x128xf32, #tpu.memory_space<vmem>> -> memref<8x128xf32, #tpu.memory_space<vmem>>
        %dma_start3A_174 = arith.constant 256 : i32
        %dma_start3A_175 = arith.constant 0 : i32
        %dma_start3A_176 = tpu.memref_slice %arg8[%dma_start3A_174, %dma_start3A_175] : memref<264x128xf32, #tpu.memory_space<vmem_shared>> -> memref<8x128xf32, #tpu.memory_space<vmem_shared>>
        %dma_start3A_177 = arith.constant 256 : i32
        %dma_start3A_178 = arith.constant 0 : i32
        %dma_start3A_179 = tpu.memref_slice %arg8[%dma_start3A_177, %dma_start3A_178] : memref<264x128xf32, #tpu.memory_space<vmem_shared>> -> memref<8x128xf32, #tpu.memory_space<vmem_shared>>
        %dma_start3A_180 = arith.constant 0 : i32
        %dma_start3A_181 = arith.constant 0 : i32
        %dma_start3A_182 = tpu.memref_slice %arg7[%dma_start3A_180, %dma_start3A_181] : memref<16x128xf32, #tpu.memory_space<vmem>> -> memref<8x128xf32, #tpu.memory_space<vmem>>
        tpu.enqueue_dma source(%dma_start3A_182 : memref<8x128xf32, #tpu.memory_space<vmem>>) target(%dma_start3A_179 : memref<8x128xf32, #tpu.memory_space<vmem_shared>>) target_semaphore(%run_scoped3A : memref<!tpu.dma_semaphore, #tpu.memory_space<semaphore_mem>>)
        %dma_wait3A = arith.constant 0 : i32
        %dma_wait3A_183 = arith.constant 0 : i32
        %dma_wait3A_184 = tpu.memref_slice %arg7[%dma_wait3A, %dma_wait3A_183] : memref<16x128xf32, #tpu.memory_space<vmem>> -> memref<8x128xf32, #tpu.memory_space<vmem>>
        %dma_wait3A_185 = arith.constant 256 : i32
        %dma_wait3A_186 = arith.constant 0 : i32
        %dma_wait3A_187 = tpu.memref_slice %arg8[%dma_wait3A_185, %dma_wait3A_186] : memref<264x128xf32, #tpu.memory_space<vmem_shared>> -> memref<8x128xf32, #tpu.memory_space<vmem_shared>>
        %dma_wait3A_188 = arith.constant 256 : i32
        %dma_wait3A_189 = arith.constant 0 : i32
        %dma_wait3A_190 = tpu.memref_slice %arg8[%dma_wait3A_188, %dma_wait3A_189] : memref<264x128xf32, #tpu.memory_space<vmem_shared>> -> memref<8x128xf32, #tpu.memory_space<vmem_shared>>
        %dma_wait3A_191 = arith.constant 0 : i32
        %dma_wait3A_192 = arith.constant 0 : i32
        %dma_wait3A_193 = tpu.memref_slice %arg7[%dma_wait3A_191, %dma_wait3A_192] : memref<16x128xf32, #tpu.memory_space<vmem>> -> memref<8x128xf32, #tpu.memory_space<vmem>>
        tpu.wait_dma2 semaphore(%run_scoped3A : memref<!tpu.dma_semaphore, #tpu.memory_space<semaphore_mem>>) src(%dma_wait3A_193 : memref<8x128xf32, #tpu.memory_space<vmem>>) dst(%dma_wait3A_190 : memref<8x128xf32, #tpu.memory_space<vmem_shared>>)
        tpu.yield
      }) : () -> ()
    } else {
    }
    %barrier3A = arith.constant 0 : index
    tpu.barrier barrier_id(%barrier3A)
    %add3A_11 = arith.constant 0 : i32
    %add3A_12 = arith.addi %add3A, %add3A_11 : i32
    %lt3A = arith.constant 390 : i32
    %lt3A_13 = arith.cmpi slt, %add3A_12, %lt3A : i32
    %convert_element_type3A_14 = arith.extui %lt3A_13 : i1 to i32
    %cond3A_15 = arith.constant 0 : i32
    %cond3A_16 = arith.cmpi ne, %convert_element_type3A_14, %cond3A_15 : i32
    scf.if %cond3A_16 {
      %mul3A_172 = arith.constant 128 : i32
      %mul3A_173 = arith.muli %add3A_12, %mul3A_172 : i32
      "tpu.region"() ({
        %run_scoped3A = tpu.sem_alloc : memref<!tpu.dma_semaphore, #tpu.memory_space<semaphore_mem>>
        %dma_start3A = tpu.memref_slice %arg3[%mul3A_173] : memref<50000xi32, #tpu.memory_space<hbm>> -> memref<128xi32, #tpu.memory_space<hbm>>
        %dma_start3A_174 = tpu.memref_slice %arg3[%mul3A_173] : memref<50000xi32, #tpu.memory_space<hbm>> -> memref<128xi32, #tpu.memory_space<hbm>>
        tpu.enqueue_dma source(%dma_start3A_174 : memref<128xi32, #tpu.memory_space<hbm>>) target(%arg6 : memref<128xi32, #tpu.memory_space<vmem>>) target_semaphore(%run_scoped3A : memref<!tpu.dma_semaphore, #tpu.memory_space<semaphore_mem>>)
        %dma_wait3A = tpu.memref_slice %arg3[%mul3A_173] : memref<50000xi32, #tpu.memory_space<hbm>> -> memref<128xi32, #tpu.memory_space<hbm>>
        %dma_wait3A_175 = tpu.memref_slice %arg3[%mul3A_173] : memref<50000xi32, #tpu.memory_space<hbm>> -> memref<128xi32, #tpu.memory_space<hbm>>
        tpu.wait_dma2 semaphore(%run_scoped3A : memref<!tpu.dma_semaphore, #tpu.memory_space<semaphore_mem>>) src(%dma_wait3A_175 : memref<128xi32, #tpu.memory_space<hbm>>) dst(%arg6 : memref<128xi32, #tpu.memory_space<vmem>>)
        tpu.yield
      }) : () -> ()
      "tpu.region"() ({
        %run_scoped3A = tpu.sem_alloc : memref<!tpu.dma_semaphore, #tpu.memory_space<semaphore_mem>>
        %dma_start3A = arith.constant 0 : i32
        %dma_start3A_174 = tpu.memref_slice %arg2[%mul3A_173, %dma_start3A] : memref<50000x128xf32, #tpu.memory_space<hbm>> -> memref<128x128xf32, #tpu.memory_space<hbm>>
        %dma_start3A_175 = arith.constant 0 : i32
        %dma_start3A_176 = tpu.memref_slice %arg2[%mul3A_173, %dma_start3A_175] : memref<50000x128xf32, #tpu.memory_space<hbm>> -> memref<128x128xf32, #tpu.memory_space<hbm>>
        tpu.enqueue_dma source(%dma_start3A_176 : memref<128x128xf32, #tpu.memory_space<hbm>>) target(%arg5 : memref<128x128xf32, #tpu.memory_space<vmem>>) target_semaphore(%run_scoped3A : memref<!tpu.dma_semaphore, #tpu.memory_space<semaphore_mem>>)
        %dma_wait3A = arith.constant 0 : i32
        %dma_wait3A_177 = tpu.memref_slice %arg2[%mul3A_173, %dma_wait3A] : memref<50000x128xf32, #tpu.memory_space<hbm>> -> memref<128x128xf32, #tpu.memory_space<hbm>>
        %dma_wait3A_178 = arith.constant 0 : i32
        %dma_wait3A_179 = tpu.memref_slice %arg2[%mul3A_173, %dma_wait3A_178] : memref<50000x128xf32, #tpu.memory_space<hbm>> -> memref<128x128xf32, #tpu.memory_space<hbm>>
        tpu.wait_dma2 semaphore(%run_scoped3A : memref<!tpu.dma_semaphore, #tpu.memory_space<semaphore_mem>>) src(%dma_wait3A_179 : memref<128x128xf32, #tpu.memory_space<hbm>>) dst(%arg5 : memref<128x128xf32, #tpu.memory_space<vmem>>)
        tpu.yield
      }) : () -> ()
      "tpu.region"() ({
        %run_scoped3A = tpu.sem_alloc : memref<!tpu.dma_semaphore, #tpu.memory_space<semaphore_mem>>
        %dma_start3A = arith.constant 0 : i32
        %dma_start3A_174 = arith.constant 0 : i32
        %dma_start3A_175 = tpu.memref_slice %arg8[%dma_start3A, %dma_start3A_174] : memref<264x128xf32, #tpu.memory_space<vmem_shared>> -> memref<264x128xf32, #tpu.memory_space<vmem_shared>>
        tpu.enqueue_indirect_dma source(%arg5 : memref<128x128xf32, #tpu.memory_space<vmem>>) target(%dma_start3A_175 : memref<264x128xf32, #tpu.memory_space<vmem_shared>>) offsets(%arg6 : memref<128xi32, #tpu.memory_space<vmem>>) semaphore(%run_scoped3A : memref<!tpu.dma_semaphore, #tpu.memory_space<semaphore_mem>>) {add = true}
        %dma_wait3A = arith.constant 0 : i32
        %dma_wait3A_176 = arith.constant 0 : i32
        %dma_wait3A_177 = tpu.memref_slice %arg8[%dma_wait3A, %dma_wait3A_176] : memref<264x128xf32, #tpu.memory_space<vmem_shared>> -> memref<264x128xf32, #tpu.memory_space<vmem_shared>>
        tpu.wait_indirect_dma semaphore(%run_scoped3A : memref<!tpu.dma_semaphore, #tpu.memory_space<semaphore_mem>>) src(%arg5 : memref<128x128xf32, #tpu.memory_space<vmem>>) dst(%dma_wait3A_177 : memref<264x128xf32, #tpu.memory_space<vmem_shared>>)
        tpu.yield
      }) : () -> ()
    } else {
    }
    %eq3A_17 = arith.constant 390 : i32
    %eq3A_18 = arith.cmpi eq, %add3A_12, %eq3A_17 : i32
    %convert_element_type3A_19 = arith.extui %eq3A_18 : i1 to i32
    %cond3A_20 = arith.constant 0 : i32
    %cond3A_21 = arith.cmpi ne, %convert_element_type3A_19, %cond3A_20 : i32
    scf.if %cond3A_21 {
      %broadcast_in_dim3A = arith.constant 256 : i32
      %broadcast_in_dim3A_172 = vector.broadcast %broadcast_in_dim3A : i32 to vector<16xi32>
      %swap3A = arith.constant 0 : index
      %swap3A_173 = tpu.vector_load %arg6[%swap3A] {strides = array<i32>} : memref<128xi32, #tpu.memory_space<vmem>>, vector<16xi32>,
      %swap3A_174 = vector.shape_cast %swap3A_173 : vector<16xi32> to vector<16xi32>
      %swap3A_175 = vector.shape_cast %broadcast_in_dim3A_172 : vector<16xi32> to vector<16xi32>
      tpu.vector_store %arg6[%swap3A], %swap3A_175 {strides = array<i32>} : memref<128xi32, #tpu.memory_space<vmem>>, vector<16xi32>,
      %broadcast_in_dim3A_176 = arith.constant 256 : i32
      %broadcast_in_dim3A_177 = vector.broadcast %broadcast_in_dim3A_176 : i32 to vector<16xi32>
      %swap3A_178 = arith.constant 16 : index
      %swap3A_179 = tpu.vector_load %arg6[%swap3A_178] {strides = array<i32>} : memref<128xi32, #tpu.memory_space<vmem>>, vector<16xi32>,
      %swap3A_180 = vector.shape_cast %swap3A_179 : vector<16xi32> to vector<16xi32>
      %swap3A_181 = vector.shape_cast %broadcast_in_dim3A_177 : vector<16xi32> to vector<16xi32>
      tpu.vector_store %arg6[%swap3A_178], %swap3A_181 {strides = array<i32>} : memref<128xi32, #tpu.memory_space<vmem>>, vector<16xi32>,
      %broadcast_in_dim3A_182 = arith.constant 256 : i32
      %broadcast_in_dim3A_183 = vector.broadcast %broadcast_in_dim3A_182 : i32 to vector<16xi32>
      %swap3A_184 = arith.constant 32 : index
      %swap3A_185 = tpu.vector_load %arg6[%swap3A_184] {strides = array<i32>} : memref<128xi32, #tpu.memory_space<vmem>>, vector<16xi32>,
      %swap3A_186 = vector.shape_cast %swap3A_185 : vector<16xi32> to vector<16xi32>
      %swap3A_187 = vector.shape_cast %broadcast_in_dim3A_183 : vector<16xi32> to vector<16xi32>
      tpu.vector_store %arg6[%swap3A_184], %swap3A_187 {strides = array<i32>} : memref<128xi32, #tpu.memory_space<vmem>>, vector<16xi32>,
      %broadcast_in_dim3A_188 = arith.constant 256 : i32
      %broadcast_in_dim3A_189 = vector.broadcast %broadcast_in_dim3A_188 : i32 to vector<16xi32>
      %swap3A_190 = arith.constant 48 : index
      %swap3A_191 = tpu.vector_load %arg6[%swap3A_190] {strides = array<i32>} : memref<128xi32, #tpu.memory_space<vmem>>, vector<16xi32>,
      %swap3A_192 = vector.shape_cast %swap3A_191 : vector<16xi32> to vector<16xi32>
      %swap3A_193 = vector.shape_cast %broadcast_in_dim3A_189 : vector<16xi32> to vector<16xi32>
      tpu.vector_store %arg6[%swap3A_190], %swap3A_193 {strides = array<i32>} : memref<128xi32, #tpu.memory_space<vmem>>, vector<16xi32>,
      %broadcast_in_dim3A_194 = arith.constant 256 : i32
      %broadcast_in_dim3A_195 = vector.broadcast %broadcast_in_dim3A_194 : i32 to vector<16xi32>
      %swap3A_196 = arith.constant 64 : index
      %swap3A_197 = tpu.vector_load %arg6[%swap3A_196] {strides = array<i32>} : memref<128xi32, #tpu.memory_space<vmem>>, vector<16xi32>,
      %swap3A_198 = vector.shape_cast %swap3A_197 : vector<16xi32> to vector<16xi32>
      %swap3A_199 = vector.shape_cast %broadcast_in_dim3A_195 : vector<16xi32> to vector<16xi32>
      tpu.vector_store %arg6[%swap3A_196], %swap3A_199 {strides = array<i32>} : memref<128xi32, #tpu.memory_space<vmem>>, vector<16xi32>,
      %broadcast_in_dim3A_200 = arith.constant 256 : i32
      %broadcast_in_dim3A_201 = vector.broadcast %broadcast_in_dim3A_200 : i32 to vector<16xi32>
      %swap3A_202 = arith.constant 80 : index
      %swap3A_203 = tpu.vector_load %arg6[%swap3A_202] {strides = array<i32>} : memref<128xi32, #tpu.memory_space<vmem>>, vector<16xi32>,
      %swap3A_204 = vector.shape_cast %swap3A_203 : vector<16xi32> to vector<16xi32>
      %swap3A_205 = vector.shape_cast %broadcast_in_dim3A_201 : vector<16xi32> to vector<16xi32>
      tpu.vector_store %arg6[%swap3A_202], %swap3A_205 {strides = array<i32>} : memref<128xi32, #tpu.memory_space<vmem>>, vector<16xi32>,
      %broadcast_in_dim3A_206 = arith.constant 256 : i32
      %broadcast_in_dim3A_207 = vector.broadcast %broadcast_in_dim3A_206 : i32 to vector<16xi32>
      %swap3A_208 = arith.constant 96 : index
      %swap3A_209 = tpu.vector_load %arg6[%swap3A_208] {strides = array<i32>} : memref<128xi32, #tpu.memory_space<vmem>>, vector<16xi32>,
      %swap3A_210 = vector.shape_cast %swap3A_209 : vector<16xi32> to vector<16xi32>
      %swap3A_211 = vector.shape_cast %broadcast_in_dim3A_207 : vector<16xi32> to vector<16xi32>
      tpu.vector_store %arg6[%swap3A_208], %swap3A_211 {strides = array<i32>} : memref<128xi32, #tpu.memory_space<vmem>>, vector<16xi32>,
      %broadcast_in_dim3A_212 = arith.constant 256 : i32
      %broadcast_in_dim3A_213 = vector.broadcast %broadcast_in_dim3A_212 : i32 to vector<16xi32>
      %swap3A_214 = arith.constant 112 : index
      %swap3A_215 = tpu.vector_load %arg6[%swap3A_214] {strides = array<i32>} : memref<128xi32, #tpu.memory_space<vmem>>, vector<16xi32>,
      %swap3A_216 = vector.shape_cast %swap3A_215 : vector<16xi32> to vector<16xi32>
      %swap3A_217 = vector.shape_cast %broadcast_in_dim3A_213 : vector<16xi32> to vector<16xi32>
      tpu.vector_store %arg6[%swap3A_214], %swap3A_217 {strides = array<i32>} : memref<128xi32, #tpu.memory_space<vmem>>, vector<16xi32>,
      "tpu.region"() ({
        %run_scoped3A = tpu.sem_alloc : memref<!tpu.dma_semaphore, #tpu.memory_space<semaphore_mem>>
        %dma_start3A = arith.constant 0 : i32
        %dma_start3A_218 = tpu.memref_slice %arg6[%dma_start3A] : memref<128xi32, #tpu.memory_space<vmem>> -> memref<80xi32, #tpu.memory_space<vmem>>
        %dma_start3A_219 = arith.constant 49920 : i32
        %dma_start3A_220 = tpu.memref_slice %arg3[%dma_start3A_219] : memref<50000xi32, #tpu.memory_space<hbm>> -> memref<80xi32, #tpu.memory_space<hbm>>
        %dma_start3A_221 = arith.constant 0 : i32
        %dma_start3A_222 = tpu.memref_slice %arg6[%dma_start3A_221] : memref<128xi32, #tpu.memory_space<vmem>> -> memref<80xi32, #tpu.memory_space<vmem>>
        %dma_start3A_223 = arith.constant 49920 : i32
        %dma_start3A_224 = tpu.memref_slice %arg3[%dma_start3A_223] : memref<50000xi32, #tpu.memory_space<hbm>> -> memref<80xi32, #tpu.memory_space<hbm>>
        tpu.enqueue_dma source(%dma_start3A_224 : memref<80xi32, #tpu.memory_space<hbm>>) target(%dma_start3A_222 : memref<80xi32, #tpu.memory_space<vmem>>) target_semaphore(%run_scoped3A : memref<!tpu.dma_semaphore, #tpu.memory_space<semaphore_mem>>)
        %dma_wait3A = arith.constant 0 : i32
        %dma_wait3A_225 = tpu.memref_slice %arg6[%dma_wait3A] : memref<128xi32, #tpu.memory_space<vmem>> -> memref<80xi32, #tpu.memory_space<vmem>>
        %dma_wait3A_226 = arith.constant 49920 : i32
        %dma_wait3A_227 = tpu.memref_slice %arg3[%dma_wait3A_226] : memref<50000xi32, #tpu.memory_space<hbm>> -> memref<80xi32, #tpu.memory_space<hbm>>
        %dma_wait3A_228 = arith.constant 0 : i32
        %dma_wait3A_229 = tpu.memref_slice %arg6[%dma_wait3A_228] : memref<128xi32, #tpu.memory_space<vmem>> -> memref<80xi32, #tpu.memory_space<vmem>>
        %dma_wait3A_230 = arith.constant 49920 : i32
        %dma_wait3A_231 = tpu.memref_slice %arg3[%dma_wait3A_230] : memref<50000xi32, #tpu.memory_space<hbm>> -> memref<80xi32, #tpu.memory_space<hbm>>
        tpu.wait_dma2 semaphore(%run_scoped3A : memref<!tpu.dma_semaphore, #tpu.memory_space<semaphore_mem>>) src(%dma_wait3A_231 : memref<80xi32, #tpu.memory_space<hbm>>) dst(%dma_wait3A_229 : memref<80xi32, #tpu.memory_space<vmem>>)
        tpu.yield
      }) : () -> ()
      "tpu.region"() ({
        %run_scoped3A = tpu.sem_alloc : memref<!tpu.dma_semaphore, #tpu.memory_space<semaphore_mem>>
        %dma_start3A = arith.constant 0 : i32
        %dma_start3A_218 = arith.constant 0 : i32
        %dma_start3A_219 = tpu.memref_slice %arg5[%dma_start3A, %dma_start3A_218] : memref<128x128xf32, #tpu.memory_space<vmem>> -> memref<80x128xf32, #tpu.memory_space<vmem>>
        %dma_start3A_220 = arith.constant 49920 : i32
        %dma_start3A_221 = arith.constant 0 : i32
        %dma_start3A_222 = tpu.memref_slice %arg2[%dma_start3A_220, %dma_start3A_221] : memref<50000x128xf32, #tpu.memory_space<hbm>> -> memref<80x128xf32, #tpu.memory_space<hbm>>
        %dma_start3A_223 = arith.constant 0 : i32
        %dma_start3A_224 = arith.constant 0 : i32
        %dma_start3A_225 = tpu.memref_slice %arg5[%dma_start3A_223, %dma_start3A_224] : memref<128x128xf32, #tpu.memory_space<vmem>> -> memref<80x128xf32, #tpu.memory_space<vmem>>
        %dma_start3A_226 = arith.constant 49920 : i32
        %dma_start3A_227 = arith.constant 0 : i32
        %dma_start3A_228 = tpu.memref_slice %arg2[%dma_start3A_226, %dma_start3A_227] : memref<50000x128xf32, #tpu.memory_space<hbm>> -> memref<80x128xf32, #tpu.memory_space<hbm>>
        tpu.enqueue_dma source(%dma_start3A_228 : memref<80x128xf32, #tpu.memory_space<hbm>>) target(%dma_start3A_225 : memref<80x128xf32, #tpu.memory_space<vmem>>) target_semaphore(%run_scoped3A : memref<!tpu.dma_semaphore, #tpu.memory_space<semaphore_mem>>)
        %dma_wait3A = arith.constant 0 : i32
        %dma_wait3A_229 = arith.constant 0 : i32
        %dma_wait3A_230 = tpu.memref_slice %arg5[%dma_wait3A, %dma_wait3A_229] : memref<128x128xf32, #tpu.memory_space<vmem>> -> memref<80x128xf32, #tpu.memory_space<vmem>>
        %dma_wait3A_231 = arith.constant 49920 : i32
        %dma_wait3A_232 = arith.constant 0 : i32
        %dma_wait3A_233 = tpu.memref_slice %arg2[%dma_wait3A_231, %dma_wait3A_232] : memref<50000x128xf32, #tpu.memory_space<hbm>> -> memref<80x128xf32, #tpu.memory_space<hbm>>
        %dma_wait3A_234 = arith.constant 0 : i32
        %dma_wait3A_235 = arith.constant 0 : i32
        %dma_wait3A_236 = tpu.memref_slice %arg5[%dma_wait3A_234, %dma_wait3A_235] : memref<128x128xf32, #tpu.memory_space<vmem>> -> memref<80x128xf32, #tpu.memory_space<vmem>>
        %dma_wait3A_237 = arith.constant 49920 : i32
        %dma_wait3A_238 = arith.constant 0 : i32
        %dma_wait3A_239 = tpu.memref_slice %arg2[%dma_wait3A_237, %dma_wait3A_238] : memref<50000x128xf32, #tpu.memory_space<hbm>> -> memref<80x128xf32, #tpu.memory_space<hbm>>
        tpu.wait_dma2 semaphore(%run_scoped3A : memref<!tpu.dma_semaphore, #tpu.memory_space<semaphore_mem>>) src(%dma_wait3A_239 : memref<80x128xf32, #tpu.memory_space<hbm>>) dst(%dma_wait3A_236 : memref<80x128xf32, #tpu.memory_space<vmem>>)
        tpu.yield
      }) : () -> ()
      "tpu.region"() ({
        %run_scoped3A = tpu.sem_alloc : memref<!tpu.dma_semaphore, #tpu.memory_space<semaphore_mem>>
        %dma_start3A = arith.constant 0 : i32
        %dma_start3A_218 = arith.constant 0 : i32
        %dma_start3A_219 = tpu.memref_slice %arg8[%dma_start3A, %dma_start3A_218] : memref<264x128xf32, #tpu.memory_space<vmem_shared>> -> memref<264x128xf32, #tpu.memory_space<vmem_shared>>
        tpu.enqueue_indirect_dma source(%arg5 : memref<128x128xf32, #tpu.memory_space<vmem>>) target(%dma_start3A_219 : memref<264x128xf32, #tpu.memory_space<vmem_shared>>) offsets(%arg6 : memref<128xi32, #tpu.memory_space<vmem>>) semaphore(%run_scoped3A : memref<!tpu.dma_semaphore, #tpu.memory_space<semaphore_mem>>) {add = true}
        %dma_wait3A = arith.constant 0 : i32
        %dma_wait3A_220 = arith.constant 0 : i32
        %dma_wait3A_221 = tpu.memref_slice %arg8[%dma_wait3A, %dma_wait3A_220] : memref<264x128xf32, #tpu.memory_space<vmem_shared>> -> memref<264x128xf32, #tpu.memory_space<vmem_shared>>
        tpu.wait_indirect_dma semaphore(%run_scoped3A : memref<!tpu.dma_semaphore, #tpu.memory_space<semaphore_mem>>) src(%arg5 : memref<128x128xf32, #tpu.memory_space<vmem>>) dst(%dma_wait3A_221 : memref<264x128xf32, #tpu.memory_space<vmem_shared>>)
        tpu.yield
      }) : () -> ()
    } else {
    }
    %add3A_22 = arith.constant 32 : i32
    %add3A_23 = arith.addi %add3A, %add3A_22 : i32
    %lt3A_24 = arith.constant 390 : i32
    %lt3A_25 = arith.cmpi slt, %add3A_23, %lt3A_24 : i32
    %convert_element_type3A_26 = arith.extui %lt3A_25 : i1 to i32
    %cond3A_27 = arith.constant 0 : i32
    %cond3A_28 = arith.cmpi ne, %convert_element_type3A_26, %cond3A_27 : i32
    scf.if %cond3A_28 {
      %mul3A_172 = arith.constant 128 : i32
      %mul3A_173 = arith.muli %add3A_23, %mul3A_172 : i32
      "tpu.region"() ({
        %run_scoped3A = tpu.sem_alloc : memref<!tpu.dma_semaphore, #tpu.memory_space<semaphore_mem>>
        %dma_start3A = tpu.memref_slice %arg3[%mul3A_173] : memref<50000xi32, #tpu.memory_space<hbm>> -> memref<128xi32, #tpu.memory_space<hbm>>
        %dma_start3A_174 = tpu.memref_slice %arg3[%mul3A_173] : memref<50000xi32, #tpu.memory_space<hbm>> -> memref<128xi32, #tpu.memory_space<hbm>>
        tpu.enqueue_dma source(%dma_start3A_174 : memref<128xi32, #tpu.memory_space<hbm>>) target(%arg6 : memref<128xi32, #tpu.memory_space<vmem>>) target_semaphore(%run_scoped3A : memref<!tpu.dma_semaphore, #tpu.memory_space<semaphore_mem>>)
        %dma_wait3A = tpu.memref_slice %arg3[%mul3A_173] : memref<50000xi32, #tpu.memory_space<hbm>> -> memref<128xi32, #tpu.memory_space<hbm>>
        %dma_wait3A_175 = tpu.memref_slice %arg3[%mul3A_173] : memref<50000xi32, #tpu.memory_space<hbm>> -> memref<128xi32, #tpu.memory_space<hbm>>
        tpu.wait_dma2 semaphore(%run_scoped3A : memref<!tpu.dma_semaphore, #tpu.memory_space<semaphore_mem>>) src(%dma_wait3A_175 : memref<128xi32, #tpu.memory_space<hbm>>) dst(%arg6 : memref<128xi32, #tpu.memory_space<vmem>>)
        tpu.yield
      }) : () -> ()
      "tpu.region"() ({
        %run_scoped3A = tpu.sem_alloc : memref<!tpu.dma_semaphore, #tpu.memory_space<semaphore_mem>>
        %dma_start3A = arith.constant 0 : i32
        %dma_start3A_174 = tpu.memref_slice %arg2[%mul3A_173, %dma_start3A] : memref<50000x128xf32, #tpu.memory_space<hbm>> -> memref<128x128xf32, #tpu.memory_space<hbm>>
        %dma_start3A_175 = arith.constant 0 : i32
        %dma_start3A_176 = tpu.memref_slice %arg2[%mul3A_173, %dma_start3A_175] : memref<50000x128xf32, #tpu.memory_space<hbm>> -> memref<128x128xf32, #tpu.memory_space<hbm>>
        tpu.enqueue_dma source(%dma_start3A_176 : memref<128x128xf32, #tpu.memory_space<hbm>>) target(%arg5 : memref<128x128xf32, #tpu.memory_space<vmem>>) target_semaphore(%run_scoped3A : memref<!tpu.dma_semaphore, #tpu.memory_space<semaphore_mem>>)
        %dma_wait3A = arith.constant 0 : i32
        %dma_wait3A_177 = tpu.memref_slice %arg2[%mul3A_173, %dma_wait3A] : memref<50000x128xf32, #tpu.memory_space<hbm>> -> memref<128x128xf32, #tpu.memory_space<hbm>>
        %dma_wait3A_178 = arith.constant 0 : i32
        %dma_wait3A_179 = tpu.memref_slice %arg2[%mul3A_173, %dma_wait3A_178] : memref<50000x128xf32, #tpu.memory_space<hbm>> -> memref<128x128xf32, #tpu.memory_space<hbm>>
        tpu.wait_dma2 semaphore(%run_scoped3A : memref<!tpu.dma_semaphore, #tpu.memory_space<semaphore_mem>>) src(%dma_wait3A_179 : memref<128x128xf32, #tpu.memory_space<hbm>>) dst(%arg5 : memref<128x128xf32, #tpu.memory_space<vmem>>)
        tpu.yield
      }) : () -> ()
      "tpu.region"() ({
        %run_scoped3A = tpu.sem_alloc : memref<!tpu.dma_semaphore, #tpu.memory_space<semaphore_mem>>
        %dma_start3A = arith.constant 0 : i32
        %dma_start3A_174 = arith.constant 0 : i32
        %dma_start3A_175 = tpu.memref_slice %arg8[%dma_start3A, %dma_start3A_174] : memref<264x128xf32, #tpu.memory_space<vmem_shared>> -> memref<264x128xf32, #tpu.memory_space<vmem_shared>>
        tpu.enqueue_indirect_dma source(%arg5 : memref<128x128xf32, #tpu.memory_space<vmem>>) target(%dma_start3A_175 : memref<264x128xf32, #tpu.memory_space<vmem_shared>>) offsets(%arg6 : memref<128xi32, #tpu.memory_space<vmem>>) semaphore(%run_scoped3A : memref<!tpu.dma_semaphore, #tpu.memory_space<semaphore_mem>>) {add = true}
        %dma_wait3A = arith.constant 0 : i32
        %dma_wait3A_176 = arith.constant 0 : i32
        %dma_wait3A_177 = tpu.memref_slice %arg8[%dma_wait3A, %dma_wait3A_176] : memref<264x128xf32, #tpu.memory_space<vmem_shared>> -> memref<264x128xf32, #tpu.memory_space<vmem_shared>>
        tpu.wait_indirect_dma semaphore(%run_scoped3A : memref<!tpu.dma_semaphore, #tpu.memory_space<semaphore_mem>>) src(%arg5 : memref<128x128xf32, #tpu.memory_space<vmem>>) dst(%dma_wait3A_177 : memref<264x128xf32, #tpu.memory_space<vmem_shared>>)
        tpu.yield
      }) : () -> ()
    } else {
    }
    %eq3A_29 = arith.constant 390 : i32
    %eq3A_30 = arith.cmpi eq, %add3A_23, %eq3A_29 : i32
    %convert_element_type3A_31 = arith.extui %eq3A_30 : i1 to i32
    %cond3A_32 = arith.constant 0 : i32
    %cond3A_33 = arith.cmpi ne, %convert_element_type3A_31, %cond3A_32 : i32
    scf.if %cond3A_33 {
      %broadcast_in_dim3A = arith.constant 256 : i32
      %broadcast_in_dim3A_172 = vector.broadcast %broadcast_in_dim3A : i32 to vector<16xi32>
      %swap3A = arith.constant 0 : index
      %swap3A_173 = tpu.vector_load %arg6[%swap3A] {strides = array<i32>} : memref<128xi32, #tpu.memory_space<vmem>>, vector<16xi32>,
      %swap3A_174 = vector.shape_cast %swap3A_173 : vector<16xi32> to vector<16xi32>
      %swap3A_175 = vector.shape_cast %broadcast_in_dim3A_172 : vector<16xi32> to vector<16xi32>
      tpu.vector_store %arg6[%swap3A], %swap3A_175 {strides = array<i32>} : memref<128xi32, #tpu.memory_space<vmem>>, vector<16xi32>,
      %broadcast_in_dim3A_176 = arith.constant 256 : i32
      %broadcast_in_dim3A_177 = vector.broadcast %broadcast_in_dim3A_176 : i32 to vector<16xi32>
      %swap3A_178 = arith.constant 16 : index
      %swap3A_179 = tpu.vector_load %arg6[%swap3A_178] {strides = array<i32>} : memref<128xi32, #tpu.memory_space<vmem>>, vector<16xi32>,
      %swap3A_180 = vector.shape_cast %swap3A_179 : vector<16xi32> to vector<16xi32>
      %swap3A_181 = vector.shape_cast %broadcast_in_dim3A_177 : vector<16xi32> to vector<16xi32>
      tpu.vector_store %arg6[%swap3A_178], %swap3A_181 {strides = array<i32>} : memref<128xi32, #tpu.memory_space<vmem>>, vector<16xi32>,
      %broadcast_in_dim3A_182 = arith.constant 256 : i32
      %broadcast_in_dim3A_183 = vector.broadcast %broadcast_in_dim3A_182 : i32 to vector<16xi32>
      %swap3A_184 = arith.constant 32 : index
      %swap3A_185 = tpu.vector_load %arg6[%swap3A_184] {strides = array<i32>} : memref<128xi32, #tpu.memory_space<vmem>>, vector<16xi32>,
      %swap3A_186 = vector.shape_cast %swap3A_185 : vector<16xi32> to vector<16xi32>
      %swap3A_187 = vector.shape_cast %broadcast_in_dim3A_183 : vector<16xi32> to vector<16xi32>
      tpu.vector_store %arg6[%swap3A_184], %swap3A_187 {strides = array<i32>} : memref<128xi32, #tpu.memory_space<vmem>>, vector<16xi32>,
      %broadcast_in_dim3A_188 = arith.constant 256 : i32
      %broadcast_in_dim3A_189 = vector.broadcast %broadcast_in_dim3A_188 : i32 to vector<16xi32>
      %swap3A_190 = arith.constant 48 : index
      %swap3A_191 = tpu.vector_load %arg6[%swap3A_190] {strides = array<i32>} : memref<128xi32, #tpu.memory_space<vmem>>, vector<16xi32>,
      %swap3A_192 = vector.shape_cast %swap3A_191 : vector<16xi32> to vector<16xi32>
      %swap3A_193 = vector.shape_cast %broadcast_in_dim3A_189 : vector<16xi32> to vector<16xi32>
      tpu.vector_store %arg6[%swap3A_190], %swap3A_193 {strides = array<i32>} : memref<128xi32, #tpu.memory_space<vmem>>, vector<16xi32>,
      %broadcast_in_dim3A_194 = arith.constant 256 : i32
      %broadcast_in_dim3A_195 = vector.broadcast %broadcast_in_dim3A_194 : i32 to vector<16xi32>
      %swap3A_196 = arith.constant 64 : index
      %swap3A_197 = tpu.vector_load %arg6[%swap3A_196] {strides = array<i32>} : memref<128xi32, #tpu.memory_space<vmem>>, vector<16xi32>,
      %swap3A_198 = vector.shape_cast %swap3A_197 : vector<16xi32> to vector<16xi32>
      %swap3A_199 = vector.shape_cast %broadcast_in_dim3A_195 : vector<16xi32> to vector<16xi32>
      tpu.vector_store %arg6[%swap3A_196], %swap3A_199 {strides = array<i32>} : memref<128xi32, #tpu.memory_space<vmem>>, vector<16xi32>,
      %broadcast_in_dim3A_200 = arith.constant 256 : i32
      %broadcast_in_dim3A_201 = vector.broadcast %broadcast_in_dim3A_200 : i32 to vector<16xi32>
      %swap3A_202 = arith.constant 80 : index
      %swap3A_203 = tpu.vector_load %arg6[%swap3A_202] {strides = array<i32>} : memref<128xi32, #tpu.memory_space<vmem>>, vector<16xi32>,
      %swap3A_204 = vector.shape_cast %swap3A_203 : vector<16xi32> to vector<16xi32>
      %swap3A_205 = vector.shape_cast %broadcast_in_dim3A_201 : vector<16xi32> to vector<16xi32>
      tpu.vector_store %arg6[%swap3A_202], %swap3A_205 {strides = array<i32>} : memref<128xi32, #tpu.memory_space<vmem>>, vector<16xi32>,
      %broadcast_in_dim3A_206 = arith.constant 256 : i32
      %broadcast_in_dim3A_207 = vector.broadcast %broadcast_in_dim3A_206 : i32 to vector<16xi32>
      %swap3A_208 = arith.constant 96 : index
      %swap3A_209 = tpu.vector_load %arg6[%swap3A_208] {strides = array<i32>} : memref<128xi32, #tpu.memory_space<vmem>>, vector<16xi32>,
      %swap3A_210 = vector.shape_cast %swap3A_209 : vector<16xi32> to vector<16xi32>
      %swap3A_211 = vector.shape_cast %broadcast_in_dim3A_207 : vector<16xi32> to vector<16xi32>
      tpu.vector_store %arg6[%swap3A_208], %swap3A_211 {strides = array<i32>} : memref<128xi32, #tpu.memory_space<vmem>>, vector<16xi32>,
      %broadcast_in_dim3A_212 = arith.constant 256 : i32
      %broadcast_in_dim3A_213 = vector.broadcast %broadcast_in_dim3A_212 : i32 to vector<16xi32>
      %swap3A_214 = arith.constant 112 : index
      %swap3A_215 = tpu.vector_load %arg6[%swap3A_214] {strides = array<i32>} : memref<128xi32, #tpu.memory_space<vmem>>, vector<16xi32>,
      %swap3A_216 = vector.shape_cast %swap3A_215 : vector<16xi32> to vector<16xi32>
      %swap3A_217 = vector.shape_cast %broadcast_in_dim3A_213 : vector<16xi32> to vector<16xi32>
      tpu.vector_store %arg6[%swap3A_214], %swap3A_217 {strides = array<i32>} : memref<128xi32, #tpu.memory_space<vmem>>, vector<16xi32>,
      "tpu.region"() ({
        %run_scoped3A = tpu.sem_alloc : memref<!tpu.dma_semaphore, #tpu.memory_space<semaphore_mem>>
        %dma_start3A = arith.constant 0 : i32
        %dma_start3A_218 = tpu.memref_slice %arg6[%dma_start3A] : memref<128xi32, #tpu.memory_space<vmem>> -> memref<80xi32, #tpu.memory_space<vmem>>
        %dma_start3A_219 = arith.constant 49920 : i32
        %dma_start3A_220 = tpu.memref_slice %arg3[%dma_start3A_219] : memref<50000xi32, #tpu.memory_space<hbm>> -> memref<80xi32, #tpu.memory_space<hbm>>
        %dma_start3A_221 = arith.constant 0 : i32
        %dma_start3A_222 = tpu.memref_slice %arg6[%dma_start3A_221] : memref<128xi32, #tpu.memory_space<vmem>> -> memref<80xi32, #tpu.memory_space<vmem>>
        %dma_start3A_223 = arith.constant 49920 : i32
        %dma_start3A_224 = tpu.memref_slice %arg3[%dma_start3A_223] : memref<50000xi32, #tpu.memory_space<hbm>> -> memref<80xi32, #tpu.memory_space<hbm>>
        tpu.enqueue_dma source(%dma_start3A_224 : memref<80xi32, #tpu.memory_space<hbm>>) target(%dma_start3A_222 : memref<80xi32, #tpu.memory_space<vmem>>) target_semaphore(%run_scoped3A : memref<!tpu.dma_semaphore, #tpu.memory_space<semaphore_mem>>)
        %dma_wait3A = arith.constant 0 : i32
        %dma_wait3A_225 = tpu.memref_slice %arg6[%dma_wait3A] : memref<128xi32, #tpu.memory_space<vmem>> -> memref<80xi32, #tpu.memory_space<vmem>>
        %dma_wait3A_226 = arith.constant 49920 : i32
        %dma_wait3A_227 = tpu.memref_slice %arg3[%dma_wait3A_226] : memref<50000xi32, #tpu.memory_space<hbm>> -> memref<80xi32, #tpu.memory_space<hbm>>
        %dma_wait3A_228 = arith.constant 0 : i32
        %dma_wait3A_229 = tpu.memref_slice %arg6[%dma_wait3A_228] : memref<128xi32, #tpu.memory_space<vmem>> -> memref<80xi32, #tpu.memory_space<vmem>>
        %dma_wait3A_230 = arith.constant 49920 : i32
        %dma_wait3A_231 = tpu.memref_slice %arg3[%dma_wait3A_230] : memref<50000xi32, #tpu.memory_space<hbm>> -> memref<80xi32, #tpu.memory_space<hbm>>
        tpu.wait_dma2 semaphore(%run_scoped3A : memref<!tpu.dma_semaphore, #tpu.memory_space<semaphore_mem>>) src(%dma_wait3A_231 : memref<80xi32, #tpu.memory_space<hbm>>) dst(%dma_wait3A_229 : memref<80xi32, #tpu.memory_space<vmem>>)
        tpu.yield
      }) : () -> ()
      "tpu.region"() ({
        %run_scoped3A = tpu.sem_alloc : memref<!tpu.dma_semaphore, #tpu.memory_space<semaphore_mem>>
        %dma_start3A = arith.constant 0 : i32
        %dma_start3A_218 = arith.constant 0 : i32
        %dma_start3A_219 = tpu.memref_slice %arg5[%dma_start3A, %dma_start3A_218] : memref<128x128xf32, #tpu.memory_space<vmem>> -> memref<80x128xf32, #tpu.memory_space<vmem>>
        %dma_start3A_220 = arith.constant 49920 : i32
        %dma_start3A_221 = arith.constant 0 : i32
        %dma_start3A_222 = tpu.memref_slice %arg2[%dma_start3A_220, %dma_start3A_221] : memref<50000x128xf32, #tpu.memory_space<hbm>> -> memref<80x128xf32, #tpu.memory_space<hbm>>
        %dma_start3A_223 = arith.constant 0 : i32
        %dma_start3A_224 = arith.constant 0 : i32
        %dma_start3A_225 = tpu.memref_slice %arg5[%dma_start3A_223, %dma_start3A_224] : memref<128x128xf32, #tpu.memory_space<vmem>> -> memref<80x128xf32, #tpu.memory_space<vmem>>
        %dma_start3A_226 = arith.constant 49920 : i32
        %dma_start3A_227 = arith.constant 0 : i32
        %dma_start3A_228 = tpu.memref_slice %arg2[%dma_start3A_226, %dma_start3A_227] : memref<50000x128xf32, #tpu.memory_space<hbm>> -> memref<80x128xf32, #tpu.memory_space<hbm>>
        tpu.enqueue_dma source(%dma_start3A_228 : memref<80x128xf32, #tpu.memory_space<hbm>>) target(%dma_start3A_225 : memref<80x128xf32, #tpu.memory_space<vmem>>) target_semaphore(%run_scoped3A : memref<!tpu.dma_semaphore, #tpu.memory_space<semaphore_mem>>)
        %dma_wait3A = arith.constant 0 : i32
        %dma_wait3A_229 = arith.constant 0 : i32
        %dma_wait3A_230 = tpu.memref_slice %arg5[%dma_wait3A, %dma_wait3A_229] : memref<128x128xf32, #tpu.memory_space<vmem>> -> memref<80x128xf32, #tpu.memory_space<vmem>>
        %dma_wait3A_231 = arith.constant 49920 : i32
        %dma_wait3A_232 = arith.constant 0 : i32
        %dma_wait3A_233 = tpu.memref_slice %arg2[%dma_wait3A_231, %dma_wait3A_232] : memref<50000x128xf32, #tpu.memory_space<hbm>> -> memref<80x128xf32, #tpu.memory_space<hbm>>
        %dma_wait3A_234 = arith.constant 0 : i32
        %dma_wait3A_235 = arith.constant 0 : i32
        %dma_wait3A_236 = tpu.memref_slice %arg5[%dma_wait3A_234, %dma_wait3A_235] : memref<128x128xf32, #tpu.memory_space<vmem>> -> memref<80x128xf32, #tpu.memory_space<vmem>>
        %dma_wait3A_237 = arith.constant 49920 : i32
        %dma_wait3A_238 = arith.constant 0 : i32
        %dma_wait3A_239 = tpu.memref_slice %arg2[%dma_wait3A_237, %dma_wait3A_238] : memref<50000x128xf32, #tpu.memory_space<hbm>> -> memref<80x128xf32, #tpu.memory_space<hbm>>
        tpu.wait_dma2 semaphore(%run_scoped3A : memref<!tpu.dma_semaphore, #tpu.memory_space<semaphore_mem>>) src(%dma_wait3A_239 : memref<80x128xf32, #tpu.memory_space<hbm>>) dst(%dma_wait3A_236 : memref<80x128xf32, #tpu.memory_space<vmem>>)
        tpu.yield
      }) : () -> ()
      "tpu.region"() ({
        %run_scoped3A = tpu.sem_alloc : memref<!tpu.dma_semaphore, #tpu.memory_space<semaphore_mem>>
        %dma_start3A = arith.constant 0 : i32
        %dma_start3A_218 = arith.constant 0 : i32
        %dma_start3A_219 = tpu.memref_slice %arg8[%dma_start3A, %dma_start3A_218] : memref<264x128xf32, #tpu.memory_space<vmem_shared>> -> memref<264x128xf32, #tpu.memory_space<vmem_shared>>
        tpu.enqueue_indirect_dma source(%arg5 : memref<128x128xf32, #tpu.memory_space<vmem>>) target(%dma_start3A_219 : memref<264x128xf32, #tpu.memory_space<vmem_shared>>) offsets(%arg6 : memref<128xi32, #tpu.memory_space<vmem>>) semaphore(%run_scoped3A : memref<!tpu.dma_semaphore, #tpu.memory_space<semaphore_mem>>) {add = true}
        %dma_wait3A = arith.constant 0 : i32
        %dma_wait3A_220 = arith.constant 0 : i32
        %dma_wait3A_221 = tpu.memref_slice %arg8[%dma_wait3A, %dma_wait3A_220] : memref<264x128xf32, #tpu.memory_space<vmem_shared>> -> memref<264x128xf32, #tpu.memory_space<vmem_shared>>
        tpu.wait_indirect_dma semaphore(%run_scoped3A : memref<!tpu.dma_semaphore, #tpu.memory_space<semaphore_mem>>) src(%arg5 : memref<128x128xf32, #tpu.memory_space<vmem>>) dst(%dma_wait3A_221 : memref<264x128xf32, #tpu.memory_space<vmem_shared>>)
        tpu.yield
      }) : () -> ()
    } else {
    }
    %add3A_34 = arith.constant 64 : i32
    %add3A_35 = arith.addi %add3A, %add3A_34 : i32
    %lt3A_36 = arith.constant 390 : i32
    %lt3A_37 = arith.cmpi slt, %add3A_35, %lt3A_36 : i32
    %convert_element_type3A_38 = arith.extui %lt3A_37 : i1 to i32
    %cond3A_39 = arith.constant 0 : i32
    %cond3A_40 = arith.cmpi ne, %convert_element_type3A_38, %cond3A_39 : i32
    scf.if %cond3A_40 {
      %mul3A_172 = arith.constant 128 : i32
      %mul3A_173 = arith.muli %add3A_35, %mul3A_172 : i32
      "tpu.region"() ({
        %run_scoped3A = tpu.sem_alloc : memref<!tpu.dma_semaphore, #tpu.memory_space<semaphore_mem>>
        %dma_start3A = tpu.memref_slice %arg3[%mul3A_173] : memref<50000xi32, #tpu.memory_space<hbm>> -> memref<128xi32, #tpu.memory_space<hbm>>
        %dma_start3A_174 = tpu.memref_slice %arg3[%mul3A_173] : memref<50000xi32, #tpu.memory_space<hbm>> -> memref<128xi32, #tpu.memory_space<hbm>>
        tpu.enqueue_dma source(%dma_start3A_174 : memref<128xi32, #tpu.memory_space<hbm>>) target(%arg6 : memref<128xi32, #tpu.memory_space<vmem>>) target_semaphore(%run_scoped3A : memref<!tpu.dma_semaphore, #tpu.memory_space<semaphore_mem>>)
        %dma_wait3A = tpu.memref_slice %arg3[%mul3A_173] : memref<50000xi32, #tpu.memory_space<hbm>> -> memref<128xi32, #tpu.memory_space<hbm>>
        %dma_wait3A_175 = tpu.memref_slice %arg3[%mul3A_173] : memref<50000xi32, #tpu.memory_space<hbm>> -> memref<128xi32, #tpu.memory_space<hbm>>
        tpu.wait_dma2 semaphore(%run_scoped3A : memref<!tpu.dma_semaphore, #tpu.memory_space<semaphore_mem>>) src(%dma_wait3A_175 : memref<128xi32, #tpu.memory_space<hbm>>) dst(%arg6 : memref<128xi32, #tpu.memory_space<vmem>>)
        tpu.yield
      }) : () -> ()
      "tpu.region"() ({
        %run_scoped3A = tpu.sem_alloc : memref<!tpu.dma_semaphore, #tpu.memory_space<semaphore_mem>>
        %dma_start3A = arith.constant 0 : i32
        %dma_start3A_174 = tpu.memref_slice %arg2[%mul3A_173, %dma_start3A] : memref<50000x128xf32, #tpu.memory_space<hbm>> -> memref<128x128xf32, #tpu.memory_space<hbm>>
        %dma_start3A_175 = arith.constant 0 : i32
        %dma_start3A_176 = tpu.memref_slice %arg2[%mul3A_173, %dma_start3A_175] : memref<50000x128xf32, #tpu.memory_space<hbm>> -> memref<128x128xf32, #tpu.memory_space<hbm>>
        tpu.enqueue_dma source(%dma_start3A_176 : memref<128x128xf32, #tpu.memory_space<hbm>>) target(%arg5 : memref<128x128xf32, #tpu.memory_space<vmem>>) target_semaphore(%run_scoped3A : memref<!tpu.dma_semaphore, #tpu.memory_space<semaphore_mem>>)
        %dma_wait3A = arith.constant 0 : i32
        %dma_wait3A_177 = tpu.memref_slice %arg2[%mul3A_173, %dma_wait3A] : memref<50000x128xf32, #tpu.memory_space<hbm>> -> memref<128x128xf32, #tpu.memory_space<hbm>>
        %dma_wait3A_178 = arith.constant 0 : i32
        %dma_wait3A_179 = tpu.memref_slice %arg2[%mul3A_173, %dma_wait3A_178] : memref<50000x128xf32, #tpu.memory_space<hbm>> -> memref<128x128xf32, #tpu.memory_space<hbm>>
        tpu.wait_dma2 semaphore(%run_scoped3A : memref<!tpu.dma_semaphore, #tpu.memory_space<semaphore_mem>>) src(%dma_wait3A_179 : memref<128x128xf32, #tpu.memory_space<hbm>>) dst(%arg5 : memref<128x128xf32, #tpu.memory_space<vmem>>)
        tpu.yield
      }) : () -> ()
      "tpu.region"() ({
        %run_scoped3A = tpu.sem_alloc : memref<!tpu.dma_semaphore, #tpu.memory_space<semaphore_mem>>
        %dma_start3A = arith.constant 0 : i32
        %dma_start3A_174 = arith.constant 0 : i32
        %dma_start3A_175 = tpu.memref_slice %arg8[%dma_start3A, %dma_start3A_174] : memref<264x128xf32, #tpu.memory_space<vmem_shared>> -> memref<264x128xf32, #tpu.memory_space<vmem_shared>>
        tpu.enqueue_indirect_dma source(%arg5 : memref<128x128xf32, #tpu.memory_space<vmem>>) target(%dma_start3A_175 : memref<264x128xf32, #tpu.memory_space<vmem_shared>>) offsets(%arg6 : memref<128xi32, #tpu.memory_space<vmem>>) semaphore(%run_scoped3A : memref<!tpu.dma_semaphore, #tpu.memory_space<semaphore_mem>>) {add = true}
        %dma_wait3A = arith.constant 0 : i32
        %dma_wait3A_176 = arith.constant 0 : i32
        %dma_wait3A_177 = tpu.memref_slice %arg8[%dma_wait3A, %dma_wait3A_176] : memref<264x128xf32, #tpu.memory_space<vmem_shared>> -> memref<264x128xf32, #tpu.memory_space<vmem_shared>>
        tpu.wait_indirect_dma semaphore(%run_scoped3A : memref<!tpu.dma_semaphore, #tpu.memory_space<semaphore_mem>>) src(%arg5 : memref<128x128xf32, #tpu.memory_space<vmem>>) dst(%dma_wait3A_177 : memref<264x128xf32, #tpu.memory_space<vmem_shared>>)
        tpu.yield
      }) : () -> ()
    } else {
    }
    %eq3A_41 = arith.constant 390 : i32
    %eq3A_42 = arith.cmpi eq, %add3A_35, %eq3A_41 : i32
    %convert_element_type3A_43 = arith.extui %eq3A_42 : i1 to i32
    %cond3A_44 = arith.constant 0 : i32
    %cond3A_45 = arith.cmpi ne, %convert_element_type3A_43, %cond3A_44 : i32
    scf.if %cond3A_45 {
      %broadcast_in_dim3A = arith.constant 256 : i32
      %broadcast_in_dim3A_172 = vector.broadcast %broadcast_in_dim3A : i32 to vector<16xi32>
      %swap3A = arith.constant 0 : index
      %swap3A_173 = tpu.vector_load %arg6[%swap3A] {strides = array<i32>} : memref<128xi32, #tpu.memory_space<vmem>>, vector<16xi32>,
      %swap3A_174 = vector.shape_cast %swap3A_173 : vector<16xi32> to vector<16xi32>
      %swap3A_175 = vector.shape_cast %broadcast_in_dim3A_172 : vector<16xi32> to vector<16xi32>
      tpu.vector_store %arg6[%swap3A], %swap3A_175 {strides = array<i32>} : memref<128xi32, #tpu.memory_space<vmem>>, vector<16xi32>,
      %broadcast_in_dim3A_176 = arith.constant 256 : i32
      %broadcast_in_dim3A_177 = vector.broadcast %broadcast_in_dim3A_176 : i32 to vector<16xi32>
      %swap3A_178 = arith.constant 16 : index
      %swap3A_179 = tpu.vector_load %arg6[%swap3A_178] {strides = array<i32>} : memref<128xi32, #tpu.memory_space<vmem>>, vector<16xi32>,
      %swap3A_180 = vector.shape_cast %swap3A_179 : vector<16xi32> to vector<16xi32>
      %swap3A_181 = vector.shape_cast %broadcast_in_dim3A_177 : vector<16xi32> to vector<16xi32>
      tpu.vector_store %arg6[%swap3A_178], %swap3A_181 {strides = array<i32>} : memref<128xi32, #tpu.memory_space<vmem>>, vector<16xi32>,
      %broadcast_in_dim3A_182 = arith.constant 256 : i32
      %broadcast_in_dim3A_183 = vector.broadcast %broadcast_in_dim3A_182 : i32 to vector<16xi32>
      %swap3A_184 = arith.constant 32 : index
      %swap3A_185 = tpu.vector_load %arg6[%swap3A_184] {strides = array<i32>} : memref<128xi32, #tpu.memory_space<vmem>>, vector<16xi32>,
      %swap3A_186 = vector.shape_cast %swap3A_185 : vector<16xi32> to vector<16xi32>
      %swap3A_187 = vector.shape_cast %broadcast_in_dim3A_183 : vector<16xi32> to vector<16xi32>
      tpu.vector_store %arg6[%swap3A_184], %swap3A_187 {strides = array<i32>} : memref<128xi32, #tpu.memory_space<vmem>>, vector<16xi32>,
      %broadcast_in_dim3A_188 = arith.constant 256 : i32
      %broadcast_in_dim3A_189 = vector.broadcast %broadcast_in_dim3A_188 : i32 to vector<16xi32>
      %swap3A_190 = arith.constant 48 : index
      %swap3A_191 = tpu.vector_load %arg6[%swap3A_190] {strides = array<i32>} : memref<128xi32, #tpu.memory_space<vmem>>, vector<16xi32>,
      %swap3A_192 = vector.shape_cast %swap3A_191 : vector<16xi32> to vector<16xi32>
      %swap3A_193 = vector.shape_cast %broadcast_in_dim3A_189 : vector<16xi32> to vector<16xi32>
      tpu.vector_store %arg6[%swap3A_190], %swap3A_193 {strides = array<i32>} : memref<128xi32, #tpu.memory_space<vmem>>, vector<16xi32>,
      %broadcast_in_dim3A_194 = arith.constant 256 : i32
      %broadcast_in_dim3A_195 = vector.broadcast %broadcast_in_dim3A_194 : i32 to vector<16xi32>
      %swap3A_196 = arith.constant 64 : index
      %swap3A_197 = tpu.vector_load %arg6[%swap3A_196] {strides = array<i32>} : memref<128xi32, #tpu.memory_space<vmem>>, vector<16xi32>,
      %swap3A_198 = vector.shape_cast %swap3A_197 : vector<16xi32> to vector<16xi32>
      %swap3A_199 = vector.shape_cast %broadcast_in_dim3A_195 : vector<16xi32> to vector<16xi32>
      tpu.vector_store %arg6[%swap3A_196], %swap3A_199 {strides = array<i32>} : memref<128xi32, #tpu.memory_space<vmem>>, vector<16xi32>,
      %broadcast_in_dim3A_200 = arith.constant 256 : i32
      %broadcast_in_dim3A_201 = vector.broadcast %broadcast_in_dim3A_200 : i32 to vector<16xi32>
      %swap3A_202 = arith.constant 80 : index
      %swap3A_203 = tpu.vector_load %arg6[%swap3A_202] {strides = array<i32>} : memref<128xi32, #tpu.memory_space<vmem>>, vector<16xi32>,
      %swap3A_204 = vector.shape_cast %swap3A_203 : vector<16xi32> to vector<16xi32>
      %swap3A_205 = vector.shape_cast %broadcast_in_dim3A_201 : vector<16xi32> to vector<16xi32>
      tpu.vector_store %arg6[%swap3A_202], %swap3A_205 {strides = array<i32>} : memref<128xi32, #tpu.memory_space<vmem>>, vector<16xi32>,
      %broadcast_in_dim3A_206 = arith.constant 256 : i32
      %broadcast_in_dim3A_207 = vector.broadcast %broadcast_in_dim3A_206 : i32 to vector<16xi32>
      %swap3A_208 = arith.constant 96 : index
      %swap3A_209 = tpu.vector_load %arg6[%swap3A_208] {strides = array<i32>} : memref<128xi32, #tpu.memory_space<vmem>>, vector<16xi32>,
      %swap3A_210 = vector.shape_cast %swap3A_209 : vector<16xi32> to vector<16xi32>
      %swap3A_211 = vector.shape_cast %broadcast_in_dim3A_207 : vector<16xi32> to vector<16xi32>
      tpu.vector_store %arg6[%swap3A_208], %swap3A_211 {strides = array<i32>} : memref<128xi32, #tpu.memory_space<vmem>>, vector<16xi32>,
      %broadcast_in_dim3A_212 = arith.constant 256 : i32
      %broadcast_in_dim3A_213 = vector.broadcast %broadcast_in_dim3A_212 : i32 to vector<16xi32>
      %swap3A_214 = arith.constant 112 : index
      %swap3A_215 = tpu.vector_load %arg6[%swap3A_214] {strides = array<i32>} : memref<128xi32, #tpu.memory_space<vmem>>, vector<16xi32>,
      %swap3A_216 = vector.shape_cast %swap3A_215 : vector<16xi32> to vector<16xi32>
      %swap3A_217 = vector.shape_cast %broadcast_in_dim3A_213 : vector<16xi32> to vector<16xi32>
      tpu.vector_store %arg6[%swap3A_214], %swap3A_217 {strides = array<i32>} : memref<128xi32, #tpu.memory_space<vmem>>, vector<16xi32>,
      "tpu.region"() ({
        %run_scoped3A = tpu.sem_alloc : memref<!tpu.dma_semaphore, #tpu.memory_space<semaphore_mem>>
        %dma_start3A = arith.constant 0 : i32
        %dma_start3A_218 = tpu.memref_slice %arg6[%dma_start3A] : memref<128xi32, #tpu.memory_space<vmem>> -> memref<80xi32, #tpu.memory_space<vmem>>
        %dma_start3A_219 = arith.constant 49920 : i32
        %dma_start3A_220 = tpu.memref_slice %arg3[%dma_start3A_219] : memref<50000xi32, #tpu.memory_space<hbm>> -> memref<80xi32, #tpu.memory_space<hbm>>
        %dma_start3A_221 = arith.constant 0 : i32
        %dma_start3A_222 = tpu.memref_slice %arg6[%dma_start3A_221] : memref<128xi32, #tpu.memory_space<vmem>> -> memref<80xi32, #tpu.memory_space<vmem>>
        %dma_start3A_223 = arith.constant 49920 : i32
        %dma_start3A_224 = tpu.memref_slice %arg3[%dma_start3A_223] : memref<50000xi32, #tpu.memory_space<hbm>> -> memref<80xi32, #tpu.memory_space<hbm>>
        tpu.enqueue_dma source(%dma_start3A_224 : memref<80xi32, #tpu.memory_space<hbm>>) target(%dma_start3A_222 : memref<80xi32, #tpu.memory_space<vmem>>) target_semaphore(%run_scoped3A : memref<!tpu.dma_semaphore, #tpu.memory_space<semaphore_mem>>)
        %dma_wait3A = arith.constant 0 : i32
        %dma_wait3A_225 = tpu.memref_slice %arg6[%dma_wait3A] : memref<128xi32, #tpu.memory_space<vmem>> -> memref<80xi32, #tpu.memory_space<vmem>>
        %dma_wait3A_226 = arith.constant 49920 : i32
        %dma_wait3A_227 = tpu.memref_slice %arg3[%dma_wait3A_226] : memref<50000xi32, #tpu.memory_space<hbm>> -> memref<80xi32, #tpu.memory_space<hbm>>
        %dma_wait3A_228 = arith.constant 0 : i32
        %dma_wait3A_229 = tpu.memref_slice %arg6[%dma_wait3A_228] : memref<128xi32, #tpu.memory_space<vmem>> -> memref<80xi32, #tpu.memory_space<vmem>>
        %dma_wait3A_230 = arith.constant 49920 : i32
        %dma_wait3A_231 = tpu.memref_slice %arg3[%dma_wait3A_230] : memref<50000xi32, #tpu.memory_space<hbm>> -> memref<80xi32, #tpu.memory_space<hbm>>
        tpu.wait_dma2 semaphore(%run_scoped3A : memref<!tpu.dma_semaphore, #tpu.memory_space<semaphore_mem>>) src(%dma_wait3A_231 : memref<80xi32, #tpu.memory_space<hbm>>) dst(%dma_wait3A_229 : memref<80xi32, #tpu.memory_space<vmem>>)
        tpu.yield
      }) : () -> ()
      "tpu.region"() ({
        %run_scoped3A = tpu.sem_alloc : memref<!tpu.dma_semaphore, #tpu.memory_space<semaphore_mem>>
        %dma_start3A = arith.constant 0 : i32
        %dma_start3A_218 = arith.constant 0 : i32
        %dma_start3A_219 = tpu.memref_slice %arg5[%dma_start3A, %dma_start3A_218] : memref<128x128xf32, #tpu.memory_space<vmem>> -> memref<80x128xf32, #tpu.memory_space<vmem>>
        %dma_start3A_220 = arith.constant 49920 : i32
        %dma_start3A_221 = arith.constant 0 : i32
        %dma_start3A_222 = tpu.memref_slice %arg2[%dma_start3A_220, %dma_start3A_221] : memref<50000x128xf32, #tpu.memory_space<hbm>> -> memref<80x128xf32, #tpu.memory_space<hbm>>
        %dma_start3A_223 = arith.constant 0 : i32
        %dma_start3A_224 = arith.constant 0 : i32
        %dma_start3A_225 = tpu.memref_slice %arg5[%dma_start3A_223, %dma_start3A_224] : memref<128x128xf32, #tpu.memory_space<vmem>> -> memref<80x128xf32, #tpu.memory_space<vmem>>
        %dma_start3A_226 = arith.constant 49920 : i32
        %dma_start3A_227 = arith.constant 0 : i32
        %dma_start3A_228 = tpu.memref_slice %arg2[%dma_start3A_226, %dma_start3A_227] : memref<50000x128xf32, #tpu.memory_space<hbm>> -> memref<80x128xf32, #tpu.memory_space<hbm>>
        tpu.enqueue_dma source(%dma_start3A_228 : memref<80x128xf32, #tpu.memory_space<hbm>>) target(%dma_start3A_225 : memref<80x128xf32, #tpu.memory_space<vmem>>) target_semaphore(%run_scoped3A : memref<!tpu.dma_semaphore, #tpu.memory_space<semaphore_mem>>)
        %dma_wait3A = arith.constant 0 : i32
        %dma_wait3A_229 = arith.constant 0 : i32
        %dma_wait3A_230 = tpu.memref_slice %arg5[%dma_wait3A, %dma_wait3A_229] : memref<128x128xf32, #tpu.memory_space<vmem>> -> memref<80x128xf32, #tpu.memory_space<vmem>>
        %dma_wait3A_231 = arith.constant 49920 : i32
        %dma_wait3A_232 = arith.constant 0 : i32
        %dma_wait3A_233 = tpu.memref_slice %arg2[%dma_wait3A_231, %dma_wait3A_232] : memref<50000x128xf32, #tpu.memory_space<hbm>> -> memref<80x128xf32, #tpu.memory_space<hbm>>
        %dma_wait3A_234 = arith.constant 0 : i32
        %dma_wait3A_235 = arith.constant 0 : i32
        %dma_wait3A_236 = tpu.memref_slice %arg5[%dma_wait3A_234, %dma_wait3A_235] : memref<128x128xf32, #tpu.memory_space<vmem>> -> memref<80x128xf32, #tpu.memory_space<vmem>>
        %dma_wait3A_237 = arith.constant 49920 : i32
        %dma_wait3A_238 = arith.constant 0 : i32
        %dma_wait3A_239 = tpu.memref_slice %arg2[%dma_wait3A_237, %dma_wait3A_238] : memref<50000x128xf32, #tpu.memory_space<hbm>> -> memref<80x128xf32, #tpu.memory_space<hbm>>
        tpu.wait_dma2 semaphore(%run_scoped3A : memref<!tpu.dma_semaphore, #tpu.memory_space<semaphore_mem>>) src(%dma_wait3A_239 : memref<80x128xf32, #tpu.memory_space<hbm>>) dst(%dma_wait3A_236 : memref<80x128xf32, #tpu.memory_space<vmem>>)
        tpu.yield
      }) : () -> ()
      "tpu.region"() ({
        %run_scoped3A = tpu.sem_alloc : memref<!tpu.dma_semaphore, #tpu.memory_space<semaphore_mem>>
        %dma_start3A = arith.constant 0 : i32
        %dma_start3A_218 = arith.constant 0 : i32
        %dma_start3A_219 = tpu.memref_slice %arg8[%dma_start3A, %dma_start3A_218] : memref<264x128xf32, #tpu.memory_space<vmem_shared>> -> memref<264x128xf32, #tpu.memory_space<vmem_shared>>
        tpu.enqueue_indirect_dma source(%arg5 : memref<128x128xf32, #tpu.memory_space<vmem>>) target(%dma_start3A_219 : memref<264x128xf32, #tpu.memory_space<vmem_shared>>) offsets(%arg6 : memref<128xi32, #tpu.memory_space<vmem>>) semaphore(%run_scoped3A : memref<!tpu.dma_semaphore, #tpu.memory_space<semaphore_mem>>) {add = true}
        %dma_wait3A = arith.constant 0 : i32
        %dma_wait3A_220 = arith.constant 0 : i32
        %dma_wait3A_221 = tpu.memref_slice %arg8[%dma_wait3A, %dma_wait3A_220] : memref<264x128xf32, #tpu.memory_space<vmem_shared>> -> memref<264x128xf32, #tpu.memory_space<vmem_shared>>
        tpu.wait_indirect_dma semaphore(%run_scoped3A : memref<!tpu.dma_semaphore, #tpu.memory_space<semaphore_mem>>) src(%arg5 : memref<128x128xf32, #tpu.memory_space<vmem>>) dst(%dma_wait3A_221 : memref<264x128xf32, #tpu.memory_space<vmem_shared>>)
        tpu.yield
      }) : () -> ()
    } else {
    }
    %add3A_46 = arith.constant 96 : i32
    %add3A_47 = arith.addi %add3A, %add3A_46 : i32
    %lt3A_48 = arith.constant 390 : i32
    %lt3A_49 = arith.cmpi slt, %add3A_47, %lt3A_48 : i32
    %convert_element_type3A_50 = arith.extui %lt3A_49 : i1 to i32
    %cond3A_51 = arith.constant 0 : i32
    %cond3A_52 = arith.cmpi ne, %convert_element_type3A_50, %cond3A_51 : i32
    scf.if %cond3A_52 {
      %mul3A_172 = arith.constant 128 : i32
      %mul3A_173 = arith.muli %add3A_47, %mul3A_172 : i32
      "tpu.region"() ({
        %run_scoped3A = tpu.sem_alloc : memref<!tpu.dma_semaphore, #tpu.memory_space<semaphore_mem>>
        %dma_start3A = tpu.memref_slice %arg3[%mul3A_173] : memref<50000xi32, #tpu.memory_space<hbm>> -> memref<128xi32, #tpu.memory_space<hbm>>
        %dma_start3A_174 = tpu.memref_slice %arg3[%mul3A_173] : memref<50000xi32, #tpu.memory_space<hbm>> -> memref<128xi32, #tpu.memory_space<hbm>>
        tpu.enqueue_dma source(%dma_start3A_174 : memref<128xi32, #tpu.memory_space<hbm>>) target(%arg6 : memref<128xi32, #tpu.memory_space<vmem>>) target_semaphore(%run_scoped3A : memref<!tpu.dma_semaphore, #tpu.memory_space<semaphore_mem>>)
        %dma_wait3A = tpu.memref_slice %arg3[%mul3A_173] : memref<50000xi32, #tpu.memory_space<hbm>> -> memref<128xi32, #tpu.memory_space<hbm>>
        %dma_wait3A_175 = tpu.memref_slice %arg3[%mul3A_173] : memref<50000xi32, #tpu.memory_space<hbm>> -> memref<128xi32, #tpu.memory_space<hbm>>
        tpu.wait_dma2 semaphore(%run_scoped3A : memref<!tpu.dma_semaphore, #tpu.memory_space<semaphore_mem>>) src(%dma_wait3A_175 : memref<128xi32, #tpu.memory_space<hbm>>) dst(%arg6 : memref<128xi32, #tpu.memory_space<vmem>>)
        tpu.yield
      }) : () -> ()
      "tpu.region"() ({
        %run_scoped3A = tpu.sem_alloc : memref<!tpu.dma_semaphore, #tpu.memory_space<semaphore_mem>>
        %dma_start3A = arith.constant 0 : i32
        %dma_start3A_174 = tpu.memref_slice %arg2[%mul3A_173, %dma_start3A] : memref<50000x128xf32, #tpu.memory_space<hbm>> -> memref<128x128xf32, #tpu.memory_space<hbm>>
        %dma_start3A_175 = arith.constant 0 : i32
        %dma_start3A_176 = tpu.memref_slice %arg2[%mul3A_173, %dma_start3A_175] : memref<50000x128xf32, #tpu.memory_space<hbm>> -> memref<128x128xf32, #tpu.memory_space<hbm>>
        tpu.enqueue_dma source(%dma_start3A_176 : memref<128x128xf32, #tpu.memory_space<hbm>>) target(%arg5 : memref<128x128xf32, #tpu.memory_space<vmem>>) target_semaphore(%run_scoped3A : memref<!tpu.dma_semaphore, #tpu.memory_space<semaphore_mem>>)
        %dma_wait3A = arith.constant 0 : i32
        %dma_wait3A_177 = tpu.memref_slice %arg2[%mul3A_173, %dma_wait3A] : memref<50000x128xf32, #tpu.memory_space<hbm>> -> memref<128x128xf32, #tpu.memory_space<hbm>>
        %dma_wait3A_178 = arith.constant 0 : i32
        %dma_wait3A_179 = tpu.memref_slice %arg2[%mul3A_173, %dma_wait3A_178] : memref<50000x128xf32, #tpu.memory_space<hbm>> -> memref<128x128xf32, #tpu.memory_space<hbm>>
        tpu.wait_dma2 semaphore(%run_scoped3A : memref<!tpu.dma_semaphore, #tpu.memory_space<semaphore_mem>>) src(%dma_wait3A_179 : memref<128x128xf32, #tpu.memory_space<hbm>>) dst(%arg5 : memref<128x128xf32, #tpu.memory_space<vmem>>)
        tpu.yield
      }) : () -> ()
      "tpu.region"() ({
        %run_scoped3A = tpu.sem_alloc : memref<!tpu.dma_semaphore, #tpu.memory_space<semaphore_mem>>
        %dma_start3A = arith.constant 0 : i32
        %dma_start3A_174 = arith.constant 0 : i32
        %dma_start3A_175 = tpu.memref_slice %arg8[%dma_start3A, %dma_start3A_174] : memref<264x128xf32, #tpu.memory_space<vmem_shared>> -> memref<264x128xf32, #tpu.memory_space<vmem_shared>>
        tpu.enqueue_indirect_dma source(%arg5 : memref<128x128xf32, #tpu.memory_space<vmem>>) target(%dma_start3A_175 : memref<264x128xf32, #tpu.memory_space<vmem_shared>>) offsets(%arg6 : memref<128xi32, #tpu.memory_space<vmem>>) semaphore(%run_scoped3A : memref<!tpu.dma_semaphore, #tpu.memory_space<semaphore_mem>>) {add = true}
        %dma_wait3A = arith.constant 0 : i32
        %dma_wait3A_176 = arith.constant 0 : i32
        %dma_wait3A_177 = tpu.memref_slice %arg8[%dma_wait3A, %dma_wait3A_176] : memref<264x128xf32, #tpu.memory_space<vmem_shared>> -> memref<264x128xf32, #tpu.memory_space<vmem_shared>>
        tpu.wait_indirect_dma semaphore(%run_scoped3A : memref<!tpu.dma_semaphore, #tpu.memory_space<semaphore_mem>>) src(%arg5 : memref<128x128xf32, #tpu.memory_space<vmem>>) dst(%dma_wait3A_177 : memref<264x128xf32, #tpu.memory_space<vmem_shared>>)
        tpu.yield
      }) : () -> ()
    } else {
    }
    %eq3A_53 = arith.constant 390 : i32
    %eq3A_54 = arith.cmpi eq, %add3A_47, %eq3A_53 : i32
    %convert_element_type3A_55 = arith.extui %eq3A_54 : i1 to i32
    %cond3A_56 = arith.constant 0 : i32
    %cond3A_57 = arith.cmpi ne, %convert_element_type3A_55, %cond3A_56 : i32
    scf.if %cond3A_57 {
      %broadcast_in_dim3A = arith.constant 256 : i32
      %broadcast_in_dim3A_172 = vector.broadcast %broadcast_in_dim3A : i32 to vector<16xi32>
      %swap3A = arith.constant 0 : index
      %swap3A_173 = tpu.vector_load %arg6[%swap3A] {strides = array<i32>} : memref<128xi32, #tpu.memory_space<vmem>>, vector<16xi32>,
      %swap3A_174 = vector.shape_cast %swap3A_173 : vector<16xi32> to vector<16xi32>
      %swap3A_175 = vector.shape_cast %broadcast_in_dim3A_172 : vector<16xi32> to vector<16xi32>
      tpu.vector_store %arg6[%swap3A], %swap3A_175 {strides = array<i32>} : memref<128xi32, #tpu.memory_space<vmem>>, vector<16xi32>,
      %broadcast_in_dim3A_176 = arith.constant 256 : i32
      %broadcast_in_dim3A_177 = vector.broadcast %broadcast_in_dim3A_176 : i32 to vector<16xi32>
      %swap3A_178 = arith.constant 16 : index
      %swap3A_179 = tpu.vector_load %arg6[%swap3A_178] {strides = array<i32>} : memref<128xi32, #tpu.memory_space<vmem>>, vector<16xi32>,
      %swap3A_180 = vector.shape_cast %swap3A_179 : vector<16xi32> to vector<16xi32>
      %swap3A_181 = vector.shape_cast %broadcast_in_dim3A_177 : vector<16xi32> to vector<16xi32>
      tpu.vector_store %arg6[%swap3A_178], %swap3A_181 {strides = array<i32>} : memref<128xi32, #tpu.memory_space<vmem>>, vector<16xi32>,
      %broadcast_in_dim3A_182 = arith.constant 256 : i32
      %broadcast_in_dim3A_183 = vector.broadcast %broadcast_in_dim3A_182 : i32 to vector<16xi32>
      %swap3A_184 = arith.constant 32 : index
      %swap3A_185 = tpu.vector_load %arg6[%swap3A_184] {strides = array<i32>} : memref<128xi32, #tpu.memory_space<vmem>>, vector<16xi32>,
      %swap3A_186 = vector.shape_cast %swap3A_185 : vector<16xi32> to vector<16xi32>
      %swap3A_187 = vector.shape_cast %broadcast_in_dim3A_183 : vector<16xi32> to vector<16xi32>
      tpu.vector_store %arg6[%swap3A_184], %swap3A_187 {strides = array<i32>} : memref<128xi32, #tpu.memory_space<vmem>>, vector<16xi32>,
      %broadcast_in_dim3A_188 = arith.constant 256 : i32
      %broadcast_in_dim3A_189 = vector.broadcast %broadcast_in_dim3A_188 : i32 to vector<16xi32>
      %swap3A_190 = arith.constant 48 : index
      %swap3A_191 = tpu.vector_load %arg6[%swap3A_190] {strides = array<i32>} : memref<128xi32, #tpu.memory_space<vmem>>, vector<16xi32>,
      %swap3A_192 = vector.shape_cast %swap3A_191 : vector<16xi32> to vector<16xi32>
      %swap3A_193 = vector.shape_cast %broadcast_in_dim3A_189 : vector<16xi32> to vector<16xi32>
      tpu.vector_store %arg6[%swap3A_190], %swap3A_193 {strides = array<i32>} : memref<128xi32, #tpu.memory_space<vmem>>, vector<16xi32>,
      %broadcast_in_dim3A_194 = arith.constant 256 : i32
      %broadcast_in_dim3A_195 = vector.broadcast %broadcast_in_dim3A_194 : i32 to vector<16xi32>
      %swap3A_196 = arith.constant 64 : index
      %swap3A_197 = tpu.vector_load %arg6[%swap3A_196] {strides = array<i32>} : memref<128xi32, #tpu.memory_space<vmem>>, vector<16xi32>,
      %swap3A_198 = vector.shape_cast %swap3A_197 : vector<16xi32> to vector<16xi32>
      %swap3A_199 = vector.shape_cast %broadcast_in_dim3A_195 : vector<16xi32> to vector<16xi32>
      tpu.vector_store %arg6[%swap3A_196], %swap3A_199 {strides = array<i32>} : memref<128xi32, #tpu.memory_space<vmem>>, vector<16xi32>,
      %broadcast_in_dim3A_200 = arith.constant 256 : i32
      %broadcast_in_dim3A_201 = vector.broadcast %broadcast_in_dim3A_200 : i32 to vector<16xi32>
      %swap3A_202 = arith.constant 80 : index
      %swap3A_203 = tpu.vector_load %arg6[%swap3A_202] {strides = array<i32>} : memref<128xi32, #tpu.memory_space<vmem>>, vector<16xi32>,
      %swap3A_204 = vector.shape_cast %swap3A_203 : vector<16xi32> to vector<16xi32>
      %swap3A_205 = vector.shape_cast %broadcast_in_dim3A_201 : vector<16xi32> to vector<16xi32>
      tpu.vector_store %arg6[%swap3A_202], %swap3A_205 {strides = array<i32>} : memref<128xi32, #tpu.memory_space<vmem>>, vector<16xi32>,
      %broadcast_in_dim3A_206 = arith.constant 256 : i32
      %broadcast_in_dim3A_207 = vector.broadcast %broadcast_in_dim3A_206 : i32 to vector<16xi32>
      %swap3A_208 = arith.constant 96 : index
      %swap3A_209 = tpu.vector_load %arg6[%swap3A_208] {strides = array<i32>} : memref<128xi32, #tpu.memory_space<vmem>>, vector<16xi32>,
      %swap3A_210 = vector.shape_cast %swap3A_209 : vector<16xi32> to vector<16xi32>
      %swap3A_211 = vector.shape_cast %broadcast_in_dim3A_207 : vector<16xi32> to vector<16xi32>
      tpu.vector_store %arg6[%swap3A_208], %swap3A_211 {strides = array<i32>} : memref<128xi32, #tpu.memory_space<vmem>>, vector<16xi32>,
      %broadcast_in_dim3A_212 = arith.constant 256 : i32
      %broadcast_in_dim3A_213 = vector.broadcast %broadcast_in_dim3A_212 : i32 to vector<16xi32>
      %swap3A_214 = arith.constant 112 : index
      %swap3A_215 = tpu.vector_load %arg6[%swap3A_214] {strides = array<i32>} : memref<128xi32, #tpu.memory_space<vmem>>, vector<16xi32>,
      %swap3A_216 = vector.shape_cast %swap3A_215 : vector<16xi32> to vector<16xi32>
      %swap3A_217 = vector.shape_cast %broadcast_in_dim3A_213 : vector<16xi32> to vector<16xi32>
      tpu.vector_store %arg6[%swap3A_214], %swap3A_217 {strides = array<i32>} : memref<128xi32, #tpu.memory_space<vmem>>, vector<16xi32>,
      "tpu.region"() ({
        %run_scoped3A = tpu.sem_alloc : memref<!tpu.dma_semaphore, #tpu.memory_space<semaphore_mem>>
        %dma_start3A = arith.constant 0 : i32
        %dma_start3A_218 = tpu.memref_slice %arg6[%dma_start3A] : memref<128xi32, #tpu.memory_space<vmem>> -> memref<80xi32, #tpu.memory_space<vmem>>
        %dma_start3A_219 = arith.constant 49920 : i32
        %dma_start3A_220 = tpu.memref_slice %arg3[%dma_start3A_219] : memref<50000xi32, #tpu.memory_space<hbm>> -> memref<80xi32, #tpu.memory_space<hbm>>
        %dma_start3A_221 = arith.constant 0 : i32
        %dma_start3A_222 = tpu.memref_slice %arg6[%dma_start3A_221] : memref<128xi32, #tpu.memory_space<vmem>> -> memref<80xi32, #tpu.memory_space<vmem>>
        %dma_start3A_223 = arith.constant 49920 : i32
        %dma_start3A_224 = tpu.memref_slice %arg3[%dma_start3A_223] : memref<50000xi32, #tpu.memory_space<hbm>> -> memref<80xi32, #tpu.memory_space<hbm>>
        tpu.enqueue_dma source(%dma_start3A_224 : memref<80xi32, #tpu.memory_space<hbm>>) target(%dma_start3A_222 : memref<80xi32, #tpu.memory_space<vmem>>) target_semaphore(%run_scoped3A : memref<!tpu.dma_semaphore, #tpu.memory_space<semaphore_mem>>)
        %dma_wait3A = arith.constant 0 : i32
        %dma_wait3A_225 = tpu.memref_slice %arg6[%dma_wait3A] : memref<128xi32, #tpu.memory_space<vmem>> -> memref<80xi32, #tpu.memory_space<vmem>>
        %dma_wait3A_226 = arith.constant 49920 : i32
        %dma_wait3A_227 = tpu.memref_slice %arg3[%dma_wait3A_226] : memref<50000xi32, #tpu.memory_space<hbm>> -> memref<80xi32, #tpu.memory_space<hbm>>
        %dma_wait3A_228 = arith.constant 0 : i32
        %dma_wait3A_229 = tpu.memref_slice %arg6[%dma_wait3A_228] : memref<128xi32, #tpu.memory_space<vmem>> -> memref<80xi32, #tpu.memory_space<vmem>>
        %dma_wait3A_230 = arith.constant 49920 : i32
        %dma_wait3A_231 = tpu.memref_slice %arg3[%dma_wait3A_230] : memref<50000xi32, #tpu.memory_space<hbm>> -> memref<80xi32, #tpu.memory_space<hbm>>
        tpu.wait_dma2 semaphore(%run_scoped3A : memref<!tpu.dma_semaphore, #tpu.memory_space<semaphore_mem>>) src(%dma_wait3A_231 : memref<80xi32, #tpu.memory_space<hbm>>) dst(%dma_wait3A_229 : memref<80xi32, #tpu.memory_space<vmem>>)
        tpu.yield
      }) : () -> ()
      "tpu.region"() ({
        %run_scoped3A = tpu.sem_alloc : memref<!tpu.dma_semaphore, #tpu.memory_space<semaphore_mem>>
        %dma_start3A = arith.constant 0 : i32
        %dma_start3A_218 = arith.constant 0 : i32
        %dma_start3A_219 = tpu.memref_slice %arg5[%dma_start3A, %dma_start3A_218] : memref<128x128xf32, #tpu.memory_space<vmem>> -> memref<80x128xf32, #tpu.memory_space<vmem>>
        %dma_start3A_220 = arith.constant 49920 : i32
        %dma_start3A_221 = arith.constant 0 : i32
        %dma_start3A_222 = tpu.memref_slice %arg2[%dma_start3A_220, %dma_start3A_221] : memref<50000x128xf32, #tpu.memory_space<hbm>> -> memref<80x128xf32, #tpu.memory_space<hbm>>
        %dma_start3A_223 = arith.constant 0 : i32
        %dma_start3A_224 = arith.constant 0 : i32
        %dma_start3A_225 = tpu.memref_slice %arg5[%dma_start3A_223, %dma_start3A_224] : memref<128x128xf32, #tpu.memory_space<vmem>> -> memref<80x128xf32, #tpu.memory_space<vmem>>
        %dma_start3A_226 = arith.constant 49920 : i32
        %dma_start3A_227 = arith.constant 0 : i32
        %dma_start3A_228 = tpu.memref_slice %arg2[%dma_start3A_226, %dma_start3A_227] : memref<50000x128xf32, #tpu.memory_space<hbm>> -> memref<80x128xf32, #tpu.memory_space<hbm>>
        tpu.enqueue_dma source(%dma_start3A_228 : memref<80x128xf32, #tpu.memory_space<hbm>>) target(%dma_start3A_225 : memref<80x128xf32, #tpu.memory_space<vmem>>) target_semaphore(%run_scoped3A : memref<!tpu.dma_semaphore, #tpu.memory_space<semaphore_mem>>)
        %dma_wait3A = arith.constant 0 : i32
        %dma_wait3A_229 = arith.constant 0 : i32
        %dma_wait3A_230 = tpu.memref_slice %arg5[%dma_wait3A, %dma_wait3A_229] : memref<128x128xf32, #tpu.memory_space<vmem>> -> memref<80x128xf32, #tpu.memory_space<vmem>>
        %dma_wait3A_231 = arith.constant 49920 : i32
        %dma_wait3A_232 = arith.constant 0 : i32
        %dma_wait3A_233 = tpu.memref_slice %arg2[%dma_wait3A_231, %dma_wait3A_232] : memref<50000x128xf32, #tpu.memory_space<hbm>> -> memref<80x128xf32, #tpu.memory_space<hbm>>
        %dma_wait3A_234 = arith.constant 0 : i32
        %dma_wait3A_235 = arith.constant 0 : i32
        %dma_wait3A_236 = tpu.memref_slice %arg5[%dma_wait3A_234, %dma_wait3A_235] : memref<128x128xf32, #tpu.memory_space<vmem>> -> memref<80x128xf32, #tpu.memory_space<vmem>>
        %dma_wait3A_237 = arith.constant 49920 : i32
        %dma_wait3A_238 = arith.constant 0 : i32
        %dma_wait3A_239 = tpu.memref_slice %arg2[%dma_wait3A_237, %dma_wait3A_238] : memref<50000x128xf32, #tpu.memory_space<hbm>> -> memref<80x128xf32, #tpu.memory_space<hbm>>
        tpu.wait_dma2 semaphore(%run_scoped3A : memref<!tpu.dma_semaphore, #tpu.memory_space<semaphore_mem>>) src(%dma_wait3A_239 : memref<80x128xf32, #tpu.memory_space<hbm>>) dst(%dma_wait3A_236 : memref<80x128xf32, #tpu.memory_space<vmem>>)
        tpu.yield
      }) : () -> ()
      "tpu.region"() ({
        %run_scoped3A = tpu.sem_alloc : memref<!tpu.dma_semaphore, #tpu.memory_space<semaphore_mem>>
        %dma_start3A = arith.constant 0 : i32
        %dma_start3A_218 = arith.constant 0 : i32
        %dma_start3A_219 = tpu.memref_slice %arg8[%dma_start3A, %dma_start3A_218] : memref<264x128xf32, #tpu.memory_space<vmem_shared>> -> memref<264x128xf32, #tpu.memory_space<vmem_shared>>
        tpu.enqueue_indirect_dma source(%arg5 : memref<128x128xf32, #tpu.memory_space<vmem>>) target(%dma_start3A_219 : memref<264x128xf32, #tpu.memory_space<vmem_shared>>) offsets(%arg6 : memref<128xi32, #tpu.memory_space<vmem>>) semaphore(%run_scoped3A : memref<!tpu.dma_semaphore, #tpu.memory_space<semaphore_mem>>) {add = true}
        %dma_wait3A = arith.constant 0 : i32
        %dma_wait3A_220 = arith.constant 0 : i32
        %dma_wait3A_221 = tpu.memref_slice %arg8[%dma_wait3A, %dma_wait3A_220] : memref<264x128xf32, #tpu.memory_space<vmem_shared>> -> memref<264x128xf32, #tpu.memory_space<vmem_shared>>
        tpu.wait_indirect_dma semaphore(%run_scoped3A : memref<!tpu.dma_semaphore, #tpu.memory_space<semaphore_mem>>) src(%arg5 : memref<128x128xf32, #tpu.memory_space<vmem>>) dst(%dma_wait3A_221 : memref<264x128xf32, #tpu.memory_space<vmem_shared>>)
        tpu.yield
      }) : () -> ()
    } else {
    }
    %add3A_58 = arith.constant 128 : i32
    %add3A_59 = arith.addi %add3A, %add3A_58 : i32
    %lt3A_60 = arith.constant 390 : i32
    %lt3A_61 = arith.cmpi slt, %add3A_59, %lt3A_60 : i32
    %convert_element_type3A_62 = arith.extui %lt3A_61 : i1 to i32
    %cond3A_63 = arith.constant 0 : i32
    %cond3A_64 = arith.cmpi ne, %convert_element_type3A_62, %cond3A_63 : i32
    scf.if %cond3A_64 {
      %mul3A_172 = arith.constant 128 : i32
      %mul3A_173 = arith.muli %add3A_59, %mul3A_172 : i32
      "tpu.region"() ({
        %run_scoped3A = tpu.sem_alloc : memref<!tpu.dma_semaphore, #tpu.memory_space<semaphore_mem>>
        %dma_start3A = tpu.memref_slice %arg3[%mul3A_173] : memref<50000xi32, #tpu.memory_space<hbm>> -> memref<128xi32, #tpu.memory_space<hbm>>
        %dma_start3A_174 = tpu.memref_slice %arg3[%mul3A_173] : memref<50000xi32, #tpu.memory_space<hbm>> -> memref<128xi32, #tpu.memory_space<hbm>>
        tpu.enqueue_dma source(%dma_start3A_174 : memref<128xi32, #tpu.memory_space<hbm>>) target(%arg6 : memref<128xi32, #tpu.memory_space<vmem>>) target_semaphore(%run_scoped3A : memref<!tpu.dma_semaphore, #tpu.memory_space<semaphore_mem>>)
        %dma_wait3A = tpu.memref_slice %arg3[%mul3A_173] : memref<50000xi32, #tpu.memory_space<hbm>> -> memref<128xi32, #tpu.memory_space<hbm>>
        %dma_wait3A_175 = tpu.memref_slice %arg3[%mul3A_173] : memref<50000xi32, #tpu.memory_space<hbm>> -> memref<128xi32, #tpu.memory_space<hbm>>
        tpu.wait_dma2 semaphore(%run_scoped3A : memref<!tpu.dma_semaphore, #tpu.memory_space<semaphore_mem>>) src(%dma_wait3A_175 : memref<128xi32, #tpu.memory_space<hbm>>) dst(%arg6 : memref<128xi32, #tpu.memory_space<vmem>>)
        tpu.yield
      }) : () -> ()
      "tpu.region"() ({
        %run_scoped3A = tpu.sem_alloc : memref<!tpu.dma_semaphore, #tpu.memory_space<semaphore_mem>>
        %dma_start3A = arith.constant 0 : i32
        %dma_start3A_174 = tpu.memref_slice %arg2[%mul3A_173, %dma_start3A] : memref<50000x128xf32, #tpu.memory_space<hbm>> -> memref<128x128xf32, #tpu.memory_space<hbm>>
        %dma_start3A_175 = arith.constant 0 : i32
        %dma_start3A_176 = tpu.memref_slice %arg2[%mul3A_173, %dma_start3A_175] : memref<50000x128xf32, #tpu.memory_space<hbm>> -> memref<128x128xf32, #tpu.memory_space<hbm>>
        tpu.enqueue_dma source(%dma_start3A_176 : memref<128x128xf32, #tpu.memory_space<hbm>>) target(%arg5 : memref<128x128xf32, #tpu.memory_space<vmem>>) target_semaphore(%run_scoped3A : memref<!tpu.dma_semaphore, #tpu.memory_space<semaphore_mem>>)
        %dma_wait3A = arith.constant 0 : i32
        %dma_wait3A_177 = tpu.memref_slice %arg2[%mul3A_173, %dma_wait3A] : memref<50000x128xf32, #tpu.memory_space<hbm>> -> memref<128x128xf32, #tpu.memory_space<hbm>>
        %dma_wait3A_178 = arith.constant 0 : i32
        %dma_wait3A_179 = tpu.memref_slice %arg2[%mul3A_173, %dma_wait3A_178] : memref<50000x128xf32, #tpu.memory_space<hbm>> -> memref<128x128xf32, #tpu.memory_space<hbm>>
        tpu.wait_dma2 semaphore(%run_scoped3A : memref<!tpu.dma_semaphore, #tpu.memory_space<semaphore_mem>>) src(%dma_wait3A_179 : memref<128x128xf32, #tpu.memory_space<hbm>>) dst(%arg5 : memref<128x128xf32, #tpu.memory_space<vmem>>)
        tpu.yield
      }) : () -> ()
      "tpu.region"() ({
        %run_scoped3A = tpu.sem_alloc : memref<!tpu.dma_semaphore, #tpu.memory_space<semaphore_mem>>
        %dma_start3A = arith.constant 0 : i32
        %dma_start3A_174 = arith.constant 0 : i32
        %dma_start3A_175 = tpu.memref_slice %arg8[%dma_start3A, %dma_start3A_174] : memref<264x128xf32, #tpu.memory_space<vmem_shared>> -> memref<264x128xf32, #tpu.memory_space<vmem_shared>>
        tpu.enqueue_indirect_dma source(%arg5 : memref<128x128xf32, #tpu.memory_space<vmem>>) target(%dma_start3A_175 : memref<264x128xf32, #tpu.memory_space<vmem_shared>>) offsets(%arg6 : memref<128xi32, #tpu.memory_space<vmem>>) semaphore(%run_scoped3A : memref<!tpu.dma_semaphore, #tpu.memory_space<semaphore_mem>>) {add = true}
        %dma_wait3A = arith.constant 0 : i32
        %dma_wait3A_176 = arith.constant 0 : i32
        %dma_wait3A_177 = tpu.memref_slice %arg8[%dma_wait3A, %dma_wait3A_176] : memref<264x128xf32, #tpu.memory_space<vmem_shared>> -> memref<264x128xf32, #tpu.memory_space<vmem_shared>>
        tpu.wait_indirect_dma semaphore(%run_scoped3A : memref<!tpu.dma_semaphore, #tpu.memory_space<semaphore_mem>>) src(%arg5 : memref<128x128xf32, #tpu.memory_space<vmem>>) dst(%dma_wait3A_177 : memref<264x128xf32, #tpu.memory_space<vmem_shared>>)
        tpu.yield
      }) : () -> ()
    } else {
    }
    %eq3A_65 = arith.constant 390 : i32
    %eq3A_66 = arith.cmpi eq, %add3A_59, %eq3A_65 : i32
    %convert_element_type3A_67 = arith.extui %eq3A_66 : i1 to i32
    %cond3A_68 = arith.constant 0 : i32
    %cond3A_69 = arith.cmpi ne, %convert_element_type3A_67, %cond3A_68 : i32
    scf.if %cond3A_69 {
      %broadcast_in_dim3A = arith.constant 256 : i32
      %broadcast_in_dim3A_172 = vector.broadcast %broadcast_in_dim3A : i32 to vector<16xi32>
      %swap3A = arith.constant 0 : index
      %swap3A_173 = tpu.vector_load %arg6[%swap3A] {strides = array<i32>} : memref<128xi32, #tpu.memory_space<vmem>>, vector<16xi32>,
      %swap3A_174 = vector.shape_cast %swap3A_173 : vector<16xi32> to vector<16xi32>
      %swap3A_175 = vector.shape_cast %broadcast_in_dim3A_172 : vector<16xi32> to vector<16xi32>
      tpu.vector_store %arg6[%swap3A], %swap3A_175 {strides = array<i32>} : memref<128xi32, #tpu.memory_space<vmem>>, vector<16xi32>,
      %broadcast_in_dim3A_176 = arith.constant 256 : i32
      %broadcast_in_dim3A_177 = vector.broadcast %broadcast_in_dim3A_176 : i32 to vector<16xi32>
      %swap3A_178 = arith.constant 16 : index
      %swap3A_179 = tpu.vector_load %arg6[%swap3A_178] {strides = array<i32>} : memref<128xi32, #tpu.memory_space<vmem>>, vector<16xi32>,
      %swap3A_180 = vector.shape_cast %swap3A_179 : vector<16xi32> to vector<16xi32>
      %swap3A_181 = vector.shape_cast %broadcast_in_dim3A_177 : vector<16xi32> to vector<16xi32>
      tpu.vector_store %arg6[%swap3A_178], %swap3A_181 {strides = array<i32>} : memref<128xi32, #tpu.memory_space<vmem>>, vector<16xi32>,
      %broadcast_in_dim3A_182 = arith.constant 256 : i32
      %broadcast_in_dim3A_183 = vector.broadcast %broadcast_in_dim3A_182 : i32 to vector<16xi32>
      %swap3A_184 = arith.constant 32 : index
      %swap3A_185 = tpu.vector_load %arg6[%swap3A_184] {strides = array<i32>} : memref<128xi32, #tpu.memory_space<vmem>>, vector<16xi32>,
      %swap3A_186 = vector.shape_cast %swap3A_185 : vector<16xi32> to vector<16xi32>
      %swap3A_187 = vector.shape_cast %broadcast_in_dim3A_183 : vector<16xi32> to vector<16xi32>
      tpu.vector_store %arg6[%swap3A_184], %swap3A_187 {strides = array<i32>} : memref<128xi32, #tpu.memory_space<vmem>>, vector<16xi32>,
      %broadcast_in_dim3A_188 = arith.constant 256 : i32
      %broadcast_in_dim3A_189 = vector.broadcast %broadcast_in_dim3A_188 : i32 to vector<16xi32>
      %swap3A_190 = arith.constant 48 : index
      %swap3A_191 = tpu.vector_load %arg6[%swap3A_190] {strides = array<i32>} : memref<128xi32, #tpu.memory_space<vmem>>, vector<16xi32>,
      %swap3A_192 = vector.shape_cast %swap3A_191 : vector<16xi32> to vector<16xi32>
      %swap3A_193 = vector.shape_cast %broadcast_in_dim3A_189 : vector<16xi32> to vector<16xi32>
      tpu.vector_store %arg6[%swap3A_190], %swap3A_193 {strides = array<i32>} : memref<128xi32, #tpu.memory_space<vmem>>, vector<16xi32>,
      %broadcast_in_dim3A_194 = arith.constant 256 : i32
      %broadcast_in_dim3A_195 = vector.broadcast %broadcast_in_dim3A_194 : i32 to vector<16xi32>
      %swap3A_196 = arith.constant 64 : index
      %swap3A_197 = tpu.vector_load %arg6[%swap3A_196] {strides = array<i32>} : memref<128xi32, #tpu.memory_space<vmem>>, vector<16xi32>,
      %swap3A_198 = vector.shape_cast %swap3A_197 : vector<16xi32> to vector<16xi32>
      %swap3A_199 = vector.shape_cast %broadcast_in_dim3A_195 : vector<16xi32> to vector<16xi32>
      tpu.vector_store %arg6[%swap3A_196], %swap3A_199 {strides = array<i32>} : memref<128xi32, #tpu.memory_space<vmem>>, vector<16xi32>,
      %broadcast_in_dim3A_200 = arith.constant 256 : i32
      %broadcast_in_dim3A_201 = vector.broadcast %broadcast_in_dim3A_200 : i32 to vector<16xi32>
      %swap3A_202 = arith.constant 80 : index
      %swap3A_203 = tpu.vector_load %arg6[%swap3A_202] {strides = array<i32>} : memref<128xi32, #tpu.memory_space<vmem>>, vector<16xi32>,
      %swap3A_204 = vector.shape_cast %swap3A_203 : vector<16xi32> to vector<16xi32>
      %swap3A_205 = vector.shape_cast %broadcast_in_dim3A_201 : vector<16xi32> to vector<16xi32>
      tpu.vector_store %arg6[%swap3A_202], %swap3A_205 {strides = array<i32>} : memref<128xi32, #tpu.memory_space<vmem>>, vector<16xi32>,
      %broadcast_in_dim3A_206 = arith.constant 256 : i32
      %broadcast_in_dim3A_207 = vector.broadcast %broadcast_in_dim3A_206 : i32 to vector<16xi32>
      %swap3A_208 = arith.constant 96 : index
      %swap3A_209 = tpu.vector_load %arg6[%swap3A_208] {strides = array<i32>} : memref<128xi32, #tpu.memory_space<vmem>>, vector<16xi32>,
      %swap3A_210 = vector.shape_cast %swap3A_209 : vector<16xi32> to vector<16xi32>
      %swap3A_211 = vector.shape_cast %broadcast_in_dim3A_207 : vector<16xi32> to vector<16xi32>
      tpu.vector_store %arg6[%swap3A_208], %swap3A_211 {strides = array<i32>} : memref<128xi32, #tpu.memory_space<vmem>>, vector<16xi32>,
      %broadcast_in_dim3A_212 = arith.constant 256 : i32
      %broadcast_in_dim3A_213 = vector.broadcast %broadcast_in_dim3A_212 : i32 to vector<16xi32>
      %swap3A_214 = arith.constant 112 : index
      %swap3A_215 = tpu.vector_load %arg6[%swap3A_214] {strides = array<i32>} : memref<128xi32, #tpu.memory_space<vmem>>, vector<16xi32>,
      %swap3A_216 = vector.shape_cast %swap3A_215 : vector<16xi32> to vector<16xi32>
      %swap3A_217 = vector.shape_cast %broadcast_in_dim3A_213 : vector<16xi32> to vector<16xi32>
      tpu.vector_store %arg6[%swap3A_214], %swap3A_217 {strides = array<i32>} : memref<128xi32, #tpu.memory_space<vmem>>, vector<16xi32>,
      "tpu.region"() ({
        %run_scoped3A = tpu.sem_alloc : memref<!tpu.dma_semaphore, #tpu.memory_space<semaphore_mem>>
        %dma_start3A = arith.constant 0 : i32
        %dma_start3A_218 = tpu.memref_slice %arg6[%dma_start3A] : memref<128xi32, #tpu.memory_space<vmem>> -> memref<80xi32, #tpu.memory_space<vmem>>
        %dma_start3A_219 = arith.constant 49920 : i32
        %dma_start3A_220 = tpu.memref_slice %arg3[%dma_start3A_219] : memref<50000xi32, #tpu.memory_space<hbm>> -> memref<80xi32, #tpu.memory_space<hbm>>
        %dma_start3A_221 = arith.constant 0 : i32
        %dma_start3A_222 = tpu.memref_slice %arg6[%dma_start3A_221] : memref<128xi32, #tpu.memory_space<vmem>> -> memref<80xi32, #tpu.memory_space<vmem>>
        %dma_start3A_223 = arith.constant 49920 : i32
        %dma_start3A_224 = tpu.memref_slice %arg3[%dma_start3A_223] : memref<50000xi32, #tpu.memory_space<hbm>> -> memref<80xi32, #tpu.memory_space<hbm>>
        tpu.enqueue_dma source(%dma_start3A_224 : memref<80xi32, #tpu.memory_space<hbm>>) target(%dma_start3A_222 : memref<80xi32, #tpu.memory_space<vmem>>) target_semaphore(%run_scoped3A : memref<!tpu.dma_semaphore, #tpu.memory_space<semaphore_mem>>)
        %dma_wait3A = arith.constant 0 : i32
        %dma_wait3A_225 = tpu.memref_slice %arg6[%dma_wait3A] : memref<128xi32, #tpu.memory_space<vmem>> -> memref<80xi32, #tpu.memory_space<vmem>>
        %dma_wait3A_226 = arith.constant 49920 : i32
        %dma_wait3A_227 = tpu.memref_slice %arg3[%dma_wait3A_226] : memref<50000xi32, #tpu.memory_space<hbm>> -> memref<80xi32, #tpu.memory_space<hbm>>
        %dma_wait3A_228 = arith.constant 0 : i32
        %dma_wait3A_229 = tpu.memref_slice %arg6[%dma_wait3A_228] : memref<128xi32, #tpu.memory_space<vmem>> -> memref<80xi32, #tpu.memory_space<vmem>>
        %dma_wait3A_230 = arith.constant 49920 : i32
        %dma_wait3A_231 = tpu.memref_slice %arg3[%dma_wait3A_230] : memref<50000xi32, #tpu.memory_space<hbm>> -> memref<80xi32, #tpu.memory_space<hbm>>
        tpu.wait_dma2 semaphore(%run_scoped3A : memref<!tpu.dma_semaphore, #tpu.memory_space<semaphore_mem>>) src(%dma_wait3A_231 : memref<80xi32, #tpu.memory_space<hbm>>) dst(%dma_wait3A_229 : memref<80xi32, #tpu.memory_space<vmem>>)
        tpu.yield
      }) : () -> ()
      "tpu.region"() ({
        %run_scoped3A = tpu.sem_alloc : memref<!tpu.dma_semaphore, #tpu.memory_space<semaphore_mem>>
        %dma_start3A = arith.constant 0 : i32
        %dma_start3A_218 = arith.constant 0 : i32
        %dma_start3A_219 = tpu.memref_slice %arg5[%dma_start3A, %dma_start3A_218] : memref<128x128xf32, #tpu.memory_space<vmem>> -> memref<80x128xf32, #tpu.memory_space<vmem>>
        %dma_start3A_220 = arith.constant 49920 : i32
        %dma_start3A_221 = arith.constant 0 : i32
        %dma_start3A_222 = tpu.memref_slice %arg2[%dma_start3A_220, %dma_start3A_221] : memref<50000x128xf32, #tpu.memory_space<hbm>> -> memref<80x128xf32, #tpu.memory_space<hbm>>
        %dma_start3A_223 = arith.constant 0 : i32
        %dma_start3A_224 = arith.constant 0 : i32
        %dma_start3A_225 = tpu.memref_slice %arg5[%dma_start3A_223, %dma_start3A_224] : memref<128x128xf32, #tpu.memory_space<vmem>> -> memref<80x128xf32, #tpu.memory_space<vmem>>
        %dma_start3A_226 = arith.constant 49920 : i32
        %dma_start3A_227 = arith.constant 0 : i32
        %dma_start3A_228 = tpu.memref_slice %arg2[%dma_start3A_226, %dma_start3A_227] : memref<50000x128xf32, #tpu.memory_space<hbm>> -> memref<80x128xf32, #tpu.memory_space<hbm>>
        tpu.enqueue_dma source(%dma_start3A_228 : memref<80x128xf32, #tpu.memory_space<hbm>>) target(%dma_start3A_225 : memref<80x128xf32, #tpu.memory_space<vmem>>) target_semaphore(%run_scoped3A : memref<!tpu.dma_semaphore, #tpu.memory_space<semaphore_mem>>)
        %dma_wait3A = arith.constant 0 : i32
        %dma_wait3A_229 = arith.constant 0 : i32
        %dma_wait3A_230 = tpu.memref_slice %arg5[%dma_wait3A, %dma_wait3A_229] : memref<128x128xf32, #tpu.memory_space<vmem>> -> memref<80x128xf32, #tpu.memory_space<vmem>>
        %dma_wait3A_231 = arith.constant 49920 : i32
        %dma_wait3A_232 = arith.constant 0 : i32
        %dma_wait3A_233 = tpu.memref_slice %arg2[%dma_wait3A_231, %dma_wait3A_232] : memref<50000x128xf32, #tpu.memory_space<hbm>> -> memref<80x128xf32, #tpu.memory_space<hbm>>
        %dma_wait3A_234 = arith.constant 0 : i32
        %dma_wait3A_235 = arith.constant 0 : i32
        %dma_wait3A_236 = tpu.memref_slice %arg5[%dma_wait3A_234, %dma_wait3A_235] : memref<128x128xf32, #tpu.memory_space<vmem>> -> memref<80x128xf32, #tpu.memory_space<vmem>>
        %dma_wait3A_237 = arith.constant 49920 : i32
        %dma_wait3A_238 = arith.constant 0 : i32
        %dma_wait3A_239 = tpu.memref_slice %arg2[%dma_wait3A_237, %dma_wait3A_238] : memref<50000x128xf32, #tpu.memory_space<hbm>> -> memref<80x128xf32, #tpu.memory_space<hbm>>
        tpu.wait_dma2 semaphore(%run_scoped3A : memref<!tpu.dma_semaphore, #tpu.memory_space<semaphore_mem>>) src(%dma_wait3A_239 : memref<80x128xf32, #tpu.memory_space<hbm>>) dst(%dma_wait3A_236 : memref<80x128xf32, #tpu.memory_space<vmem>>)
        tpu.yield
      }) : () -> ()
      "tpu.region"() ({
        %run_scoped3A = tpu.sem_alloc : memref<!tpu.dma_semaphore, #tpu.memory_space<semaphore_mem>>
        %dma_start3A = arith.constant 0 : i32
        %dma_start3A_218 = arith.constant 0 : i32
        %dma_start3A_219 = tpu.memref_slice %arg8[%dma_start3A, %dma_start3A_218] : memref<264x128xf32, #tpu.memory_space<vmem_shared>> -> memref<264x128xf32, #tpu.memory_space<vmem_shared>>
        tpu.enqueue_indirect_dma source(%arg5 : memref<128x128xf32, #tpu.memory_space<vmem>>) target(%dma_start3A_219 : memref<264x128xf32, #tpu.memory_space<vmem_shared>>) offsets(%arg6 : memref<128xi32, #tpu.memory_space<vmem>>) semaphore(%run_scoped3A : memref<!tpu.dma_semaphore, #tpu.memory_space<semaphore_mem>>) {add = true}
        %dma_wait3A = arith.constant 0 : i32
        %dma_wait3A_220 = arith.constant 0 : i32
        %dma_wait3A_221 = tpu.memref_slice %arg8[%dma_wait3A, %dma_wait3A_220] : memref<264x128xf32, #tpu.memory_space<vmem_shared>> -> memref<264x128xf32, #tpu.memory_space<vmem_shared>>
        tpu.wait_indirect_dma semaphore(%run_scoped3A : memref<!tpu.dma_semaphore, #tpu.memory_space<semaphore_mem>>) src(%arg5 : memref<128x128xf32, #tpu.memory_space<vmem>>) dst(%dma_wait3A_221 : memref<264x128xf32, #tpu.memory_space<vmem_shared>>)
        tpu.yield
      }) : () -> ()
    } else {
    }
    %add3A_70 = arith.constant 160 : i32
    %add3A_71 = arith.addi %add3A, %add3A_70 : i32
    %lt3A_72 = arith.constant 390 : i32
    %lt3A_73 = arith.cmpi slt, %add3A_71, %lt3A_72 : i32
    %convert_element_type3A_74 = arith.extui %lt3A_73 : i1 to i32
    %cond3A_75 = arith.constant 0 : i32
    %cond3A_76 = arith.cmpi ne, %convert_element_type3A_74, %cond3A_75 : i32
    scf.if %cond3A_76 {
      %mul3A_172 = arith.constant 128 : i32
      %mul3A_173 = arith.muli %add3A_71, %mul3A_172 : i32
      "tpu.region"() ({
        %run_scoped3A = tpu.sem_alloc : memref<!tpu.dma_semaphore, #tpu.memory_space<semaphore_mem>>
        %dma_start3A = tpu.memref_slice %arg3[%mul3A_173] : memref<50000xi32, #tpu.memory_space<hbm>> -> memref<128xi32, #tpu.memory_space<hbm>>
        %dma_start3A_174 = tpu.memref_slice %arg3[%mul3A_173] : memref<50000xi32, #tpu.memory_space<hbm>> -> memref<128xi32, #tpu.memory_space<hbm>>
        tpu.enqueue_dma source(%dma_start3A_174 : memref<128xi32, #tpu.memory_space<hbm>>) target(%arg6 : memref<128xi32, #tpu.memory_space<vmem>>) target_semaphore(%run_scoped3A : memref<!tpu.dma_semaphore, #tpu.memory_space<semaphore_mem>>)
        %dma_wait3A = tpu.memref_slice %arg3[%mul3A_173] : memref<50000xi32, #tpu.memory_space<hbm>> -> memref<128xi32, #tpu.memory_space<hbm>>
        %dma_wait3A_175 = tpu.memref_slice %arg3[%mul3A_173] : memref<50000xi32, #tpu.memory_space<hbm>> -> memref<128xi32, #tpu.memory_space<hbm>>
        tpu.wait_dma2 semaphore(%run_scoped3A : memref<!tpu.dma_semaphore, #tpu.memory_space<semaphore_mem>>) src(%dma_wait3A_175 : memref<128xi32, #tpu.memory_space<hbm>>) dst(%arg6 : memref<128xi32, #tpu.memory_space<vmem>>)
        tpu.yield
      }) : () -> ()
      "tpu.region"() ({
        %run_scoped3A = tpu.sem_alloc : memref<!tpu.dma_semaphore, #tpu.memory_space<semaphore_mem>>
        %dma_start3A = arith.constant 0 : i32
        %dma_start3A_174 = tpu.memref_slice %arg2[%mul3A_173, %dma_start3A] : memref<50000x128xf32, #tpu.memory_space<hbm>> -> memref<128x128xf32, #tpu.memory_space<hbm>>
        %dma_start3A_175 = arith.constant 0 : i32
        %dma_start3A_176 = tpu.memref_slice %arg2[%mul3A_173, %dma_start3A_175] : memref<50000x128xf32, #tpu.memory_space<hbm>> -> memref<128x128xf32, #tpu.memory_space<hbm>>
        tpu.enqueue_dma source(%dma_start3A_176 : memref<128x128xf32, #tpu.memory_space<hbm>>) target(%arg5 : memref<128x128xf32, #tpu.memory_space<vmem>>) target_semaphore(%run_scoped3A : memref<!tpu.dma_semaphore, #tpu.memory_space<semaphore_mem>>)
        %dma_wait3A = arith.constant 0 : i32
        %dma_wait3A_177 = tpu.memref_slice %arg2[%mul3A_173, %dma_wait3A] : memref<50000x128xf32, #tpu.memory_space<hbm>> -> memref<128x128xf32, #tpu.memory_space<hbm>>
        %dma_wait3A_178 = arith.constant 0 : i32
        %dma_wait3A_179 = tpu.memref_slice %arg2[%mul3A_173, %dma_wait3A_178] : memref<50000x128xf32, #tpu.memory_space<hbm>> -> memref<128x128xf32, #tpu.memory_space<hbm>>
        tpu.wait_dma2 semaphore(%run_scoped3A : memref<!tpu.dma_semaphore, #tpu.memory_space<semaphore_mem>>) src(%dma_wait3A_179 : memref<128x128xf32, #tpu.memory_space<hbm>>) dst(%arg5 : memref<128x128xf32, #tpu.memory_space<vmem>>)
        tpu.yield
      }) : () -> ()
      "tpu.region"() ({
        %run_scoped3A = tpu.sem_alloc : memref<!tpu.dma_semaphore, #tpu.memory_space<semaphore_mem>>
        %dma_start3A = arith.constant 0 : i32
        %dma_start3A_174 = arith.constant 0 : i32
        %dma_start3A_175 = tpu.memref_slice %arg8[%dma_start3A, %dma_start3A_174] : memref<264x128xf32, #tpu.memory_space<vmem_shared>> -> memref<264x128xf32, #tpu.memory_space<vmem_shared>>
        tpu.enqueue_indirect_dma source(%arg5 : memref<128x128xf32, #tpu.memory_space<vmem>>) target(%dma_start3A_175 : memref<264x128xf32, #tpu.memory_space<vmem_shared>>) offsets(%arg6 : memref<128xi32, #tpu.memory_space<vmem>>) semaphore(%run_scoped3A : memref<!tpu.dma_semaphore, #tpu.memory_space<semaphore_mem>>) {add = true}
        %dma_wait3A = arith.constant 0 : i32
        %dma_wait3A_176 = arith.constant 0 : i32
        %dma_wait3A_177 = tpu.memref_slice %arg8[%dma_wait3A, %dma_wait3A_176] : memref<264x128xf32, #tpu.memory_space<vmem_shared>> -> memref<264x128xf32, #tpu.memory_space<vmem_shared>>
        tpu.wait_indirect_dma semaphore(%run_scoped3A : memref<!tpu.dma_semaphore, #tpu.memory_space<semaphore_mem>>) src(%arg5 : memref<128x128xf32, #tpu.memory_space<vmem>>) dst(%dma_wait3A_177 : memref<264x128xf32, #tpu.memory_space<vmem_shared>>)
        tpu.yield
      }) : () -> ()
    } else {
    }
    %eq3A_77 = arith.constant 390 : i32
    %eq3A_78 = arith.cmpi eq, %add3A_71, %eq3A_77 : i32
    %convert_element_type3A_79 = arith.extui %eq3A_78 : i1 to i32
    %cond3A_80 = arith.constant 0 : i32
    %cond3A_81 = arith.cmpi ne, %convert_element_type3A_79, %cond3A_80 : i32
    scf.if %cond3A_81 {
      %broadcast_in_dim3A = arith.constant 256 : i32
      %broadcast_in_dim3A_172 = vector.broadcast %broadcast_in_dim3A : i32 to vector<16xi32>
      %swap3A = arith.constant 0 : index
      %swap3A_173 = tpu.vector_load %arg6[%swap3A] {strides = array<i32>} : memref<128xi32, #tpu.memory_space<vmem>>, vector<16xi32>,
      %swap3A_174 = vector.shape_cast %swap3A_173 : vector<16xi32> to vector<16xi32>
      %swap3A_175 = vector.shape_cast %broadcast_in_dim3A_172 : vector<16xi32> to vector<16xi32>
      tpu.vector_store %arg6[%swap3A], %swap3A_175 {strides = array<i32>} : memref<128xi32, #tpu.memory_space<vmem>>, vector<16xi32>,
      %broadcast_in_dim3A_176 = arith.constant 256 : i32
      %broadcast_in_dim3A_177 = vector.broadcast %broadcast_in_dim3A_176 : i32 to vector<16xi32>
      %swap3A_178 = arith.constant 16 : index
      %swap3A_179 = tpu.vector_load %arg6[%swap3A_178] {strides = array<i32>} : memref<128xi32, #tpu.memory_space<vmem>>, vector<16xi32>,
      %swap3A_180 = vector.shape_cast %swap3A_179 : vector<16xi32> to vector<16xi32>
      %swap3A_181 = vector.shape_cast %broadcast_in_dim3A_177 : vector<16xi32> to vector<16xi32>
      tpu.vector_store %arg6[%swap3A_178], %swap3A_181 {strides = array<i32>} : memref<128xi32, #tpu.memory_space<vmem>>, vector<16xi32>,
      %broadcast_in_dim3A_182 = arith.constant 256 : i32
      %broadcast_in_dim3A_183 = vector.broadcast %broadcast_in_dim3A_182 : i32 to vector<16xi32>
      %swap3A_184 = arith.constant 32 : index
      %swap3A_185 = tpu.vector_load %arg6[%swap3A_184] {strides = array<i32>} : memref<128xi32, #tpu.memory_space<vmem>>, vector<16xi32>,
      %swap3A_186 = vector.shape_cast %swap3A_185 : vector<16xi32> to vector<16xi32>
      %swap3A_187 = vector.shape_cast %broadcast_in_dim3A_183 : vector<16xi32> to vector<16xi32>
      tpu.vector_store %arg6[%swap3A_184], %swap3A_187 {strides = array<i32>} : memref<128xi32, #tpu.memory_space<vmem>>, vector<16xi32>,
      %broadcast_in_dim3A_188 = arith.constant 256 : i32
      %broadcast_in_dim3A_189 = vector.broadcast %broadcast_in_dim3A_188 : i32 to vector<16xi32>
      %swap3A_190 = arith.constant 48 : index
      %swap3A_191 = tpu.vector_load %arg6[%swap3A_190] {strides = array<i32>} : memref<128xi32, #tpu.memory_space<vmem>>, vector<16xi32>,
      %swap3A_192 = vector.shape_cast %swap3A_191 : vector<16xi32> to vector<16xi32>
      %swap3A_193 = vector.shape_cast %broadcast_in_dim3A_189 : vector<16xi32> to vector<16xi32>
      tpu.vector_store %arg6[%swap3A_190], %swap3A_193 {strides = array<i32>} : memref<128xi32, #tpu.memory_space<vmem>>, vector<16xi32>,
      %broadcast_in_dim3A_194 = arith.constant 256 : i32
      %broadcast_in_dim3A_195 = vector.broadcast %broadcast_in_dim3A_194 : i32 to vector<16xi32>
      %swap3A_196 = arith.constant 64 : index
      %swap3A_197 = tpu.vector_load %arg6[%swap3A_196] {strides = array<i32>} : memref<128xi32, #tpu.memory_space<vmem>>, vector<16xi32>,
      %swap3A_198 = vector.shape_cast %swap3A_197 : vector<16xi32> to vector<16xi32>
      %swap3A_199 = vector.shape_cast %broadcast_in_dim3A_195 : vector<16xi32> to vector<16xi32>
      tpu.vector_store %arg6[%swap3A_196], %swap3A_199 {strides = array<i32>} : memref<128xi32, #tpu.memory_space<vmem>>, vector<16xi32>,
      %broadcast_in_dim3A_200 = arith.constant 256 : i32
      %broadcast_in_dim3A_201 = vector.broadcast %broadcast_in_dim3A_200 : i32 to vector<16xi32>
      %swap3A_202 = arith.constant 80 : index
      %swap3A_203 = tpu.vector_load %arg6[%swap3A_202] {strides = array<i32>} : memref<128xi32, #tpu.memory_space<vmem>>, vector<16xi32>,
      %swap3A_204 = vector.shape_cast %swap3A_203 : vector<16xi32> to vector<16xi32>
      %swap3A_205 = vector.shape_cast %broadcast_in_dim3A_201 : vector<16xi32> to vector<16xi32>
      tpu.vector_store %arg6[%swap3A_202], %swap3A_205 {strides = array<i32>} : memref<128xi32, #tpu.memory_space<vmem>>, vector<16xi32>,
      %broadcast_in_dim3A_206 = arith.constant 256 : i32
      %broadcast_in_dim3A_207 = vector.broadcast %broadcast_in_dim3A_206 : i32 to vector<16xi32>
      %swap3A_208 = arith.constant 96 : index
      %swap3A_209 = tpu.vector_load %arg6[%swap3A_208] {strides = array<i32>} : memref<128xi32, #tpu.memory_space<vmem>>, vector<16xi32>,
      %swap3A_210 = vector.shape_cast %swap3A_209 : vector<16xi32> to vector<16xi32>
      %swap3A_211 = vector.shape_cast %broadcast_in_dim3A_207 : vector<16xi32> to vector<16xi32>
      tpu.vector_store %arg6[%swap3A_208], %swap3A_211 {strides = array<i32>} : memref<128xi32, #tpu.memory_space<vmem>>, vector<16xi32>,
      %broadcast_in_dim3A_212 = arith.constant 256 : i32
      %broadcast_in_dim3A_213 = vector.broadcast %broadcast_in_dim3A_212 : i32 to vector<16xi32>
      %swap3A_214 = arith.constant 112 : index
      %swap3A_215 = tpu.vector_load %arg6[%swap3A_214] {strides = array<i32>} : memref<128xi32, #tpu.memory_space<vmem>>, vector<16xi32>,
      %swap3A_216 = vector.shape_cast %swap3A_215 : vector<16xi32> to vector<16xi32>
      %swap3A_217 = vector.shape_cast %broadcast_in_dim3A_213 : vector<16xi32> to vector<16xi32>
      tpu.vector_store %arg6[%swap3A_214], %swap3A_217 {strides = array<i32>} : memref<128xi32, #tpu.memory_space<vmem>>, vector<16xi32>,
      "tpu.region"() ({
        %run_scoped3A = tpu.sem_alloc : memref<!tpu.dma_semaphore, #tpu.memory_space<semaphore_mem>>
        %dma_start3A = arith.constant 0 : i32
        %dma_start3A_218 = tpu.memref_slice %arg6[%dma_start3A] : memref<128xi32, #tpu.memory_space<vmem>> -> memref<80xi32, #tpu.memory_space<vmem>>
        %dma_start3A_219 = arith.constant 49920 : i32
        %dma_start3A_220 = tpu.memref_slice %arg3[%dma_start3A_219] : memref<50000xi32, #tpu.memory_space<hbm>> -> memref<80xi32, #tpu.memory_space<hbm>>
        %dma_start3A_221 = arith.constant 0 : i32
        %dma_start3A_222 = tpu.memref_slice %arg6[%dma_start3A_221] : memref<128xi32, #tpu.memory_space<vmem>> -> memref<80xi32, #tpu.memory_space<vmem>>
        %dma_start3A_223 = arith.constant 49920 : i32
        %dma_start3A_224 = tpu.memref_slice %arg3[%dma_start3A_223] : memref<50000xi32, #tpu.memory_space<hbm>> -> memref<80xi32, #tpu.memory_space<hbm>>
        tpu.enqueue_dma source(%dma_start3A_224 : memref<80xi32, #tpu.memory_space<hbm>>) target(%dma_start3A_222 : memref<80xi32, #tpu.memory_space<vmem>>) target_semaphore(%run_scoped3A : memref<!tpu.dma_semaphore, #tpu.memory_space<semaphore_mem>>)
        %dma_wait3A = arith.constant 0 : i32
        %dma_wait3A_225 = tpu.memref_slice %arg6[%dma_wait3A] : memref<128xi32, #tpu.memory_space<vmem>> -> memref<80xi32, #tpu.memory_space<vmem>>
        %dma_wait3A_226 = arith.constant 49920 : i32
        %dma_wait3A_227 = tpu.memref_slice %arg3[%dma_wait3A_226] : memref<50000xi32, #tpu.memory_space<hbm>> -> memref<80xi32, #tpu.memory_space<hbm>>
        %dma_wait3A_228 = arith.constant 0 : i32
        %dma_wait3A_229 = tpu.memref_slice %arg6[%dma_wait3A_228] : memref<128xi32, #tpu.memory_space<vmem>> -> memref<80xi32, #tpu.memory_space<vmem>>
        %dma_wait3A_230 = arith.constant 49920 : i32
        %dma_wait3A_231 = tpu.memref_slice %arg3[%dma_wait3A_230] : memref<50000xi32, #tpu.memory_space<hbm>> -> memref<80xi32, #tpu.memory_space<hbm>>
        tpu.wait_dma2 semaphore(%run_scoped3A : memref<!tpu.dma_semaphore, #tpu.memory_space<semaphore_mem>>) src(%dma_wait3A_231 : memref<80xi32, #tpu.memory_space<hbm>>) dst(%dma_wait3A_229 : memref<80xi32, #tpu.memory_space<vmem>>)
        tpu.yield
      }) : () -> ()
      "tpu.region"() ({
        %run_scoped3A = tpu.sem_alloc : memref<!tpu.dma_semaphore, #tpu.memory_space<semaphore_mem>>
        %dma_start3A = arith.constant 0 : i32
        %dma_start3A_218 = arith.constant 0 : i32
        %dma_start3A_219 = tpu.memref_slice %arg5[%dma_start3A, %dma_start3A_218] : memref<128x128xf32, #tpu.memory_space<vmem>> -> memref<80x128xf32, #tpu.memory_space<vmem>>
        %dma_start3A_220 = arith.constant 49920 : i32
        %dma_start3A_221 = arith.constant 0 : i32
        %dma_start3A_222 = tpu.memref_slice %arg2[%dma_start3A_220, %dma_start3A_221] : memref<50000x128xf32, #tpu.memory_space<hbm>> -> memref<80x128xf32, #tpu.memory_space<hbm>>
        %dma_start3A_223 = arith.constant 0 : i32
        %dma_start3A_224 = arith.constant 0 : i32
        %dma_start3A_225 = tpu.memref_slice %arg5[%dma_start3A_223, %dma_start3A_224] : memref<128x128xf32, #tpu.memory_space<vmem>> -> memref<80x128xf32, #tpu.memory_space<vmem>>
        %dma_start3A_226 = arith.constant 49920 : i32
        %dma_start3A_227 = arith.constant 0 : i32
        %dma_start3A_228 = tpu.memref_slice %arg2[%dma_start3A_226, %dma_start3A_227] : memref<50000x128xf32, #tpu.memory_space<hbm>> -> memref<80x128xf32, #tpu.memory_space<hbm>>
        tpu.enqueue_dma source(%dma_start3A_228 : memref<80x128xf32, #tpu.memory_space<hbm>>) target(%dma_start3A_225 : memref<80x128xf32, #tpu.memory_space<vmem>>) target_semaphore(%run_scoped3A : memref<!tpu.dma_semaphore, #tpu.memory_space<semaphore_mem>>)
        %dma_wait3A = arith.constant 0 : i32
        %dma_wait3A_229 = arith.constant 0 : i32
        %dma_wait3A_230 = tpu.memref_slice %arg5[%dma_wait3A, %dma_wait3A_229] : memref<128x128xf32, #tpu.memory_space<vmem>> -> memref<80x128xf32, #tpu.memory_space<vmem>>
        %dma_wait3A_231 = arith.constant 49920 : i32
        %dma_wait3A_232 = arith.constant 0 : i32
        %dma_wait3A_233 = tpu.memref_slice %arg2[%dma_wait3A_231, %dma_wait3A_232] : memref<50000x128xf32, #tpu.memory_space<hbm>> -> memref<80x128xf32, #tpu.memory_space<hbm>>
        %dma_wait3A_234 = arith.constant 0 : i32
        %dma_wait3A_235 = arith.constant 0 : i32
        %dma_wait3A_236 = tpu.memref_slice %arg5[%dma_wait3A_234, %dma_wait3A_235] : memref<128x128xf32, #tpu.memory_space<vmem>> -> memref<80x128xf32, #tpu.memory_space<vmem>>
        %dma_wait3A_237 = arith.constant 49920 : i32
        %dma_wait3A_238 = arith.constant 0 : i32
        %dma_wait3A_239 = tpu.memref_slice %arg2[%dma_wait3A_237, %dma_wait3A_238] : memref<50000x128xf32, #tpu.memory_space<hbm>> -> memref<80x128xf32, #tpu.memory_space<hbm>>
        tpu.wait_dma2 semaphore(%run_scoped3A : memref<!tpu.dma_semaphore, #tpu.memory_space<semaphore_mem>>) src(%dma_wait3A_239 : memref<80x128xf32, #tpu.memory_space<hbm>>) dst(%dma_wait3A_236 : memref<80x128xf32, #tpu.memory_space<vmem>>)
        tpu.yield
      }) : () -> ()
      "tpu.region"() ({
        %run_scoped3A = tpu.sem_alloc : memref<!tpu.dma_semaphore, #tpu.memory_space<semaphore_mem>>
        %dma_start3A = arith.constant 0 : i32
        %dma_start3A_218 = arith.constant 0 : i32
        %dma_start3A_219 = tpu.memref_slice %arg8[%dma_start3A, %dma_start3A_218] : memref<264x128xf32, #tpu.memory_space<vmem_shared>> -> memref<264x128xf32, #tpu.memory_space<vmem_shared>>
        tpu.enqueue_indirect_dma source(%arg5 : memref<128x128xf32, #tpu.memory_space<vmem>>) target(%dma_start3A_219 : memref<264x128xf32, #tpu.memory_space<vmem_shared>>) offsets(%arg6 : memref<128xi32, #tpu.memory_space<vmem>>) semaphore(%run_scoped3A : memref<!tpu.dma_semaphore, #tpu.memory_space<semaphore_mem>>) {add = true}
        %dma_wait3A = arith.constant 0 : i32
        %dma_wait3A_220 = arith.constant 0 : i32
        %dma_wait3A_221 = tpu.memref_slice %arg8[%dma_wait3A, %dma_wait3A_220] : memref<264x128xf32, #tpu.memory_space<vmem_shared>> -> memref<264x128xf32, #tpu.memory_space<vmem_shared>>
        tpu.wait_indirect_dma semaphore(%run_scoped3A : memref<!tpu.dma_semaphore, #tpu.memory_space<semaphore_mem>>) src(%arg5 : memref<128x128xf32, #tpu.memory_space<vmem>>) dst(%dma_wait3A_221 : memref<264x128xf32, #tpu.memory_space<vmem_shared>>)
        tpu.yield
      }) : () -> ()
    } else {
    }
    %add3A_82 = arith.constant 192 : i32
    %add3A_83 = arith.addi %add3A, %add3A_82 : i32
    %lt3A_84 = arith.constant 390 : i32
    %lt3A_85 = arith.cmpi slt, %add3A_83, %lt3A_84 : i32
    %convert_element_type3A_86 = arith.extui %lt3A_85 : i1 to i32
    %cond3A_87 = arith.constant 0 : i32
    %cond3A_88 = arith.cmpi ne, %convert_element_type3A_86, %cond3A_87 : i32
    scf.if %cond3A_88 {
      %mul3A_172 = arith.constant 128 : i32
      %mul3A_173 = arith.muli %add3A_83, %mul3A_172 : i32
      "tpu.region"() ({
        %run_scoped3A = tpu.sem_alloc : memref<!tpu.dma_semaphore, #tpu.memory_space<semaphore_mem>>
        %dma_start3A = tpu.memref_slice %arg3[%mul3A_173] : memref<50000xi32, #tpu.memory_space<hbm>> -> memref<128xi32, #tpu.memory_space<hbm>>
        %dma_start3A_174 = tpu.memref_slice %arg3[%mul3A_173] : memref<50000xi32, #tpu.memory_space<hbm>> -> memref<128xi32, #tpu.memory_space<hbm>>
        tpu.enqueue_dma source(%dma_start3A_174 : memref<128xi32, #tpu.memory_space<hbm>>) target(%arg6 : memref<128xi32, #tpu.memory_space<vmem>>) target_semaphore(%run_scoped3A : memref<!tpu.dma_semaphore, #tpu.memory_space<semaphore_mem>>)
        %dma_wait3A = tpu.memref_slice %arg3[%mul3A_173] : memref<50000xi32, #tpu.memory_space<hbm>> -> memref<128xi32, #tpu.memory_space<hbm>>
        %dma_wait3A_175 = tpu.memref_slice %arg3[%mul3A_173] : memref<50000xi32, #tpu.memory_space<hbm>> -> memref<128xi32, #tpu.memory_space<hbm>>
        tpu.wait_dma2 semaphore(%run_scoped3A : memref<!tpu.dma_semaphore, #tpu.memory_space<semaphore_mem>>) src(%dma_wait3A_175 : memref<128xi32, #tpu.memory_space<hbm>>) dst(%arg6 : memref<128xi32, #tpu.memory_space<vmem>>)
        tpu.yield
      }) : () -> ()
      "tpu.region"() ({
        %run_scoped3A = tpu.sem_alloc : memref<!tpu.dma_semaphore, #tpu.memory_space<semaphore_mem>>
        %dma_start3A = arith.constant 0 : i32
        %dma_start3A_174 = tpu.memref_slice %arg2[%mul3A_173, %dma_start3A] : memref<50000x128xf32, #tpu.memory_space<hbm>> -> memref<128x128xf32, #tpu.memory_space<hbm>>
        %dma_start3A_175 = arith.constant 0 : i32
        %dma_start3A_176 = tpu.memref_slice %arg2[%mul3A_173, %dma_start3A_175] : memref<50000x128xf32, #tpu.memory_space<hbm>> -> memref<128x128xf32, #tpu.memory_space<hbm>>
        tpu.enqueue_dma source(%dma_start3A_176 : memref<128x128xf32, #tpu.memory_space<hbm>>) target(%arg5 : memref<128x128xf32, #tpu.memory_space<vmem>>) target_semaphore(%run_scoped3A : memref<!tpu.dma_semaphore, #tpu.memory_space<semaphore_mem>>)
        %dma_wait3A = arith.constant 0 : i32
        %dma_wait3A_177 = tpu.memref_slice %arg2[%mul3A_173, %dma_wait3A] : memref<50000x128xf32, #tpu.memory_space<hbm>> -> memref<128x128xf32, #tpu.memory_space<hbm>>
        %dma_wait3A_178 = arith.constant 0 : i32
        %dma_wait3A_179 = tpu.memref_slice %arg2[%mul3A_173, %dma_wait3A_178] : memref<50000x128xf32, #tpu.memory_space<hbm>> -> memref<128x128xf32, #tpu.memory_space<hbm>>
        tpu.wait_dma2 semaphore(%run_scoped3A : memref<!tpu.dma_semaphore, #tpu.memory_space<semaphore_mem>>) src(%dma_wait3A_179 : memref<128x128xf32, #tpu.memory_space<hbm>>) dst(%arg5 : memref<128x128xf32, #tpu.memory_space<vmem>>)
        tpu.yield
      }) : () -> ()
      "tpu.region"() ({
        %run_scoped3A = tpu.sem_alloc : memref<!tpu.dma_semaphore, #tpu.memory_space<semaphore_mem>>
        %dma_start3A = arith.constant 0 : i32
        %dma_start3A_174 = arith.constant 0 : i32
        %dma_start3A_175 = tpu.memref_slice %arg8[%dma_start3A, %dma_start3A_174] : memref<264x128xf32, #tpu.memory_space<vmem_shared>> -> memref<264x128xf32, #tpu.memory_space<vmem_shared>>
        tpu.enqueue_indirect_dma source(%arg5 : memref<128x128xf32, #tpu.memory_space<vmem>>) target(%dma_start3A_175 : memref<264x128xf32, #tpu.memory_space<vmem_shared>>) offsets(%arg6 : memref<128xi32, #tpu.memory_space<vmem>>) semaphore(%run_scoped3A : memref<!tpu.dma_semaphore, #tpu.memory_space<semaphore_mem>>) {add = true}
        %dma_wait3A = arith.constant 0 : i32
        %dma_wait3A_176 = arith.constant 0 : i32
        %dma_wait3A_177 = tpu.memref_slice %arg8[%dma_wait3A, %dma_wait3A_176] : memref<264x128xf32, #tpu.memory_space<vmem_shared>> -> memref<264x128xf32, #tpu.memory_space<vmem_shared>>
        tpu.wait_indirect_dma semaphore(%run_scoped3A : memref<!tpu.dma_semaphore, #tpu.memory_space<semaphore_mem>>) src(%arg5 : memref<128x128xf32, #tpu.memory_space<vmem>>) dst(%dma_wait3A_177 : memref<264x128xf32, #tpu.memory_space<vmem_shared>>)
        tpu.yield
      }) : () -> ()
    } else {
    }
    %eq3A_89 = arith.constant 390 : i32
    %eq3A_90 = arith.cmpi eq, %add3A_83, %eq3A_89 : i32
    %convert_element_type3A_91 = arith.extui %eq3A_90 : i1 to i32
    %cond3A_92 = arith.constant 0 : i32
    %cond3A_93 = arith.cmpi ne, %convert_element_type3A_91, %cond3A_92 : i32
    scf.if %cond3A_93 {
      %broadcast_in_dim3A = arith.constant 256 : i32
      %broadcast_in_dim3A_172 = vector.broadcast %broadcast_in_dim3A : i32 to vector<16xi32>
      %swap3A = arith.constant 0 : index
      %swap3A_173 = tpu.vector_load %arg6[%swap3A] {strides = array<i32>} : memref<128xi32, #tpu.memory_space<vmem>>, vector<16xi32>,
      %swap3A_174 = vector.shape_cast %swap3A_173 : vector<16xi32> to vector<16xi32>
      %swap3A_175 = vector.shape_cast %broadcast_in_dim3A_172 : vector<16xi32> to vector<16xi32>
      tpu.vector_store %arg6[%swap3A], %swap3A_175 {strides = array<i32>} : memref<128xi32, #tpu.memory_space<vmem>>, vector<16xi32>,
      %broadcast_in_dim3A_176 = arith.constant 256 : i32
      %broadcast_in_dim3A_177 = vector.broadcast %broadcast_in_dim3A_176 : i32 to vector<16xi32>
      %swap3A_178 = arith.constant 16 : index
      %swap3A_179 = tpu.vector_load %arg6[%swap3A_178] {strides = array<i32>} : memref<128xi32, #tpu.memory_space<vmem>>, vector<16xi32>,
      %swap3A_180 = vector.shape_cast %swap3A_179 : vector<16xi32> to vector<16xi32>
      %swap3A_181 = vector.shape_cast %broadcast_in_dim3A_177 : vector<16xi32> to vector<16xi32>
      tpu.vector_store %arg6[%swap3A_178], %swap3A_181 {strides = array<i32>} : memref<128xi32, #tpu.memory_space<vmem>>, vector<16xi32>,
      %broadcast_in_dim3A_182 = arith.constant 256 : i32
      %broadcast_in_dim3A_183 = vector.broadcast %broadcast_in_dim3A_182 : i32 to vector<16xi32>
      %swap3A_184 = arith.constant 32 : index
      %swap3A_185 = tpu.vector_load %arg6[%swap3A_184] {strides = array<i32>} : memref<128xi32, #tpu.memory_space<vmem>>, vector<16xi32>,
      %swap3A_186 = vector.shape_cast %swap3A_185 : vector<16xi32> to vector<16xi32>
      %swap3A_187 = vector.shape_cast %broadcast_in_dim3A_183 : vector<16xi32> to vector<16xi32>
      tpu.vector_store %arg6[%swap3A_184], %swap3A_187 {strides = array<i32>} : memref<128xi32, #tpu.memory_space<vmem>>, vector<16xi32>,
      %broadcast_in_dim3A_188 = arith.constant 256 : i32
      %broadcast_in_dim3A_189 = vector.broadcast %broadcast_in_dim3A_188 : i32 to vector<16xi32>
      %swap3A_190 = arith.constant 48 : index
      %swap3A_191 = tpu.vector_load %arg6[%swap3A_190] {strides = array<i32>} : memref<128xi32, #tpu.memory_space<vmem>>, vector<16xi32>,
      %swap3A_192 = vector.shape_cast %swap3A_191 : vector<16xi32> to vector<16xi32>
      %swap3A_193 = vector.shape_cast %broadcast_in_dim3A_189 : vector<16xi32> to vector<16xi32>
      tpu.vector_store %arg6[%swap3A_190], %swap3A_193 {strides = array<i32>} : memref<128xi32, #tpu.memory_space<vmem>>, vector<16xi32>,
      %broadcast_in_dim3A_194 = arith.constant 256 : i32
      %broadcast_in_dim3A_195 = vector.broadcast %broadcast_in_dim3A_194 : i32 to vector<16xi32>
      %swap3A_196 = arith.constant 64 : index
      %swap3A_197 = tpu.vector_load %arg6[%swap3A_196] {strides = array<i32>} : memref<128xi32, #tpu.memory_space<vmem>>, vector<16xi32>,
      %swap3A_198 = vector.shape_cast %swap3A_197 : vector<16xi32> to vector<16xi32>
      %swap3A_199 = vector.shape_cast %broadcast_in_dim3A_195 : vector<16xi32> to vector<16xi32>
      tpu.vector_store %arg6[%swap3A_196], %swap3A_199 {strides = array<i32>} : memref<128xi32, #tpu.memory_space<vmem>>, vector<16xi32>,
      %broadcast_in_dim3A_200 = arith.constant 256 : i32
      %broadcast_in_dim3A_201 = vector.broadcast %broadcast_in_dim3A_200 : i32 to vector<16xi32>
      %swap3A_202 = arith.constant 80 : index
      %swap3A_203 = tpu.vector_load %arg6[%swap3A_202] {strides = array<i32>} : memref<128xi32, #tpu.memory_space<vmem>>, vector<16xi32>,
      %swap3A_204 = vector.shape_cast %swap3A_203 : vector<16xi32> to vector<16xi32>
      %swap3A_205 = vector.shape_cast %broadcast_in_dim3A_201 : vector<16xi32> to vector<16xi32>
      tpu.vector_store %arg6[%swap3A_202], %swap3A_205 {strides = array<i32>} : memref<128xi32, #tpu.memory_space<vmem>>, vector<16xi32>,
      %broadcast_in_dim3A_206 = arith.constant 256 : i32
      %broadcast_in_dim3A_207 = vector.broadcast %broadcast_in_dim3A_206 : i32 to vector<16xi32>
      %swap3A_208 = arith.constant 96 : index
      %swap3A_209 = tpu.vector_load %arg6[%swap3A_208] {strides = array<i32>} : memref<128xi32, #tpu.memory_space<vmem>>, vector<16xi32>,
      %swap3A_210 = vector.shape_cast %swap3A_209 : vector<16xi32> to vector<16xi32>
      %swap3A_211 = vector.shape_cast %broadcast_in_dim3A_207 : vector<16xi32> to vector<16xi32>
      tpu.vector_store %arg6[%swap3A_208], %swap3A_211 {strides = array<i32>} : memref<128xi32, #tpu.memory_space<vmem>>, vector<16xi32>,
      %broadcast_in_dim3A_212 = arith.constant 256 : i32
      %broadcast_in_dim3A_213 = vector.broadcast %broadcast_in_dim3A_212 : i32 to vector<16xi32>
      %swap3A_214 = arith.constant 112 : index
      %swap3A_215 = tpu.vector_load %arg6[%swap3A_214] {strides = array<i32>} : memref<128xi32, #tpu.memory_space<vmem>>, vector<16xi32>,
      %swap3A_216 = vector.shape_cast %swap3A_215 : vector<16xi32> to vector<16xi32>
      %swap3A_217 = vector.shape_cast %broadcast_in_dim3A_213 : vector<16xi32> to vector<16xi32>
      tpu.vector_store %arg6[%swap3A_214], %swap3A_217 {strides = array<i32>} : memref<128xi32, #tpu.memory_space<vmem>>, vector<16xi32>,
      "tpu.region"() ({
        %run_scoped3A = tpu.sem_alloc : memref<!tpu.dma_semaphore, #tpu.memory_space<semaphore_mem>>
        %dma_start3A = arith.constant 0 : i32
        %dma_start3A_218 = tpu.memref_slice %arg6[%dma_start3A] : memref<128xi32, #tpu.memory_space<vmem>> -> memref<80xi32, #tpu.memory_space<vmem>>
        %dma_start3A_219 = arith.constant 49920 : i32
        %dma_start3A_220 = tpu.memref_slice %arg3[%dma_start3A_219] : memref<50000xi32, #tpu.memory_space<hbm>> -> memref<80xi32, #tpu.memory_space<hbm>>
        %dma_start3A_221 = arith.constant 0 : i32
        %dma_start3A_222 = tpu.memref_slice %arg6[%dma_start3A_221] : memref<128xi32, #tpu.memory_space<vmem>> -> memref<80xi32, #tpu.memory_space<vmem>>
        %dma_start3A_223 = arith.constant 49920 : i32
        %dma_start3A_224 = tpu.memref_slice %arg3[%dma_start3A_223] : memref<50000xi32, #tpu.memory_space<hbm>> -> memref<80xi32, #tpu.memory_space<hbm>>
        tpu.enqueue_dma source(%dma_start3A_224 : memref<80xi32, #tpu.memory_space<hbm>>) target(%dma_start3A_222 : memref<80xi32, #tpu.memory_space<vmem>>) target_semaphore(%run_scoped3A : memref<!tpu.dma_semaphore, #tpu.memory_space<semaphore_mem>>)
        %dma_wait3A = arith.constant 0 : i32
        %dma_wait3A_225 = tpu.memref_slice %arg6[%dma_wait3A] : memref<128xi32, #tpu.memory_space<vmem>> -> memref<80xi32, #tpu.memory_space<vmem>>
        %dma_wait3A_226 = arith.constant 49920 : i32
        %dma_wait3A_227 = tpu.memref_slice %arg3[%dma_wait3A_226] : memref<50000xi32, #tpu.memory_space<hbm>> -> memref<80xi32, #tpu.memory_space<hbm>>
        %dma_wait3A_228 = arith.constant 0 : i32
        %dma_wait3A_229 = tpu.memref_slice %arg6[%dma_wait3A_228] : memref<128xi32, #tpu.memory_space<vmem>> -> memref<80xi32, #tpu.memory_space<vmem>>
        %dma_wait3A_230 = arith.constant 49920 : i32
        %dma_wait3A_231 = tpu.memref_slice %arg3[%dma_wait3A_230] : memref<50000xi32, #tpu.memory_space<hbm>> -> memref<80xi32, #tpu.memory_space<hbm>>
        tpu.wait_dma2 semaphore(%run_scoped3A : memref<!tpu.dma_semaphore, #tpu.memory_space<semaphore_mem>>) src(%dma_wait3A_231 : memref<80xi32, #tpu.memory_space<hbm>>) dst(%dma_wait3A_229 : memref<80xi32, #tpu.memory_space<vmem>>)
        tpu.yield
      }) : () -> ()
      "tpu.region"() ({
        %run_scoped3A = tpu.sem_alloc : memref<!tpu.dma_semaphore, #tpu.memory_space<semaphore_mem>>
        %dma_start3A = arith.constant 0 : i32
        %dma_start3A_218 = arith.constant 0 : i32
        %dma_start3A_219 = tpu.memref_slice %arg5[%dma_start3A, %dma_start3A_218] : memref<128x128xf32, #tpu.memory_space<vmem>> -> memref<80x128xf32, #tpu.memory_space<vmem>>
        %dma_start3A_220 = arith.constant 49920 : i32
        %dma_start3A_221 = arith.constant 0 : i32
        %dma_start3A_222 = tpu.memref_slice %arg2[%dma_start3A_220, %dma_start3A_221] : memref<50000x128xf32, #tpu.memory_space<hbm>> -> memref<80x128xf32, #tpu.memory_space<hbm>>
        %dma_start3A_223 = arith.constant 0 : i32
        %dma_start3A_224 = arith.constant 0 : i32
        %dma_start3A_225 = tpu.memref_slice %arg5[%dma_start3A_223, %dma_start3A_224] : memref<128x128xf32, #tpu.memory_space<vmem>> -> memref<80x128xf32, #tpu.memory_space<vmem>>
        %dma_start3A_226 = arith.constant 49920 : i32
        %dma_start3A_227 = arith.constant 0 : i32
        %dma_start3A_228 = tpu.memref_slice %arg2[%dma_start3A_226, %dma_start3A_227] : memref<50000x128xf32, #tpu.memory_space<hbm>> -> memref<80x128xf32, #tpu.memory_space<hbm>>
        tpu.enqueue_dma source(%dma_start3A_228 : memref<80x128xf32, #tpu.memory_space<hbm>>) target(%dma_start3A_225 : memref<80x128xf32, #tpu.memory_space<vmem>>) target_semaphore(%run_scoped3A : memref<!tpu.dma_semaphore, #tpu.memory_space<semaphore_mem>>)
        %dma_wait3A = arith.constant 0 : i32
        %dma_wait3A_229 = arith.constant 0 : i32
        %dma_wait3A_230 = tpu.memref_slice %arg5[%dma_wait3A, %dma_wait3A_229] : memref<128x128xf32, #tpu.memory_space<vmem>> -> memref<80x128xf32, #tpu.memory_space<vmem>>
        %dma_wait3A_231 = arith.constant 49920 : i32
        %dma_wait3A_232 = arith.constant 0 : i32
        %dma_wait3A_233 = tpu.memref_slice %arg2[%dma_wait3A_231, %dma_wait3A_232] : memref<50000x128xf32, #tpu.memory_space<hbm>> -> memref<80x128xf32, #tpu.memory_space<hbm>>
        %dma_wait3A_234 = arith.constant 0 : i32
        %dma_wait3A_235 = arith.constant 0 : i32
        %dma_wait3A_236 = tpu.memref_slice %arg5[%dma_wait3A_234, %dma_wait3A_235] : memref<128x128xf32, #tpu.memory_space<vmem>> -> memref<80x128xf32, #tpu.memory_space<vmem>>
        %dma_wait3A_237 = arith.constant 49920 : i32
        %dma_wait3A_238 = arith.constant 0 : i32
        %dma_wait3A_239 = tpu.memref_slice %arg2[%dma_wait3A_237, %dma_wait3A_238] : memref<50000x128xf32, #tpu.memory_space<hbm>> -> memref<80x128xf32, #tpu.memory_space<hbm>>
        tpu.wait_dma2 semaphore(%run_scoped3A : memref<!tpu.dma_semaphore, #tpu.memory_space<semaphore_mem>>) src(%dma_wait3A_239 : memref<80x128xf32, #tpu.memory_space<hbm>>) dst(%dma_wait3A_236 : memref<80x128xf32, #tpu.memory_space<vmem>>)
        tpu.yield
      }) : () -> ()
      "tpu.region"() ({
        %run_scoped3A = tpu.sem_alloc : memref<!tpu.dma_semaphore, #tpu.memory_space<semaphore_mem>>
        %dma_start3A = arith.constant 0 : i32
        %dma_start3A_218 = arith.constant 0 : i32
        %dma_start3A_219 = tpu.memref_slice %arg8[%dma_start3A, %dma_start3A_218] : memref<264x128xf32, #tpu.memory_space<vmem_shared>> -> memref<264x128xf32, #tpu.memory_space<vmem_shared>>
        tpu.enqueue_indirect_dma source(%arg5 : memref<128x128xf32, #tpu.memory_space<vmem>>) target(%dma_start3A_219 : memref<264x128xf32, #tpu.memory_space<vmem_shared>>) offsets(%arg6 : memref<128xi32, #tpu.memory_space<vmem>>) semaphore(%run_scoped3A : memref<!tpu.dma_semaphore, #tpu.memory_space<semaphore_mem>>) {add = true}
        %dma_wait3A = arith.constant 0 : i32
        %dma_wait3A_220 = arith.constant 0 : i32
        %dma_wait3A_221 = tpu.memref_slice %arg8[%dma_wait3A, %dma_wait3A_220] : memref<264x128xf32, #tpu.memory_space<vmem_shared>> -> memref<264x128xf32, #tpu.memory_space<vmem_shared>>
        tpu.wait_indirect_dma semaphore(%run_scoped3A : memref<!tpu.dma_semaphore, #tpu.memory_space<semaphore_mem>>) src(%arg5 : memref<128x128xf32, #tpu.memory_space<vmem>>) dst(%dma_wait3A_221 : memref<264x128xf32, #tpu.memory_space<vmem_shared>>)
        tpu.yield
      }) : () -> ()
    } else {
    }
    %add3A_94 = arith.constant 224 : i32
    %add3A_95 = arith.addi %add3A, %add3A_94 : i32
    %lt3A_96 = arith.constant 390 : i32
    %lt3A_97 = arith.cmpi slt, %add3A_95, %lt3A_96 : i32
    %convert_element_type3A_98 = arith.extui %lt3A_97 : i1 to i32
    %cond3A_99 = arith.constant 0 : i32
    %cond3A_100 = arith.cmpi ne, %convert_element_type3A_98, %cond3A_99 : i32
    scf.if %cond3A_100 {
      %mul3A_172 = arith.constant 128 : i32
      %mul3A_173 = arith.muli %add3A_95, %mul3A_172 : i32
      "tpu.region"() ({
        %run_scoped3A = tpu.sem_alloc : memref<!tpu.dma_semaphore, #tpu.memory_space<semaphore_mem>>
        %dma_start3A = tpu.memref_slice %arg3[%mul3A_173] : memref<50000xi32, #tpu.memory_space<hbm>> -> memref<128xi32, #tpu.memory_space<hbm>>
        %dma_start3A_174 = tpu.memref_slice %arg3[%mul3A_173] : memref<50000xi32, #tpu.memory_space<hbm>> -> memref<128xi32, #tpu.memory_space<hbm>>
        tpu.enqueue_dma source(%dma_start3A_174 : memref<128xi32, #tpu.memory_space<hbm>>) target(%arg6 : memref<128xi32, #tpu.memory_space<vmem>>) target_semaphore(%run_scoped3A : memref<!tpu.dma_semaphore, #tpu.memory_space<semaphore_mem>>)
        %dma_wait3A = tpu.memref_slice %arg3[%mul3A_173] : memref<50000xi32, #tpu.memory_space<hbm>> -> memref<128xi32, #tpu.memory_space<hbm>>
        %dma_wait3A_175 = tpu.memref_slice %arg3[%mul3A_173] : memref<50000xi32, #tpu.memory_space<hbm>> -> memref<128xi32, #tpu.memory_space<hbm>>
        tpu.wait_dma2 semaphore(%run_scoped3A : memref<!tpu.dma_semaphore, #tpu.memory_space<semaphore_mem>>) src(%dma_wait3A_175 : memref<128xi32, #tpu.memory_space<hbm>>) dst(%arg6 : memref<128xi32, #tpu.memory_space<vmem>>)
        tpu.yield
      }) : () -> ()
      "tpu.region"() ({
        %run_scoped3A = tpu.sem_alloc : memref<!tpu.dma_semaphore, #tpu.memory_space<semaphore_mem>>
        %dma_start3A = arith.constant 0 : i32
        %dma_start3A_174 = tpu.memref_slice %arg2[%mul3A_173, %dma_start3A] : memref<50000x128xf32, #tpu.memory_space<hbm>> -> memref<128x128xf32, #tpu.memory_space<hbm>>
        %dma_start3A_175 = arith.constant 0 : i32
        %dma_start3A_176 = tpu.memref_slice %arg2[%mul3A_173, %dma_start3A_175] : memref<50000x128xf32, #tpu.memory_space<hbm>> -> memref<128x128xf32, #tpu.memory_space<hbm>>
        tpu.enqueue_dma source(%dma_start3A_176 : memref<128x128xf32, #tpu.memory_space<hbm>>) target(%arg5 : memref<128x128xf32, #tpu.memory_space<vmem>>) target_semaphore(%run_scoped3A : memref<!tpu.dma_semaphore, #tpu.memory_space<semaphore_mem>>)
        %dma_wait3A = arith.constant 0 : i32
        %dma_wait3A_177 = tpu.memref_slice %arg2[%mul3A_173, %dma_wait3A] : memref<50000x128xf32, #tpu.memory_space<hbm>> -> memref<128x128xf32, #tpu.memory_space<hbm>>
        %dma_wait3A_178 = arith.constant 0 : i32
        %dma_wait3A_179 = tpu.memref_slice %arg2[%mul3A_173, %dma_wait3A_178] : memref<50000x128xf32, #tpu.memory_space<hbm>> -> memref<128x128xf32, #tpu.memory_space<hbm>>
        tpu.wait_dma2 semaphore(%run_scoped3A : memref<!tpu.dma_semaphore, #tpu.memory_space<semaphore_mem>>) src(%dma_wait3A_179 : memref<128x128xf32, #tpu.memory_space<hbm>>) dst(%arg5 : memref<128x128xf32, #tpu.memory_space<vmem>>)
        tpu.yield
      }) : () -> ()
      "tpu.region"() ({
        %run_scoped3A = tpu.sem_alloc : memref<!tpu.dma_semaphore, #tpu.memory_space<semaphore_mem>>
        %dma_start3A = arith.constant 0 : i32
        %dma_start3A_174 = arith.constant 0 : i32
        %dma_start3A_175 = tpu.memref_slice %arg8[%dma_start3A, %dma_start3A_174] : memref<264x128xf32, #tpu.memory_space<vmem_shared>> -> memref<264x128xf32, #tpu.memory_space<vmem_shared>>
        tpu.enqueue_indirect_dma source(%arg5 : memref<128x128xf32, #tpu.memory_space<vmem>>) target(%dma_start3A_175 : memref<264x128xf32, #tpu.memory_space<vmem_shared>>) offsets(%arg6 : memref<128xi32, #tpu.memory_space<vmem>>) semaphore(%run_scoped3A : memref<!tpu.dma_semaphore, #tpu.memory_space<semaphore_mem>>) {add = true}
        %dma_wait3A = arith.constant 0 : i32
        %dma_wait3A_176 = arith.constant 0 : i32
        %dma_wait3A_177 = tpu.memref_slice %arg8[%dma_wait3A, %dma_wait3A_176] : memref<264x128xf32, #tpu.memory_space<vmem_shared>> -> memref<264x128xf32, #tpu.memory_space<vmem_shared>>
        tpu.wait_indirect_dma semaphore(%run_scoped3A : memref<!tpu.dma_semaphore, #tpu.memory_space<semaphore_mem>>) src(%arg5 : memref<128x128xf32, #tpu.memory_space<vmem>>) dst(%dma_wait3A_177 : memref<264x128xf32, #tpu.memory_space<vmem_shared>>)
        tpu.yield
      }) : () -> ()
    } else {
    }
    %eq3A_101 = arith.constant 390 : i32
    %eq3A_102 = arith.cmpi eq, %add3A_95, %eq3A_101 : i32
    %convert_element_type3A_103 = arith.extui %eq3A_102 : i1 to i32
    %cond3A_104 = arith.constant 0 : i32
    %cond3A_105 = arith.cmpi ne, %convert_element_type3A_103, %cond3A_104 : i32
    scf.if %cond3A_105 {
      %broadcast_in_dim3A = arith.constant 256 : i32
      %broadcast_in_dim3A_172 = vector.broadcast %broadcast_in_dim3A : i32 to vector<16xi32>
      %swap3A = arith.constant 0 : index
      %swap3A_173 = tpu.vector_load %arg6[%swap3A] {strides = array<i32>} : memref<128xi32, #tpu.memory_space<vmem>>, vector<16xi32>,
      %swap3A_174 = vector.shape_cast %swap3A_173 : vector<16xi32> to vector<16xi32>
      %swap3A_175 = vector.shape_cast %broadcast_in_dim3A_172 : vector<16xi32> to vector<16xi32>
      tpu.vector_store %arg6[%swap3A], %swap3A_175 {strides = array<i32>} : memref<128xi32, #tpu.memory_space<vmem>>, vector<16xi32>,
      %broadcast_in_dim3A_176 = arith.constant 256 : i32
      %broadcast_in_dim3A_177 = vector.broadcast %broadcast_in_dim3A_176 : i32 to vector<16xi32>
      %swap3A_178 = arith.constant 16 : index
      %swap3A_179 = tpu.vector_load %arg6[%swap3A_178] {strides = array<i32>} : memref<128xi32, #tpu.memory_space<vmem>>, vector<16xi32>,
      %swap3A_180 = vector.shape_cast %swap3A_179 : vector<16xi32> to vector<16xi32>
      %swap3A_181 = vector.shape_cast %broadcast_in_dim3A_177 : vector<16xi32> to vector<16xi32>
      tpu.vector_store %arg6[%swap3A_178], %swap3A_181 {strides = array<i32>} : memref<128xi32, #tpu.memory_space<vmem>>, vector<16xi32>,
      %broadcast_in_dim3A_182 = arith.constant 256 : i32
      %broadcast_in_dim3A_183 = vector.broadcast %broadcast_in_dim3A_182 : i32 to vector<16xi32>
      %swap3A_184 = arith.constant 32 : index
      %swap3A_185 = tpu.vector_load %arg6[%swap3A_184] {strides = array<i32>} : memref<128xi32, #tpu.memory_space<vmem>>, vector<16xi32>,
      %swap3A_186 = vector.shape_cast %swap3A_185 : vector<16xi32> to vector<16xi32>
      %swap3A_187 = vector.shape_cast %broadcast_in_dim3A_183 : vector<16xi32> to vector<16xi32>
      tpu.vector_store %arg6[%swap3A_184], %swap3A_187 {strides = array<i32>} : memref<128xi32, #tpu.memory_space<vmem>>, vector<16xi32>,
      %broadcast_in_dim3A_188 = arith.constant 256 : i32
      %broadcast_in_dim3A_189 = vector.broadcast %broadcast_in_dim3A_188 : i32 to vector<16xi32>
      %swap3A_190 = arith.constant 48 : index
      %swap3A_191 = tpu.vector_load %arg6[%swap3A_190] {strides = array<i32>} : memref<128xi32, #tpu.memory_space<vmem>>, vector<16xi32>,
      %swap3A_192 = vector.shape_cast %swap3A_191 : vector<16xi32> to vector<16xi32>
      %swap3A_193 = vector.shape_cast %broadcast_in_dim3A_189 : vector<16xi32> to vector<16xi32>
      tpu.vector_store %arg6[%swap3A_190], %swap3A_193 {strides = array<i32>} : memref<128xi32, #tpu.memory_space<vmem>>, vector<16xi32>,
      %broadcast_in_dim3A_194 = arith.constant 256 : i32
      %broadcast_in_dim3A_195 = vector.broadcast %broadcast_in_dim3A_194 : i32 to vector<16xi32>
      %swap3A_196 = arith.constant 64 : index
      %swap3A_197 = tpu.vector_load %arg6[%swap3A_196] {strides = array<i32>} : memref<128xi32, #tpu.memory_space<vmem>>, vector<16xi32>,
      %swap3A_198 = vector.shape_cast %swap3A_197 : vector<16xi32> to vector<16xi32>
      %swap3A_199 = vector.shape_cast %broadcast_in_dim3A_195 : vector<16xi32> to vector<16xi32>
      tpu.vector_store %arg6[%swap3A_196], %swap3A_199 {strides = array<i32>} : memref<128xi32, #tpu.memory_space<vmem>>, vector<16xi32>,
      %broadcast_in_dim3A_200 = arith.constant 256 : i32
      %broadcast_in_dim3A_201 = vector.broadcast %broadcast_in_dim3A_200 : i32 to vector<16xi32>
      %swap3A_202 = arith.constant 80 : index
      %swap3A_203 = tpu.vector_load %arg6[%swap3A_202] {strides = array<i32>} : memref<128xi32, #tpu.memory_space<vmem>>, vector<16xi32>,
      %swap3A_204 = vector.shape_cast %swap3A_203 : vector<16xi32> to vector<16xi32>
      %swap3A_205 = vector.shape_cast %broadcast_in_dim3A_201 : vector<16xi32> to vector<16xi32>
      tpu.vector_store %arg6[%swap3A_202], %swap3A_205 {strides = array<i32>} : memref<128xi32, #tpu.memory_space<vmem>>, vector<16xi32>,
      %broadcast_in_dim3A_206 = arith.constant 256 : i32
      %broadcast_in_dim3A_207 = vector.broadcast %broadcast_in_dim3A_206 : i32 to vector<16xi32>
      %swap3A_208 = arith.constant 96 : index
      %swap3A_209 = tpu.vector_load %arg6[%swap3A_208] {strides = array<i32>} : memref<128xi32, #tpu.memory_space<vmem>>, vector<16xi32>,
      %swap3A_210 = vector.shape_cast %swap3A_209 : vector<16xi32> to vector<16xi32>
      %swap3A_211 = vector.shape_cast %broadcast_in_dim3A_207 : vector<16xi32> to vector<16xi32>
      tpu.vector_store %arg6[%swap3A_208], %swap3A_211 {strides = array<i32>} : memref<128xi32, #tpu.memory_space<vmem>>, vector<16xi32>,
      %broadcast_in_dim3A_212 = arith.constant 256 : i32
      %broadcast_in_dim3A_213 = vector.broadcast %broadcast_in_dim3A_212 : i32 to vector<16xi32>
      %swap3A_214 = arith.constant 112 : index
      %swap3A_215 = tpu.vector_load %arg6[%swap3A_214] {strides = array<i32>} : memref<128xi32, #tpu.memory_space<vmem>>, vector<16xi32>,
      %swap3A_216 = vector.shape_cast %swap3A_215 : vector<16xi32> to vector<16xi32>
      %swap3A_217 = vector.shape_cast %broadcast_in_dim3A_213 : vector<16xi32> to vector<16xi32>
      tpu.vector_store %arg6[%swap3A_214], %swap3A_217 {strides = array<i32>} : memref<128xi32, #tpu.memory_space<vmem>>, vector<16xi32>,
      "tpu.region"() ({
        %run_scoped3A = tpu.sem_alloc : memref<!tpu.dma_semaphore, #tpu.memory_space<semaphore_mem>>
        %dma_start3A = arith.constant 0 : i32
        %dma_start3A_218 = tpu.memref_slice %arg6[%dma_start3A] : memref<128xi32, #tpu.memory_space<vmem>> -> memref<80xi32, #tpu.memory_space<vmem>>
        %dma_start3A_219 = arith.constant 49920 : i32
        %dma_start3A_220 = tpu.memref_slice %arg3[%dma_start3A_219] : memref<50000xi32, #tpu.memory_space<hbm>> -> memref<80xi32, #tpu.memory_space<hbm>>
        %dma_start3A_221 = arith.constant 0 : i32
        %dma_start3A_222 = tpu.memref_slice %arg6[%dma_start3A_221] : memref<128xi32, #tpu.memory_space<vmem>> -> memref<80xi32, #tpu.memory_space<vmem>>
        %dma_start3A_223 = arith.constant 49920 : i32
        %dma_start3A_224 = tpu.memref_slice %arg3[%dma_start3A_223] : memref<50000xi32, #tpu.memory_space<hbm>> -> memref<80xi32, #tpu.memory_space<hbm>>
        tpu.enqueue_dma source(%dma_start3A_224 : memref<80xi32, #tpu.memory_space<hbm>>) target(%dma_start3A_222 : memref<80xi32, #tpu.memory_space<vmem>>) target_semaphore(%run_scoped3A : memref<!tpu.dma_semaphore, #tpu.memory_space<semaphore_mem>>)
        %dma_wait3A = arith.constant 0 : i32
        %dma_wait3A_225 = tpu.memref_slice %arg6[%dma_wait3A] : memref<128xi32, #tpu.memory_space<vmem>> -> memref<80xi32, #tpu.memory_space<vmem>>
        %dma_wait3A_226 = arith.constant 49920 : i32
        %dma_wait3A_227 = tpu.memref_slice %arg3[%dma_wait3A_226] : memref<50000xi32, #tpu.memory_space<hbm>> -> memref<80xi32, #tpu.memory_space<hbm>>
        %dma_wait3A_228 = arith.constant 0 : i32
        %dma_wait3A_229 = tpu.memref_slice %arg6[%dma_wait3A_228] : memref<128xi32, #tpu.memory_space<vmem>> -> memref<80xi32, #tpu.memory_space<vmem>>
        %dma_wait3A_230 = arith.constant 49920 : i32
        %dma_wait3A_231 = tpu.memref_slice %arg3[%dma_wait3A_230] : memref<50000xi32, #tpu.memory_space<hbm>> -> memref<80xi32, #tpu.memory_space<hbm>>
        tpu.wait_dma2 semaphore(%run_scoped3A : memref<!tpu.dma_semaphore, #tpu.memory_space<semaphore_mem>>) src(%dma_wait3A_231 : memref<80xi32, #tpu.memory_space<hbm>>) dst(%dma_wait3A_229 : memref<80xi32, #tpu.memory_space<vmem>>)
        tpu.yield
      }) : () -> ()
      "tpu.region"() ({
        %run_scoped3A = tpu.sem_alloc : memref<!tpu.dma_semaphore, #tpu.memory_space<semaphore_mem>>
        %dma_start3A = arith.constant 0 : i32
        %dma_start3A_218 = arith.constant 0 : i32
        %dma_start3A_219 = tpu.memref_slice %arg5[%dma_start3A, %dma_start3A_218] : memref<128x128xf32, #tpu.memory_space<vmem>> -> memref<80x128xf32, #tpu.memory_space<vmem>>
        %dma_start3A_220 = arith.constant 49920 : i32
        %dma_start3A_221 = arith.constant 0 : i32
        %dma_start3A_222 = tpu.memref_slice %arg2[%dma_start3A_220, %dma_start3A_221] : memref<50000x128xf32, #tpu.memory_space<hbm>> -> memref<80x128xf32, #tpu.memory_space<hbm>>
        %dma_start3A_223 = arith.constant 0 : i32
        %dma_start3A_224 = arith.constant 0 : i32
        %dma_start3A_225 = tpu.memref_slice %arg5[%dma_start3A_223, %dma_start3A_224] : memref<128x128xf32, #tpu.memory_space<vmem>> -> memref<80x128xf32, #tpu.memory_space<vmem>>
        %dma_start3A_226 = arith.constant 49920 : i32
        %dma_start3A_227 = arith.constant 0 : i32
        %dma_start3A_228 = tpu.memref_slice %arg2[%dma_start3A_226, %dma_start3A_227] : memref<50000x128xf32, #tpu.memory_space<hbm>> -> memref<80x128xf32, #tpu.memory_space<hbm>>
        tpu.enqueue_dma source(%dma_start3A_228 : memref<80x128xf32, #tpu.memory_space<hbm>>) target(%dma_start3A_225 : memref<80x128xf32, #tpu.memory_space<vmem>>) target_semaphore(%run_scoped3A : memref<!tpu.dma_semaphore, #tpu.memory_space<semaphore_mem>>)
        %dma_wait3A = arith.constant 0 : i32
        %dma_wait3A_229 = arith.constant 0 : i32
        %dma_wait3A_230 = tpu.memref_slice %arg5[%dma_wait3A, %dma_wait3A_229] : memref<128x128xf32, #tpu.memory_space<vmem>> -> memref<80x128xf32, #tpu.memory_space<vmem>>
        %dma_wait3A_231 = arith.constant 49920 : i32
        %dma_wait3A_232 = arith.constant 0 : i32
        %dma_wait3A_233 = tpu.memref_slice %arg2[%dma_wait3A_231, %dma_wait3A_232] : memref<50000x128xf32, #tpu.memory_space<hbm>> -> memref<80x128xf32, #tpu.memory_space<hbm>>
        %dma_wait3A_234 = arith.constant 0 : i32
        %dma_wait3A_235 = arith.constant 0 : i32
        %dma_wait3A_236 = tpu.memref_slice %arg5[%dma_wait3A_234, %dma_wait3A_235] : memref<128x128xf32, #tpu.memory_space<vmem>> -> memref<80x128xf32, #tpu.memory_space<vmem>>
        %dma_wait3A_237 = arith.constant 49920 : i32
        %dma_wait3A_238 = arith.constant 0 : i32
        %dma_wait3A_239 = tpu.memref_slice %arg2[%dma_wait3A_237, %dma_wait3A_238] : memref<50000x128xf32, #tpu.memory_space<hbm>> -> memref<80x128xf32, #tpu.memory_space<hbm>>
        tpu.wait_dma2 semaphore(%run_scoped3A : memref<!tpu.dma_semaphore, #tpu.memory_space<semaphore_mem>>) src(%dma_wait3A_239 : memref<80x128xf32, #tpu.memory_space<hbm>>) dst(%dma_wait3A_236 : memref<80x128xf32, #tpu.memory_space<vmem>>)
        tpu.yield
      }) : () -> ()
      "tpu.region"() ({
        %run_scoped3A = tpu.sem_alloc : memref<!tpu.dma_semaphore, #tpu.memory_space<semaphore_mem>>
        %dma_start3A = arith.constant 0 : i32
        %dma_start3A_218 = arith.constant 0 : i32
        %dma_start3A_219 = tpu.memref_slice %arg8[%dma_start3A, %dma_start3A_218] : memref<264x128xf32, #tpu.memory_space<vmem_shared>> -> memref<264x128xf32, #tpu.memory_space<vmem_shared>>
        tpu.enqueue_indirect_dma source(%arg5 : memref<128x128xf32, #tpu.memory_space<vmem>>) target(%dma_start3A_219 : memref<264x128xf32, #tpu.memory_space<vmem_shared>>) offsets(%arg6 : memref<128xi32, #tpu.memory_space<vmem>>) semaphore(%run_scoped3A : memref<!tpu.dma_semaphore, #tpu.memory_space<semaphore_mem>>) {add = true}
        %dma_wait3A = arith.constant 0 : i32
        %dma_wait3A_220 = arith.constant 0 : i32
        %dma_wait3A_221 = tpu.memref_slice %arg8[%dma_wait3A, %dma_wait3A_220] : memref<264x128xf32, #tpu.memory_space<vmem_shared>> -> memref<264x128xf32, #tpu.memory_space<vmem_shared>>
        tpu.wait_indirect_dma semaphore(%run_scoped3A : memref<!tpu.dma_semaphore, #tpu.memory_space<semaphore_mem>>) src(%arg5 : memref<128x128xf32, #tpu.memory_space<vmem>>) dst(%dma_wait3A_221 : memref<264x128xf32, #tpu.memory_space<vmem_shared>>)
        tpu.yield
      }) : () -> ()
    } else {
    }
    %add3A_106 = arith.constant 256 : i32
    %add3A_107 = arith.addi %add3A, %add3A_106 : i32
    %lt3A_108 = arith.constant 390 : i32
    %lt3A_109 = arith.cmpi slt, %add3A_107, %lt3A_108 : i32
    %convert_element_type3A_110 = arith.extui %lt3A_109 : i1 to i32
    %cond3A_111 = arith.constant 0 : i32
    %cond3A_112 = arith.cmpi ne, %convert_element_type3A_110, %cond3A_111 : i32
    scf.if %cond3A_112 {
      %mul3A_172 = arith.constant 128 : i32
      %mul3A_173 = arith.muli %add3A_107, %mul3A_172 : i32
      "tpu.region"() ({
        %run_scoped3A = tpu.sem_alloc : memref<!tpu.dma_semaphore, #tpu.memory_space<semaphore_mem>>
        %dma_start3A = tpu.memref_slice %arg3[%mul3A_173] : memref<50000xi32, #tpu.memory_space<hbm>> -> memref<128xi32, #tpu.memory_space<hbm>>
        %dma_start3A_174 = tpu.memref_slice %arg3[%mul3A_173] : memref<50000xi32, #tpu.memory_space<hbm>> -> memref<128xi32, #tpu.memory_space<hbm>>
        tpu.enqueue_dma source(%dma_start3A_174 : memref<128xi32, #tpu.memory_space<hbm>>) target(%arg6 : memref<128xi32, #tpu.memory_space<vmem>>) target_semaphore(%run_scoped3A : memref<!tpu.dma_semaphore, #tpu.memory_space<semaphore_mem>>)
        %dma_wait3A = tpu.memref_slice %arg3[%mul3A_173] : memref<50000xi32, #tpu.memory_space<hbm>> -> memref<128xi32, #tpu.memory_space<hbm>>
        %dma_wait3A_175 = tpu.memref_slice %arg3[%mul3A_173] : memref<50000xi32, #tpu.memory_space<hbm>> -> memref<128xi32, #tpu.memory_space<hbm>>
        tpu.wait_dma2 semaphore(%run_scoped3A : memref<!tpu.dma_semaphore, #tpu.memory_space<semaphore_mem>>) src(%dma_wait3A_175 : memref<128xi32, #tpu.memory_space<hbm>>) dst(%arg6 : memref<128xi32, #tpu.memory_space<vmem>>)
        tpu.yield
      }) : () -> ()
      "tpu.region"() ({
        %run_scoped3A = tpu.sem_alloc : memref<!tpu.dma_semaphore, #tpu.memory_space<semaphore_mem>>
        %dma_start3A = arith.constant 0 : i32
        %dma_start3A_174 = tpu.memref_slice %arg2[%mul3A_173, %dma_start3A] : memref<50000x128xf32, #tpu.memory_space<hbm>> -> memref<128x128xf32, #tpu.memory_space<hbm>>
        %dma_start3A_175 = arith.constant 0 : i32
        %dma_start3A_176 = tpu.memref_slice %arg2[%mul3A_173, %dma_start3A_175] : memref<50000x128xf32, #tpu.memory_space<hbm>> -> memref<128x128xf32, #tpu.memory_space<hbm>>
        tpu.enqueue_dma source(%dma_start3A_176 : memref<128x128xf32, #tpu.memory_space<hbm>>) target(%arg5 : memref<128x128xf32, #tpu.memory_space<vmem>>) target_semaphore(%run_scoped3A : memref<!tpu.dma_semaphore, #tpu.memory_space<semaphore_mem>>)
        %dma_wait3A = arith.constant 0 : i32
        %dma_wait3A_177 = tpu.memref_slice %arg2[%mul3A_173, %dma_wait3A] : memref<50000x128xf32, #tpu.memory_space<hbm>> -> memref<128x128xf32, #tpu.memory_space<hbm>>
        %dma_wait3A_178 = arith.constant 0 : i32
        %dma_wait3A_179 = tpu.memref_slice %arg2[%mul3A_173, %dma_wait3A_178] : memref<50000x128xf32, #tpu.memory_space<hbm>> -> memref<128x128xf32, #tpu.memory_space<hbm>>
        tpu.wait_dma2 semaphore(%run_scoped3A : memref<!tpu.dma_semaphore, #tpu.memory_space<semaphore_mem>>) src(%dma_wait3A_179 : memref<128x128xf32, #tpu.memory_space<hbm>>) dst(%arg5 : memref<128x128xf32, #tpu.memory_space<vmem>>)
        tpu.yield
      }) : () -> ()
      "tpu.region"() ({
        %run_scoped3A = tpu.sem_alloc : memref<!tpu.dma_semaphore, #tpu.memory_space<semaphore_mem>>
        %dma_start3A = arith.constant 0 : i32
        %dma_start3A_174 = arith.constant 0 : i32
        %dma_start3A_175 = tpu.memref_slice %arg8[%dma_start3A, %dma_start3A_174] : memref<264x128xf32, #tpu.memory_space<vmem_shared>> -> memref<264x128xf32, #tpu.memory_space<vmem_shared>>
        tpu.enqueue_indirect_dma source(%arg5 : memref<128x128xf32, #tpu.memory_space<vmem>>) target(%dma_start3A_175 : memref<264x128xf32, #tpu.memory_space<vmem_shared>>) offsets(%arg6 : memref<128xi32, #tpu.memory_space<vmem>>) semaphore(%run_scoped3A : memref<!tpu.dma_semaphore, #tpu.memory_space<semaphore_mem>>) {add = true}
        %dma_wait3A = arith.constant 0 : i32
        %dma_wait3A_176 = arith.constant 0 : i32
        %dma_wait3A_177 = tpu.memref_slice %arg8[%dma_wait3A, %dma_wait3A_176] : memref<264x128xf32, #tpu.memory_space<vmem_shared>> -> memref<264x128xf32, #tpu.memory_space<vmem_shared>>
        tpu.wait_indirect_dma semaphore(%run_scoped3A : memref<!tpu.dma_semaphore, #tpu.memory_space<semaphore_mem>>) src(%arg5 : memref<128x128xf32, #tpu.memory_space<vmem>>) dst(%dma_wait3A_177 : memref<264x128xf32, #tpu.memory_space<vmem_shared>>)
        tpu.yield
      }) : () -> ()
    } else {
    }
    %eq3A_113 = arith.constant 390 : i32
    %eq3A_114 = arith.cmpi eq, %add3A_107, %eq3A_113 : i32
    %convert_element_type3A_115 = arith.extui %eq3A_114 : i1 to i32
    %cond3A_116 = arith.constant 0 : i32
    %cond3A_117 = arith.cmpi ne, %convert_element_type3A_115, %cond3A_116 : i32
    scf.if %cond3A_117 {
      %broadcast_in_dim3A = arith.constant 256 : i32
      %broadcast_in_dim3A_172 = vector.broadcast %broadcast_in_dim3A : i32 to vector<16xi32>
      %swap3A = arith.constant 0 : index
      %swap3A_173 = tpu.vector_load %arg6[%swap3A] {strides = array<i32>} : memref<128xi32, #tpu.memory_space<vmem>>, vector<16xi32>,
      %swap3A_174 = vector.shape_cast %swap3A_173 : vector<16xi32> to vector<16xi32>
      %swap3A_175 = vector.shape_cast %broadcast_in_dim3A_172 : vector<16xi32> to vector<16xi32>
      tpu.vector_store %arg6[%swap3A], %swap3A_175 {strides = array<i32>} : memref<128xi32, #tpu.memory_space<vmem>>, vector<16xi32>,
      %broadcast_in_dim3A_176 = arith.constant 256 : i32
      %broadcast_in_dim3A_177 = vector.broadcast %broadcast_in_dim3A_176 : i32 to vector<16xi32>
      %swap3A_178 = arith.constant 16 : index
      %swap3A_179 = tpu.vector_load %arg6[%swap3A_178] {strides = array<i32>} : memref<128xi32, #tpu.memory_space<vmem>>, vector<16xi32>,
      %swap3A_180 = vector.shape_cast %swap3A_179 : vector<16xi32> to vector<16xi32>
      %swap3A_181 = vector.shape_cast %broadcast_in_dim3A_177 : vector<16xi32> to vector<16xi32>
      tpu.vector_store %arg6[%swap3A_178], %swap3A_181 {strides = array<i32>} : memref<128xi32, #tpu.memory_space<vmem>>, vector<16xi32>,
      %broadcast_in_dim3A_182 = arith.constant 256 : i32
      %broadcast_in_dim3A_183 = vector.broadcast %broadcast_in_dim3A_182 : i32 to vector<16xi32>
      %swap3A_184 = arith.constant 32 : index
      %swap3A_185 = tpu.vector_load %arg6[%swap3A_184] {strides = array<i32>} : memref<128xi32, #tpu.memory_space<vmem>>, vector<16xi32>,
      %swap3A_186 = vector.shape_cast %swap3A_185 : vector<16xi32> to vector<16xi32>
      %swap3A_187 = vector.shape_cast %broadcast_in_dim3A_183 : vector<16xi32> to vector<16xi32>
      tpu.vector_store %arg6[%swap3A_184], %swap3A_187 {strides = array<i32>} : memref<128xi32, #tpu.memory_space<vmem>>, vector<16xi32>,
      %broadcast_in_dim3A_188 = arith.constant 256 : i32
      %broadcast_in_dim3A_189 = vector.broadcast %broadcast_in_dim3A_188 : i32 to vector<16xi32>
      %swap3A_190 = arith.constant 48 : index
      %swap3A_191 = tpu.vector_load %arg6[%swap3A_190] {strides = array<i32>} : memref<128xi32, #tpu.memory_space<vmem>>, vector<16xi32>,
      %swap3A_192 = vector.shape_cast %swap3A_191 : vector<16xi32> to vector<16xi32>
      %swap3A_193 = vector.shape_cast %broadcast_in_dim3A_189 : vector<16xi32> to vector<16xi32>
      tpu.vector_store %arg6[%swap3A_190], %swap3A_193 {strides = array<i32>} : memref<128xi32, #tpu.memory_space<vmem>>, vector<16xi32>,
      %broadcast_in_dim3A_194 = arith.constant 256 : i32
      %broadcast_in_dim3A_195 = vector.broadcast %broadcast_in_dim3A_194 : i32 to vector<16xi32>
      %swap3A_196 = arith.constant 64 : index
      %swap3A_197 = tpu.vector_load %arg6[%swap3A_196] {strides = array<i32>} : memref<128xi32, #tpu.memory_space<vmem>>, vector<16xi32>,
      %swap3A_198 = vector.shape_cast %swap3A_197 : vector<16xi32> to vector<16xi32>
      %swap3A_199 = vector.shape_cast %broadcast_in_dim3A_195 : vector<16xi32> to vector<16xi32>
      tpu.vector_store %arg6[%swap3A_196], %swap3A_199 {strides = array<i32>} : memref<128xi32, #tpu.memory_space<vmem>>, vector<16xi32>,
      %broadcast_in_dim3A_200 = arith.constant 256 : i32
      %broadcast_in_dim3A_201 = vector.broadcast %broadcast_in_dim3A_200 : i32 to vector<16xi32>
      %swap3A_202 = arith.constant 80 : index
      %swap3A_203 = tpu.vector_load %arg6[%swap3A_202] {strides = array<i32>} : memref<128xi32, #tpu.memory_space<vmem>>, vector<16xi32>,
      %swap3A_204 = vector.shape_cast %swap3A_203 : vector<16xi32> to vector<16xi32>
      %swap3A_205 = vector.shape_cast %broadcast_in_dim3A_201 : vector<16xi32> to vector<16xi32>
      tpu.vector_store %arg6[%swap3A_202], %swap3A_205 {strides = array<i32>} : memref<128xi32, #tpu.memory_space<vmem>>, vector<16xi32>,
      %broadcast_in_dim3A_206 = arith.constant 256 : i32
      %broadcast_in_dim3A_207 = vector.broadcast %broadcast_in_dim3A_206 : i32 to vector<16xi32>
      %swap3A_208 = arith.constant 96 : index
      %swap3A_209 = tpu.vector_load %arg6[%swap3A_208] {strides = array<i32>} : memref<128xi32, #tpu.memory_space<vmem>>, vector<16xi32>,
      %swap3A_210 = vector.shape_cast %swap3A_209 : vector<16xi32> to vector<16xi32>
      %swap3A_211 = vector.shape_cast %broadcast_in_dim3A_207 : vector<16xi32> to vector<16xi32>
      tpu.vector_store %arg6[%swap3A_208], %swap3A_211 {strides = array<i32>} : memref<128xi32, #tpu.memory_space<vmem>>, vector<16xi32>,
      %broadcast_in_dim3A_212 = arith.constant 256 : i32
      %broadcast_in_dim3A_213 = vector.broadcast %broadcast_in_dim3A_212 : i32 to vector<16xi32>
      %swap3A_214 = arith.constant 112 : index
      %swap3A_215 = tpu.vector_load %arg6[%swap3A_214] {strides = array<i32>} : memref<128xi32, #tpu.memory_space<vmem>>, vector<16xi32>,
      %swap3A_216 = vector.shape_cast %swap3A_215 : vector<16xi32> to vector<16xi32>
      %swap3A_217 = vector.shape_cast %broadcast_in_dim3A_213 : vector<16xi32> to vector<16xi32>
      tpu.vector_store %arg6[%swap3A_214], %swap3A_217 {strides = array<i32>} : memref<128xi32, #tpu.memory_space<vmem>>, vector<16xi32>,
      "tpu.region"() ({
        %run_scoped3A = tpu.sem_alloc : memref<!tpu.dma_semaphore, #tpu.memory_space<semaphore_mem>>
        %dma_start3A = arith.constant 0 : i32
        %dma_start3A_218 = tpu.memref_slice %arg6[%dma_start3A] : memref<128xi32, #tpu.memory_space<vmem>> -> memref<80xi32, #tpu.memory_space<vmem>>
        %dma_start3A_219 = arith.constant 49920 : i32
        %dma_start3A_220 = tpu.memref_slice %arg3[%dma_start3A_219] : memref<50000xi32, #tpu.memory_space<hbm>> -> memref<80xi32, #tpu.memory_space<hbm>>
        %dma_start3A_221 = arith.constant 0 : i32
        %dma_start3A_222 = tpu.memref_slice %arg6[%dma_start3A_221] : memref<128xi32, #tpu.memory_space<vmem>> -> memref<80xi32, #tpu.memory_space<vmem>>
        %dma_start3A_223 = arith.constant 49920 : i32
        %dma_start3A_224 = tpu.memref_slice %arg3[%dma_start3A_223] : memref<50000xi32, #tpu.memory_space<hbm>> -> memref<80xi32, #tpu.memory_space<hbm>>
        tpu.enqueue_dma source(%dma_start3A_224 : memref<80xi32, #tpu.memory_space<hbm>>) target(%dma_start3A_222 : memref<80xi32, #tpu.memory_space<vmem>>) target_semaphore(%run_scoped3A : memref<!tpu.dma_semaphore, #tpu.memory_space<semaphore_mem>>)
        %dma_wait3A = arith.constant 0 : i32
        %dma_wait3A_225 = tpu.memref_slice %arg6[%dma_wait3A] : memref<128xi32, #tpu.memory_space<vmem>> -> memref<80xi32, #tpu.memory_space<vmem>>
        %dma_wait3A_226 = arith.constant 49920 : i32
        %dma_wait3A_227 = tpu.memref_slice %arg3[%dma_wait3A_226] : memref<50000xi32, #tpu.memory_space<hbm>> -> memref<80xi32, #tpu.memory_space<hbm>>
        %dma_wait3A_228 = arith.constant 0 : i32
        %dma_wait3A_229 = tpu.memref_slice %arg6[%dma_wait3A_228] : memref<128xi32, #tpu.memory_space<vmem>> -> memref<80xi32, #tpu.memory_space<vmem>>
        %dma_wait3A_230 = arith.constant 49920 : i32
        %dma_wait3A_231 = tpu.memref_slice %arg3[%dma_wait3A_230] : memref<50000xi32, #tpu.memory_space<hbm>> -> memref<80xi32, #tpu.memory_space<hbm>>
        tpu.wait_dma2 semaphore(%run_scoped3A : memref<!tpu.dma_semaphore, #tpu.memory_space<semaphore_mem>>) src(%dma_wait3A_231 : memref<80xi32, #tpu.memory_space<hbm>>) dst(%dma_wait3A_229 : memref<80xi32, #tpu.memory_space<vmem>>)
        tpu.yield
      }) : () -> ()
      "tpu.region"() ({
        %run_scoped3A = tpu.sem_alloc : memref<!tpu.dma_semaphore, #tpu.memory_space<semaphore_mem>>
        %dma_start3A = arith.constant 0 : i32
        %dma_start3A_218 = arith.constant 0 : i32
        %dma_start3A_219 = tpu.memref_slice %arg5[%dma_start3A, %dma_start3A_218] : memref<128x128xf32, #tpu.memory_space<vmem>> -> memref<80x128xf32, #tpu.memory_space<vmem>>
        %dma_start3A_220 = arith.constant 49920 : i32
        %dma_start3A_221 = arith.constant 0 : i32
        %dma_start3A_222 = tpu.memref_slice %arg2[%dma_start3A_220, %dma_start3A_221] : memref<50000x128xf32, #tpu.memory_space<hbm>> -> memref<80x128xf32, #tpu.memory_space<hbm>>
        %dma_start3A_223 = arith.constant 0 : i32
        %dma_start3A_224 = arith.constant 0 : i32
        %dma_start3A_225 = tpu.memref_slice %arg5[%dma_start3A_223, %dma_start3A_224] : memref<128x128xf32, #tpu.memory_space<vmem>> -> memref<80x128xf32, #tpu.memory_space<vmem>>
        %dma_start3A_226 = arith.constant 49920 : i32
        %dma_start3A_227 = arith.constant 0 : i32
        %dma_start3A_228 = tpu.memref_slice %arg2[%dma_start3A_226, %dma_start3A_227] : memref<50000x128xf32, #tpu.memory_space<hbm>> -> memref<80x128xf32, #tpu.memory_space<hbm>>
        tpu.enqueue_dma source(%dma_start3A_228 : memref<80x128xf32, #tpu.memory_space<hbm>>) target(%dma_start3A_225 : memref<80x128xf32, #tpu.memory_space<vmem>>) target_semaphore(%run_scoped3A : memref<!tpu.dma_semaphore, #tpu.memory_space<semaphore_mem>>)
        %dma_wait3A = arith.constant 0 : i32
        %dma_wait3A_229 = arith.constant 0 : i32
        %dma_wait3A_230 = tpu.memref_slice %arg5[%dma_wait3A, %dma_wait3A_229] : memref<128x128xf32, #tpu.memory_space<vmem>> -> memref<80x128xf32, #tpu.memory_space<vmem>>
        %dma_wait3A_231 = arith.constant 49920 : i32
        %dma_wait3A_232 = arith.constant 0 : i32
        %dma_wait3A_233 = tpu.memref_slice %arg2[%dma_wait3A_231, %dma_wait3A_232] : memref<50000x128xf32, #tpu.memory_space<hbm>> -> memref<80x128xf32, #tpu.memory_space<hbm>>
        %dma_wait3A_234 = arith.constant 0 : i32
        %dma_wait3A_235 = arith.constant 0 : i32
        %dma_wait3A_236 = tpu.memref_slice %arg5[%dma_wait3A_234, %dma_wait3A_235] : memref<128x128xf32, #tpu.memory_space<vmem>> -> memref<80x128xf32, #tpu.memory_space<vmem>>
        %dma_wait3A_237 = arith.constant 49920 : i32
        %dma_wait3A_238 = arith.constant 0 : i32
        %dma_wait3A_239 = tpu.memref_slice %arg2[%dma_wait3A_237, %dma_wait3A_238] : memref<50000x128xf32, #tpu.memory_space<hbm>> -> memref<80x128xf32, #tpu.memory_space<hbm>>
        tpu.wait_dma2 semaphore(%run_scoped3A : memref<!tpu.dma_semaphore, #tpu.memory_space<semaphore_mem>>) src(%dma_wait3A_239 : memref<80x128xf32, #tpu.memory_space<hbm>>) dst(%dma_wait3A_236 : memref<80x128xf32, #tpu.memory_space<vmem>>)
        tpu.yield
      }) : () -> ()
      "tpu.region"() ({
        %run_scoped3A = tpu.sem_alloc : memref<!tpu.dma_semaphore, #tpu.memory_space<semaphore_mem>>
        %dma_start3A = arith.constant 0 : i32
        %dma_start3A_218 = arith.constant 0 : i32
        %dma_start3A_219 = tpu.memref_slice %arg8[%dma_start3A, %dma_start3A_218] : memref<264x128xf32, #tpu.memory_space<vmem_shared>> -> memref<264x128xf32, #tpu.memory_space<vmem_shared>>
        tpu.enqueue_indirect_dma source(%arg5 : memref<128x128xf32, #tpu.memory_space<vmem>>) target(%dma_start3A_219 : memref<264x128xf32, #tpu.memory_space<vmem_shared>>) offsets(%arg6 : memref<128xi32, #tpu.memory_space<vmem>>) semaphore(%run_scoped3A : memref<!tpu.dma_semaphore, #tpu.memory_space<semaphore_mem>>) {add = true}
        %dma_wait3A = arith.constant 0 : i32
        %dma_wait3A_220 = arith.constant 0 : i32
        %dma_wait3A_221 = tpu.memref_slice %arg8[%dma_wait3A, %dma_wait3A_220] : memref<264x128xf32, #tpu.memory_space<vmem_shared>> -> memref<264x128xf32, #tpu.memory_space<vmem_shared>>
        tpu.wait_indirect_dma semaphore(%run_scoped3A : memref<!tpu.dma_semaphore, #tpu.memory_space<semaphore_mem>>) src(%arg5 : memref<128x128xf32, #tpu.memory_space<vmem>>) dst(%dma_wait3A_221 : memref<264x128xf32, #tpu.memory_space<vmem_shared>>)
        tpu.yield
      }) : () -> ()
    } else {
    }
    %add3A_118 = arith.constant 288 : i32
    %add3A_119 = arith.addi %add3A, %add3A_118 : i32
    %lt3A_120 = arith.constant 390 : i32
    %lt3A_121 = arith.cmpi slt, %add3A_119, %lt3A_120 : i32
    %convert_element_type3A_122 = arith.extui %lt3A_121 : i1 to i32
    %cond3A_123 = arith.constant 0 : i32
    %cond3A_124 = arith.cmpi ne, %convert_element_type3A_122, %cond3A_123 : i32
    scf.if %cond3A_124 {
      %mul3A_172 = arith.constant 128 : i32
      %mul3A_173 = arith.muli %add3A_119, %mul3A_172 : i32
      "tpu.region"() ({
        %run_scoped3A = tpu.sem_alloc : memref<!tpu.dma_semaphore, #tpu.memory_space<semaphore_mem>>
        %dma_start3A = tpu.memref_slice %arg3[%mul3A_173] : memref<50000xi32, #tpu.memory_space<hbm>> -> memref<128xi32, #tpu.memory_space<hbm>>
        %dma_start3A_174 = tpu.memref_slice %arg3[%mul3A_173] : memref<50000xi32, #tpu.memory_space<hbm>> -> memref<128xi32, #tpu.memory_space<hbm>>
        tpu.enqueue_dma source(%dma_start3A_174 : memref<128xi32, #tpu.memory_space<hbm>>) target(%arg6 : memref<128xi32, #tpu.memory_space<vmem>>) target_semaphore(%run_scoped3A : memref<!tpu.dma_semaphore, #tpu.memory_space<semaphore_mem>>)
        %dma_wait3A = tpu.memref_slice %arg3[%mul3A_173] : memref<50000xi32, #tpu.memory_space<hbm>> -> memref<128xi32, #tpu.memory_space<hbm>>
        %dma_wait3A_175 = tpu.memref_slice %arg3[%mul3A_173] : memref<50000xi32, #tpu.memory_space<hbm>> -> memref<128xi32, #tpu.memory_space<hbm>>
        tpu.wait_dma2 semaphore(%run_scoped3A : memref<!tpu.dma_semaphore, #tpu.memory_space<semaphore_mem>>) src(%dma_wait3A_175 : memref<128xi32, #tpu.memory_space<hbm>>) dst(%arg6 : memref<128xi32, #tpu.memory_space<vmem>>)
        tpu.yield
      }) : () -> ()
      "tpu.region"() ({
        %run_scoped3A = tpu.sem_alloc : memref<!tpu.dma_semaphore, #tpu.memory_space<semaphore_mem>>
        %dma_start3A = arith.constant 0 : i32
        %dma_start3A_174 = tpu.memref_slice %arg2[%mul3A_173, %dma_start3A] : memref<50000x128xf32, #tpu.memory_space<hbm>> -> memref<128x128xf32, #tpu.memory_space<hbm>>
        %dma_start3A_175 = arith.constant 0 : i32
        %dma_start3A_176 = tpu.memref_slice %arg2[%mul3A_173, %dma_start3A_175] : memref<50000x128xf32, #tpu.memory_space<hbm>> -> memref<128x128xf32, #tpu.memory_space<hbm>>
        tpu.enqueue_dma source(%dma_start3A_176 : memref<128x128xf32, #tpu.memory_space<hbm>>) target(%arg5 : memref<128x128xf32, #tpu.memory_space<vmem>>) target_semaphore(%run_scoped3A : memref<!tpu.dma_semaphore, #tpu.memory_space<semaphore_mem>>)
        %dma_wait3A = arith.constant 0 : i32
        %dma_wait3A_177 = tpu.memref_slice %arg2[%mul3A_173, %dma_wait3A] : memref<50000x128xf32, #tpu.memory_space<hbm>> -> memref<128x128xf32, #tpu.memory_space<hbm>>
        %dma_wait3A_178 = arith.constant 0 : i32
        %dma_wait3A_179 = tpu.memref_slice %arg2[%mul3A_173, %dma_wait3A_178] : memref<50000x128xf32, #tpu.memory_space<hbm>> -> memref<128x128xf32, #tpu.memory_space<hbm>>
        tpu.wait_dma2 semaphore(%run_scoped3A : memref<!tpu.dma_semaphore, #tpu.memory_space<semaphore_mem>>) src(%dma_wait3A_179 : memref<128x128xf32, #tpu.memory_space<hbm>>) dst(%arg5 : memref<128x128xf32, #tpu.memory_space<vmem>>)
        tpu.yield
      }) : () -> ()
      "tpu.region"() ({
        %run_scoped3A = tpu.sem_alloc : memref<!tpu.dma_semaphore, #tpu.memory_space<semaphore_mem>>
        %dma_start3A = arith.constant 0 : i32
        %dma_start3A_174 = arith.constant 0 : i32
        %dma_start3A_175 = tpu.memref_slice %arg8[%dma_start3A, %dma_start3A_174] : memref<264x128xf32, #tpu.memory_space<vmem_shared>> -> memref<264x128xf32, #tpu.memory_space<vmem_shared>>
        tpu.enqueue_indirect_dma source(%arg5 : memref<128x128xf32, #tpu.memory_space<vmem>>) target(%dma_start3A_175 : memref<264x128xf32, #tpu.memory_space<vmem_shared>>) offsets(%arg6 : memref<128xi32, #tpu.memory_space<vmem>>) semaphore(%run_scoped3A : memref<!tpu.dma_semaphore, #tpu.memory_space<semaphore_mem>>) {add = true}
        %dma_wait3A = arith.constant 0 : i32
        %dma_wait3A_176 = arith.constant 0 : i32
        %dma_wait3A_177 = tpu.memref_slice %arg8[%dma_wait3A, %dma_wait3A_176] : memref<264x128xf32, #tpu.memory_space<vmem_shared>> -> memref<264x128xf32, #tpu.memory_space<vmem_shared>>
        tpu.wait_indirect_dma semaphore(%run_scoped3A : memref<!tpu.dma_semaphore, #tpu.memory_space<semaphore_mem>>) src(%arg5 : memref<128x128xf32, #tpu.memory_space<vmem>>) dst(%dma_wait3A_177 : memref<264x128xf32, #tpu.memory_space<vmem_shared>>)
        tpu.yield
      }) : () -> ()
    } else {
    }
    %eq3A_125 = arith.constant 390 : i32
    %eq3A_126 = arith.cmpi eq, %add3A_119, %eq3A_125 : i32
    %convert_element_type3A_127 = arith.extui %eq3A_126 : i1 to i32
    %cond3A_128 = arith.constant 0 : i32
    %cond3A_129 = arith.cmpi ne, %convert_element_type3A_127, %cond3A_128 : i32
    scf.if %cond3A_129 {
      %broadcast_in_dim3A = arith.constant 256 : i32
      %broadcast_in_dim3A_172 = vector.broadcast %broadcast_in_dim3A : i32 to vector<16xi32>
      %swap3A = arith.constant 0 : index
      %swap3A_173 = tpu.vector_load %arg6[%swap3A] {strides = array<i32>} : memref<128xi32, #tpu.memory_space<vmem>>, vector<16xi32>,
      %swap3A_174 = vector.shape_cast %swap3A_173 : vector<16xi32> to vector<16xi32>
      %swap3A_175 = vector.shape_cast %broadcast_in_dim3A_172 : vector<16xi32> to vector<16xi32>
      tpu.vector_store %arg6[%swap3A], %swap3A_175 {strides = array<i32>} : memref<128xi32, #tpu.memory_space<vmem>>, vector<16xi32>,
      %broadcast_in_dim3A_176 = arith.constant 256 : i32
      %broadcast_in_dim3A_177 = vector.broadcast %broadcast_in_dim3A_176 : i32 to vector<16xi32>
      %swap3A_178 = arith.constant 16 : index
      %swap3A_179 = tpu.vector_load %arg6[%swap3A_178] {strides = array<i32>} : memref<128xi32, #tpu.memory_space<vmem>>, vector<16xi32>,
      %swap3A_180 = vector.shape_cast %swap3A_179 : vector<16xi32> to vector<16xi32>
      %swap3A_181 = vector.shape_cast %broadcast_in_dim3A_177 : vector<16xi32> to vector<16xi32>
      tpu.vector_store %arg6[%swap3A_178], %swap3A_181 {strides = array<i32>} : memref<128xi32, #tpu.memory_space<vmem>>, vector<16xi32>,
      %broadcast_in_dim3A_182 = arith.constant 256 : i32
      %broadcast_in_dim3A_183 = vector.broadcast %broadcast_in_dim3A_182 : i32 to vector<16xi32>
      %swap3A_184 = arith.constant 32 : index
      %swap3A_185 = tpu.vector_load %arg6[%swap3A_184] {strides = array<i32>} : memref<128xi32, #tpu.memory_space<vmem>>, vector<16xi32>,
      %swap3A_186 = vector.shape_cast %swap3A_185 : vector<16xi32> to vector<16xi32>
      %swap3A_187 = vector.shape_cast %broadcast_in_dim3A_183 : vector<16xi32> to vector<16xi32>
      tpu.vector_store %arg6[%swap3A_184], %swap3A_187 {strides = array<i32>} : memref<128xi32, #tpu.memory_space<vmem>>, vector<16xi32>,
      %broadcast_in_dim3A_188 = arith.constant 256 : i32
      %broadcast_in_dim3A_189 = vector.broadcast %broadcast_in_dim3A_188 : i32 to vector<16xi32>
      %swap3A_190 = arith.constant 48 : index
      %swap3A_191 = tpu.vector_load %arg6[%swap3A_190] {strides = array<i32>} : memref<128xi32, #tpu.memory_space<vmem>>, vector<16xi32>,
      %swap3A_192 = vector.shape_cast %swap3A_191 : vector<16xi32> to vector<16xi32>
      %swap3A_193 = vector.shape_cast %broadcast_in_dim3A_189 : vector<16xi32> to vector<16xi32>
      tpu.vector_store %arg6[%swap3A_190], %swap3A_193 {strides = array<i32>} : memref<128xi32, #tpu.memory_space<vmem>>, vector<16xi32>,
      %broadcast_in_dim3A_194 = arith.constant 256 : i32
      %broadcast_in_dim3A_195 = vector.broadcast %broadcast_in_dim3A_194 : i32 to vector<16xi32>
      %swap3A_196 = arith.constant 64 : index
      %swap3A_197 = tpu.vector_load %arg6[%swap3A_196] {strides = array<i32>} : memref<128xi32, #tpu.memory_space<vmem>>, vector<16xi32>,
      %swap3A_198 = vector.shape_cast %swap3A_197 : vector<16xi32> to vector<16xi32>
      %swap3A_199 = vector.shape_cast %broadcast_in_dim3A_195 : vector<16xi32> to vector<16xi32>
      tpu.vector_store %arg6[%swap3A_196], %swap3A_199 {strides = array<i32>} : memref<128xi32, #tpu.memory_space<vmem>>, vector<16xi32>,
      %broadcast_in_dim3A_200 = arith.constant 256 : i32
      %broadcast_in_dim3A_201 = vector.broadcast %broadcast_in_dim3A_200 : i32 to vector<16xi32>
      %swap3A_202 = arith.constant 80 : index
      %swap3A_203 = tpu.vector_load %arg6[%swap3A_202] {strides = array<i32>} : memref<128xi32, #tpu.memory_space<vmem>>, vector<16xi32>,
      %swap3A_204 = vector.shape_cast %swap3A_203 : vector<16xi32> to vector<16xi32>
      %swap3A_205 = vector.shape_cast %broadcast_in_dim3A_201 : vector<16xi32> to vector<16xi32>
      tpu.vector_store %arg6[%swap3A_202], %swap3A_205 {strides = array<i32>} : memref<128xi32, #tpu.memory_space<vmem>>, vector<16xi32>,
      %broadcast_in_dim3A_206 = arith.constant 256 : i32
      %broadcast_in_dim3A_207 = vector.broadcast %broadcast_in_dim3A_206 : i32 to vector<16xi32>
      %swap3A_208 = arith.constant 96 : index
      %swap3A_209 = tpu.vector_load %arg6[%swap3A_208] {strides = array<i32>} : memref<128xi32, #tpu.memory_space<vmem>>, vector<16xi32>,
      %swap3A_210 = vector.shape_cast %swap3A_209 : vector<16xi32> to vector<16xi32>
      %swap3A_211 = vector.shape_cast %broadcast_in_dim3A_207 : vector<16xi32> to vector<16xi32>
      tpu.vector_store %arg6[%swap3A_208], %swap3A_211 {strides = array<i32>} : memref<128xi32, #tpu.memory_space<vmem>>, vector<16xi32>,
      %broadcast_in_dim3A_212 = arith.constant 256 : i32
      %broadcast_in_dim3A_213 = vector.broadcast %broadcast_in_dim3A_212 : i32 to vector<16xi32>
      %swap3A_214 = arith.constant 112 : index
      %swap3A_215 = tpu.vector_load %arg6[%swap3A_214] {strides = array<i32>} : memref<128xi32, #tpu.memory_space<vmem>>, vector<16xi32>,
      %swap3A_216 = vector.shape_cast %swap3A_215 : vector<16xi32> to vector<16xi32>
      %swap3A_217 = vector.shape_cast %broadcast_in_dim3A_213 : vector<16xi32> to vector<16xi32>
      tpu.vector_store %arg6[%swap3A_214], %swap3A_217 {strides = array<i32>} : memref<128xi32, #tpu.memory_space<vmem>>, vector<16xi32>,
      "tpu.region"() ({
        %run_scoped3A = tpu.sem_alloc : memref<!tpu.dma_semaphore, #tpu.memory_space<semaphore_mem>>
        %dma_start3A = arith.constant 0 : i32
        %dma_start3A_218 = tpu.memref_slice %arg6[%dma_start3A] : memref<128xi32, #tpu.memory_space<vmem>> -> memref<80xi32, #tpu.memory_space<vmem>>
        %dma_start3A_219 = arith.constant 49920 : i32
        %dma_start3A_220 = tpu.memref_slice %arg3[%dma_start3A_219] : memref<50000xi32, #tpu.memory_space<hbm>> -> memref<80xi32, #tpu.memory_space<hbm>>
        %dma_start3A_221 = arith.constant 0 : i32
        %dma_start3A_222 = tpu.memref_slice %arg6[%dma_start3A_221] : memref<128xi32, #tpu.memory_space<vmem>> -> memref<80xi32, #tpu.memory_space<vmem>>
        %dma_start3A_223 = arith.constant 49920 : i32
        %dma_start3A_224 = tpu.memref_slice %arg3[%dma_start3A_223] : memref<50000xi32, #tpu.memory_space<hbm>> -> memref<80xi32, #tpu.memory_space<hbm>>
        tpu.enqueue_dma source(%dma_start3A_224 : memref<80xi32, #tpu.memory_space<hbm>>) target(%dma_start3A_222 : memref<80xi32, #tpu.memory_space<vmem>>) target_semaphore(%run_scoped3A : memref<!tpu.dma_semaphore, #tpu.memory_space<semaphore_mem>>)
        %dma_wait3A = arith.constant 0 : i32
        %dma_wait3A_225 = tpu.memref_slice %arg6[%dma_wait3A] : memref<128xi32, #tpu.memory_space<vmem>> -> memref<80xi32, #tpu.memory_space<vmem>>
        %dma_wait3A_226 = arith.constant 49920 : i32
        %dma_wait3A_227 = tpu.memref_slice %arg3[%dma_wait3A_226] : memref<50000xi32, #tpu.memory_space<hbm>> -> memref<80xi32, #tpu.memory_space<hbm>>
        %dma_wait3A_228 = arith.constant 0 : i32
        %dma_wait3A_229 = tpu.memref_slice %arg6[%dma_wait3A_228] : memref<128xi32, #tpu.memory_space<vmem>> -> memref<80xi32, #tpu.memory_space<vmem>>
        %dma_wait3A_230 = arith.constant 49920 : i32
        %dma_wait3A_231 = tpu.memref_slice %arg3[%dma_wait3A_230] : memref<50000xi32, #tpu.memory_space<hbm>> -> memref<80xi32, #tpu.memory_space<hbm>>
        tpu.wait_dma2 semaphore(%run_scoped3A : memref<!tpu.dma_semaphore, #tpu.memory_space<semaphore_mem>>) src(%dma_wait3A_231 : memref<80xi32, #tpu.memory_space<hbm>>) dst(%dma_wait3A_229 : memref<80xi32, #tpu.memory_space<vmem>>)
        tpu.yield
      }) : () -> ()
      "tpu.region"() ({
        %run_scoped3A = tpu.sem_alloc : memref<!tpu.dma_semaphore, #tpu.memory_space<semaphore_mem>>
        %dma_start3A = arith.constant 0 : i32
        %dma_start3A_218 = arith.constant 0 : i32
        %dma_start3A_219 = tpu.memref_slice %arg5[%dma_start3A, %dma_start3A_218] : memref<128x128xf32, #tpu.memory_space<vmem>> -> memref<80x128xf32, #tpu.memory_space<vmem>>
        %dma_start3A_220 = arith.constant 49920 : i32
        %dma_start3A_221 = arith.constant 0 : i32
        %dma_start3A_222 = tpu.memref_slice %arg2[%dma_start3A_220, %dma_start3A_221] : memref<50000x128xf32, #tpu.memory_space<hbm>> -> memref<80x128xf32, #tpu.memory_space<hbm>>
        %dma_start3A_223 = arith.constant 0 : i32
        %dma_start3A_224 = arith.constant 0 : i32
        %dma_start3A_225 = tpu.memref_slice %arg5[%dma_start3A_223, %dma_start3A_224] : memref<128x128xf32, #tpu.memory_space<vmem>> -> memref<80x128xf32, #tpu.memory_space<vmem>>
        %dma_start3A_226 = arith.constant 49920 : i32
        %dma_start3A_227 = arith.constant 0 : i32
        %dma_start3A_228 = tpu.memref_slice %arg2[%dma_start3A_226, %dma_start3A_227] : memref<50000x128xf32, #tpu.memory_space<hbm>> -> memref<80x128xf32, #tpu.memory_space<hbm>>
        tpu.enqueue_dma source(%dma_start3A_228 : memref<80x128xf32, #tpu.memory_space<hbm>>) target(%dma_start3A_225 : memref<80x128xf32, #tpu.memory_space<vmem>>) target_semaphore(%run_scoped3A : memref<!tpu.dma_semaphore, #tpu.memory_space<semaphore_mem>>)
        %dma_wait3A = arith.constant 0 : i32
        %dma_wait3A_229 = arith.constant 0 : i32
        %dma_wait3A_230 = tpu.memref_slice %arg5[%dma_wait3A, %dma_wait3A_229] : memref<128x128xf32, #tpu.memory_space<vmem>> -> memref<80x128xf32, #tpu.memory_space<vmem>>
        %dma_wait3A_231 = arith.constant 49920 : i32
        %dma_wait3A_232 = arith.constant 0 : i32
        %dma_wait3A_233 = tpu.memref_slice %arg2[%dma_wait3A_231, %dma_wait3A_232] : memref<50000x128xf32, #tpu.memory_space<hbm>> -> memref<80x128xf32, #tpu.memory_space<hbm>>
        %dma_wait3A_234 = arith.constant 0 : i32
        %dma_wait3A_235 = arith.constant 0 : i32
        %dma_wait3A_236 = tpu.memref_slice %arg5[%dma_wait3A_234, %dma_wait3A_235] : memref<128x128xf32, #tpu.memory_space<vmem>> -> memref<80x128xf32, #tpu.memory_space<vmem>>
        %dma_wait3A_237 = arith.constant 49920 : i32
        %dma_wait3A_238 = arith.constant 0 : i32
        %dma_wait3A_239 = tpu.memref_slice %arg2[%dma_wait3A_237, %dma_wait3A_238] : memref<50000x128xf32, #tpu.memory_space<hbm>> -> memref<80x128xf32, #tpu.memory_space<hbm>>
        tpu.wait_dma2 semaphore(%run_scoped3A : memref<!tpu.dma_semaphore, #tpu.memory_space<semaphore_mem>>) src(%dma_wait3A_239 : memref<80x128xf32, #tpu.memory_space<hbm>>) dst(%dma_wait3A_236 : memref<80x128xf32, #tpu.memory_space<vmem>>)
        tpu.yield
      }) : () -> ()
      "tpu.region"() ({
        %run_scoped3A = tpu.sem_alloc : memref<!tpu.dma_semaphore, #tpu.memory_space<semaphore_mem>>
        %dma_start3A = arith.constant 0 : i32
        %dma_start3A_218 = arith.constant 0 : i32
        %dma_start3A_219 = tpu.memref_slice %arg8[%dma_start3A, %dma_start3A_218] : memref<264x128xf32, #tpu.memory_space<vmem_shared>> -> memref<264x128xf32, #tpu.memory_space<vmem_shared>>
        tpu.enqueue_indirect_dma source(%arg5 : memref<128x128xf32, #tpu.memory_space<vmem>>) target(%dma_start3A_219 : memref<264x128xf32, #tpu.memory_space<vmem_shared>>) offsets(%arg6 : memref<128xi32, #tpu.memory_space<vmem>>) semaphore(%run_scoped3A : memref<!tpu.dma_semaphore, #tpu.memory_space<semaphore_mem>>) {add = true}
        %dma_wait3A = arith.constant 0 : i32
        %dma_wait3A_220 = arith.constant 0 : i32
        %dma_wait3A_221 = tpu.memref_slice %arg8[%dma_wait3A, %dma_wait3A_220] : memref<264x128xf32, #tpu.memory_space<vmem_shared>> -> memref<264x128xf32, #tpu.memory_space<vmem_shared>>
        tpu.wait_indirect_dma semaphore(%run_scoped3A : memref<!tpu.dma_semaphore, #tpu.memory_space<semaphore_mem>>) src(%arg5 : memref<128x128xf32, #tpu.memory_space<vmem>>) dst(%dma_wait3A_221 : memref<264x128xf32, #tpu.memory_space<vmem_shared>>)
        tpu.yield
      }) : () -> ()
    } else {
    }
    %add3A_130 = arith.constant 320 : i32
    %add3A_131 = arith.addi %add3A, %add3A_130 : i32
    %lt3A_132 = arith.constant 390 : i32
    %lt3A_133 = arith.cmpi slt, %add3A_131, %lt3A_132 : i32
    %convert_element_type3A_134 = arith.extui %lt3A_133 : i1 to i32
    %cond3A_135 = arith.constant 0 : i32
    %cond3A_136 = arith.cmpi ne, %convert_element_type3A_134, %cond3A_135 : i32
    scf.if %cond3A_136 {
      %mul3A_172 = arith.constant 128 : i32
      %mul3A_173 = arith.muli %add3A_131, %mul3A_172 : i32
      "tpu.region"() ({
        %run_scoped3A = tpu.sem_alloc : memref<!tpu.dma_semaphore, #tpu.memory_space<semaphore_mem>>
        %dma_start3A = tpu.memref_slice %arg3[%mul3A_173] : memref<50000xi32, #tpu.memory_space<hbm>> -> memref<128xi32, #tpu.memory_space<hbm>>
        %dma_start3A_174 = tpu.memref_slice %arg3[%mul3A_173] : memref<50000xi32, #tpu.memory_space<hbm>> -> memref<128xi32, #tpu.memory_space<hbm>>
        tpu.enqueue_dma source(%dma_start3A_174 : memref<128xi32, #tpu.memory_space<hbm>>) target(%arg6 : memref<128xi32, #tpu.memory_space<vmem>>) target_semaphore(%run_scoped3A : memref<!tpu.dma_semaphore, #tpu.memory_space<semaphore_mem>>)
        %dma_wait3A = tpu.memref_slice %arg3[%mul3A_173] : memref<50000xi32, #tpu.memory_space<hbm>> -> memref<128xi32, #tpu.memory_space<hbm>>
        %dma_wait3A_175 = tpu.memref_slice %arg3[%mul3A_173] : memref<50000xi32, #tpu.memory_space<hbm>> -> memref<128xi32, #tpu.memory_space<hbm>>
        tpu.wait_dma2 semaphore(%run_scoped3A : memref<!tpu.dma_semaphore, #tpu.memory_space<semaphore_mem>>) src(%dma_wait3A_175 : memref<128xi32, #tpu.memory_space<hbm>>) dst(%arg6 : memref<128xi32, #tpu.memory_space<vmem>>)
        tpu.yield
      }) : () -> ()
      "tpu.region"() ({
        %run_scoped3A = tpu.sem_alloc : memref<!tpu.dma_semaphore, #tpu.memory_space<semaphore_mem>>
        %dma_start3A = arith.constant 0 : i32
        %dma_start3A_174 = tpu.memref_slice %arg2[%mul3A_173, %dma_start3A] : memref<50000x128xf32, #tpu.memory_space<hbm>> -> memref<128x128xf32, #tpu.memory_space<hbm>>
        %dma_start3A_175 = arith.constant 0 : i32
        %dma_start3A_176 = tpu.memref_slice %arg2[%mul3A_173, %dma_start3A_175] : memref<50000x128xf32, #tpu.memory_space<hbm>> -> memref<128x128xf32, #tpu.memory_space<hbm>>
        tpu.enqueue_dma source(%dma_start3A_176 : memref<128x128xf32, #tpu.memory_space<hbm>>) target(%arg5 : memref<128x128xf32, #tpu.memory_space<vmem>>) target_semaphore(%run_scoped3A : memref<!tpu.dma_semaphore, #tpu.memory_space<semaphore_mem>>)
        %dma_wait3A = arith.constant 0 : i32
        %dma_wait3A_177 = tpu.memref_slice %arg2[%mul3A_173, %dma_wait3A] : memref<50000x128xf32, #tpu.memory_space<hbm>> -> memref<128x128xf32, #tpu.memory_space<hbm>>
        %dma_wait3A_178 = arith.constant 0 : i32
        %dma_wait3A_179 = tpu.memref_slice %arg2[%mul3A_173, %dma_wait3A_178] : memref<50000x128xf32, #tpu.memory_space<hbm>> -> memref<128x128xf32, #tpu.memory_space<hbm>>
        tpu.wait_dma2 semaphore(%run_scoped3A : memref<!tpu.dma_semaphore, #tpu.memory_space<semaphore_mem>>) src(%dma_wait3A_179 : memref<128x128xf32, #tpu.memory_space<hbm>>) dst(%arg5 : memref<128x128xf32, #tpu.memory_space<vmem>>)
        tpu.yield
      }) : () -> ()
      "tpu.region"() ({
        %run_scoped3A = tpu.sem_alloc : memref<!tpu.dma_semaphore, #tpu.memory_space<semaphore_mem>>
        %dma_start3A = arith.constant 0 : i32
        %dma_start3A_174 = arith.constant 0 : i32
        %dma_start3A_175 = tpu.memref_slice %arg8[%dma_start3A, %dma_start3A_174] : memref<264x128xf32, #tpu.memory_space<vmem_shared>> -> memref<264x128xf32, #tpu.memory_space<vmem_shared>>
        tpu.enqueue_indirect_dma source(%arg5 : memref<128x128xf32, #tpu.memory_space<vmem>>) target(%dma_start3A_175 : memref<264x128xf32, #tpu.memory_space<vmem_shared>>) offsets(%arg6 : memref<128xi32, #tpu.memory_space<vmem>>) semaphore(%run_scoped3A : memref<!tpu.dma_semaphore, #tpu.memory_space<semaphore_mem>>) {add = true}
        %dma_wait3A = arith.constant 0 : i32
        %dma_wait3A_176 = arith.constant 0 : i32
        %dma_wait3A_177 = tpu.memref_slice %arg8[%dma_wait3A, %dma_wait3A_176] : memref<264x128xf32, #tpu.memory_space<vmem_shared>> -> memref<264x128xf32, #tpu.memory_space<vmem_shared>>
        tpu.wait_indirect_dma semaphore(%run_scoped3A : memref<!tpu.dma_semaphore, #tpu.memory_space<semaphore_mem>>) src(%arg5 : memref<128x128xf32, #tpu.memory_space<vmem>>) dst(%dma_wait3A_177 : memref<264x128xf32, #tpu.memory_space<vmem_shared>>)
        tpu.yield
      }) : () -> ()
    } else {
    }
    %eq3A_137 = arith.constant 390 : i32
    %eq3A_138 = arith.cmpi eq, %add3A_131, %eq3A_137 : i32
    %convert_element_type3A_139 = arith.extui %eq3A_138 : i1 to i32
    %cond3A_140 = arith.constant 0 : i32
    %cond3A_141 = arith.cmpi ne, %convert_element_type3A_139, %cond3A_140 : i32
    scf.if %cond3A_141 {
      %broadcast_in_dim3A = arith.constant 256 : i32
      %broadcast_in_dim3A_172 = vector.broadcast %broadcast_in_dim3A : i32 to vector<16xi32>
      %swap3A = arith.constant 0 : index
      %swap3A_173 = tpu.vector_load %arg6[%swap3A] {strides = array<i32>} : memref<128xi32, #tpu.memory_space<vmem>>, vector<16xi32>,
      %swap3A_174 = vector.shape_cast %swap3A_173 : vector<16xi32> to vector<16xi32>
      %swap3A_175 = vector.shape_cast %broadcast_in_dim3A_172 : vector<16xi32> to vector<16xi32>
      tpu.vector_store %arg6[%swap3A], %swap3A_175 {strides = array<i32>} : memref<128xi32, #tpu.memory_space<vmem>>, vector<16xi32>,
      %broadcast_in_dim3A_176 = arith.constant 256 : i32
      %broadcast_in_dim3A_177 = vector.broadcast %broadcast_in_dim3A_176 : i32 to vector<16xi32>
      %swap3A_178 = arith.constant 16 : index
      %swap3A_179 = tpu.vector_load %arg6[%swap3A_178] {strides = array<i32>} : memref<128xi32, #tpu.memory_space<vmem>>, vector<16xi32>,
      %swap3A_180 = vector.shape_cast %swap3A_179 : vector<16xi32> to vector<16xi32>
      %swap3A_181 = vector.shape_cast %broadcast_in_dim3A_177 : vector<16xi32> to vector<16xi32>
      tpu.vector_store %arg6[%swap3A_178], %swap3A_181 {strides = array<i32>} : memref<128xi32, #tpu.memory_space<vmem>>, vector<16xi32>,
      %broadcast_in_dim3A_182 = arith.constant 256 : i32
      %broadcast_in_dim3A_183 = vector.broadcast %broadcast_in_dim3A_182 : i32 to vector<16xi32>
      %swap3A_184 = arith.constant 32 : index
      %swap3A_185 = tpu.vector_load %arg6[%swap3A_184] {strides = array<i32>} : memref<128xi32, #tpu.memory_space<vmem>>, vector<16xi32>,
      %swap3A_186 = vector.shape_cast %swap3A_185 : vector<16xi32> to vector<16xi32>
      %swap3A_187 = vector.shape_cast %broadcast_in_dim3A_183 : vector<16xi32> to vector<16xi32>
      tpu.vector_store %arg6[%swap3A_184], %swap3A_187 {strides = array<i32>} : memref<128xi32, #tpu.memory_space<vmem>>, vector<16xi32>,
      %broadcast_in_dim3A_188 = arith.constant 256 : i32
      %broadcast_in_dim3A_189 = vector.broadcast %broadcast_in_dim3A_188 : i32 to vector<16xi32>
      %swap3A_190 = arith.constant 48 : index
      %swap3A_191 = tpu.vector_load %arg6[%swap3A_190] {strides = array<i32>} : memref<128xi32, #tpu.memory_space<vmem>>, vector<16xi32>,
      %swap3A_192 = vector.shape_cast %swap3A_191 : vector<16xi32> to vector<16xi32>
      %swap3A_193 = vector.shape_cast %broadcast_in_dim3A_189 : vector<16xi32> to vector<16xi32>
      tpu.vector_store %arg6[%swap3A_190], %swap3A_193 {strides = array<i32>} : memref<128xi32, #tpu.memory_space<vmem>>, vector<16xi32>,
      %broadcast_in_dim3A_194 = arith.constant 256 : i32
      %broadcast_in_dim3A_195 = vector.broadcast %broadcast_in_dim3A_194 : i32 to vector<16xi32>
      %swap3A_196 = arith.constant 64 : index
      %swap3A_197 = tpu.vector_load %arg6[%swap3A_196] {strides = array<i32>} : memref<128xi32, #tpu.memory_space<vmem>>, vector<16xi32>,
      %swap3A_198 = vector.shape_cast %swap3A_197 : vector<16xi32> to vector<16xi32>
      %swap3A_199 = vector.shape_cast %broadcast_in_dim3A_195 : vector<16xi32> to vector<16xi32>
      tpu.vector_store %arg6[%swap3A_196], %swap3A_199 {strides = array<i32>} : memref<128xi32, #tpu.memory_space<vmem>>, vector<16xi32>,
      %broadcast_in_dim3A_200 = arith.constant 256 : i32
      %broadcast_in_dim3A_201 = vector.broadcast %broadcast_in_dim3A_200 : i32 to vector<16xi32>
      %swap3A_202 = arith.constant 80 : index
      %swap3A_203 = tpu.vector_load %arg6[%swap3A_202] {strides = array<i32>} : memref<128xi32, #tpu.memory_space<vmem>>, vector<16xi32>,
      %swap3A_204 = vector.shape_cast %swap3A_203 : vector<16xi32> to vector<16xi32>
      %swap3A_205 = vector.shape_cast %broadcast_in_dim3A_201 : vector<16xi32> to vector<16xi32>
      tpu.vector_store %arg6[%swap3A_202], %swap3A_205 {strides = array<i32>} : memref<128xi32, #tpu.memory_space<vmem>>, vector<16xi32>,
      %broadcast_in_dim3A_206 = arith.constant 256 : i32
      %broadcast_in_dim3A_207 = vector.broadcast %broadcast_in_dim3A_206 : i32 to vector<16xi32>
      %swap3A_208 = arith.constant 96 : index
      %swap3A_209 = tpu.vector_load %arg6[%swap3A_208] {strides = array<i32>} : memref<128xi32, #tpu.memory_space<vmem>>, vector<16xi32>,
      %swap3A_210 = vector.shape_cast %swap3A_209 : vector<16xi32> to vector<16xi32>
      %swap3A_211 = vector.shape_cast %broadcast_in_dim3A_207 : vector<16xi32> to vector<16xi32>
      tpu.vector_store %arg6[%swap3A_208], %swap3A_211 {strides = array<i32>} : memref<128xi32, #tpu.memory_space<vmem>>, vector<16xi32>,
      %broadcast_in_dim3A_212 = arith.constant 256 : i32
      %broadcast_in_dim3A_213 = vector.broadcast %broadcast_in_dim3A_212 : i32 to vector<16xi32>
      %swap3A_214 = arith.constant 112 : index
      %swap3A_215 = tpu.vector_load %arg6[%swap3A_214] {strides = array<i32>} : memref<128xi32, #tpu.memory_space<vmem>>, vector<16xi32>,
      %swap3A_216 = vector.shape_cast %swap3A_215 : vector<16xi32> to vector<16xi32>
      %swap3A_217 = vector.shape_cast %broadcast_in_dim3A_213 : vector<16xi32> to vector<16xi32>
      tpu.vector_store %arg6[%swap3A_214], %swap3A_217 {strides = array<i32>} : memref<128xi32, #tpu.memory_space<vmem>>, vector<16xi32>,
      "tpu.region"() ({
        %run_scoped3A = tpu.sem_alloc : memref<!tpu.dma_semaphore, #tpu.memory_space<semaphore_mem>>
        %dma_start3A = arith.constant 0 : i32
        %dma_start3A_218 = tpu.memref_slice %arg6[%dma_start3A] : memref<128xi32, #tpu.memory_space<vmem>> -> memref<80xi32, #tpu.memory_space<vmem>>
        %dma_start3A_219 = arith.constant 49920 : i32
        %dma_start3A_220 = tpu.memref_slice %arg3[%dma_start3A_219] : memref<50000xi32, #tpu.memory_space<hbm>> -> memref<80xi32, #tpu.memory_space<hbm>>
        %dma_start3A_221 = arith.constant 0 : i32
        %dma_start3A_222 = tpu.memref_slice %arg6[%dma_start3A_221] : memref<128xi32, #tpu.memory_space<vmem>> -> memref<80xi32, #tpu.memory_space<vmem>>
        %dma_start3A_223 = arith.constant 49920 : i32
        %dma_start3A_224 = tpu.memref_slice %arg3[%dma_start3A_223] : memref<50000xi32, #tpu.memory_space<hbm>> -> memref<80xi32, #tpu.memory_space<hbm>>
        tpu.enqueue_dma source(%dma_start3A_224 : memref<80xi32, #tpu.memory_space<hbm>>) target(%dma_start3A_222 : memref<80xi32, #tpu.memory_space<vmem>>) target_semaphore(%run_scoped3A : memref<!tpu.dma_semaphore, #tpu.memory_space<semaphore_mem>>)
        %dma_wait3A = arith.constant 0 : i32
        %dma_wait3A_225 = tpu.memref_slice %arg6[%dma_wait3A] : memref<128xi32, #tpu.memory_space<vmem>> -> memref<80xi32, #tpu.memory_space<vmem>>
        %dma_wait3A_226 = arith.constant 49920 : i32
        %dma_wait3A_227 = tpu.memref_slice %arg3[%dma_wait3A_226] : memref<50000xi32, #tpu.memory_space<hbm>> -> memref<80xi32, #tpu.memory_space<hbm>>
        %dma_wait3A_228 = arith.constant 0 : i32
        %dma_wait3A_229 = tpu.memref_slice %arg6[%dma_wait3A_228] : memref<128xi32, #tpu.memory_space<vmem>> -> memref<80xi32, #tpu.memory_space<vmem>>
        %dma_wait3A_230 = arith.constant 49920 : i32
        %dma_wait3A_231 = tpu.memref_slice %arg3[%dma_wait3A_230] : memref<50000xi32, #tpu.memory_space<hbm>> -> memref<80xi32, #tpu.memory_space<hbm>>
        tpu.wait_dma2 semaphore(%run_scoped3A : memref<!tpu.dma_semaphore, #tpu.memory_space<semaphore_mem>>) src(%dma_wait3A_231 : memref<80xi32, #tpu.memory_space<hbm>>) dst(%dma_wait3A_229 : memref<80xi32, #tpu.memory_space<vmem>>)
        tpu.yield
      }) : () -> ()
      "tpu.region"() ({
        %run_scoped3A = tpu.sem_alloc : memref<!tpu.dma_semaphore, #tpu.memory_space<semaphore_mem>>
        %dma_start3A = arith.constant 0 : i32
        %dma_start3A_218 = arith.constant 0 : i32
        %dma_start3A_219 = tpu.memref_slice %arg5[%dma_start3A, %dma_start3A_218] : memref<128x128xf32, #tpu.memory_space<vmem>> -> memref<80x128xf32, #tpu.memory_space<vmem>>
        %dma_start3A_220 = arith.constant 49920 : i32
        %dma_start3A_221 = arith.constant 0 : i32
        %dma_start3A_222 = tpu.memref_slice %arg2[%dma_start3A_220, %dma_start3A_221] : memref<50000x128xf32, #tpu.memory_space<hbm>> -> memref<80x128xf32, #tpu.memory_space<hbm>>
        %dma_start3A_223 = arith.constant 0 : i32
        %dma_start3A_224 = arith.constant 0 : i32
        %dma_start3A_225 = tpu.memref_slice %arg5[%dma_start3A_223, %dma_start3A_224] : memref<128x128xf32, #tpu.memory_space<vmem>> -> memref<80x128xf32, #tpu.memory_space<vmem>>
        %dma_start3A_226 = arith.constant 49920 : i32
        %dma_start3A_227 = arith.constant 0 : i32
        %dma_start3A_228 = tpu.memref_slice %arg2[%dma_start3A_226, %dma_start3A_227] : memref<50000x128xf32, #tpu.memory_space<hbm>> -> memref<80x128xf32, #tpu.memory_space<hbm>>
        tpu.enqueue_dma source(%dma_start3A_228 : memref<80x128xf32, #tpu.memory_space<hbm>>) target(%dma_start3A_225 : memref<80x128xf32, #tpu.memory_space<vmem>>) target_semaphore(%run_scoped3A : memref<!tpu.dma_semaphore, #tpu.memory_space<semaphore_mem>>)
        %dma_wait3A = arith.constant 0 : i32
        %dma_wait3A_229 = arith.constant 0 : i32
        %dma_wait3A_230 = tpu.memref_slice %arg5[%dma_wait3A, %dma_wait3A_229] : memref<128x128xf32, #tpu.memory_space<vmem>> -> memref<80x128xf32, #tpu.memory_space<vmem>>
        %dma_wait3A_231 = arith.constant 49920 : i32
        %dma_wait3A_232 = arith.constant 0 : i32
        %dma_wait3A_233 = tpu.memref_slice %arg2[%dma_wait3A_231, %dma_wait3A_232] : memref<50000x128xf32, #tpu.memory_space<hbm>> -> memref<80x128xf32, #tpu.memory_space<hbm>>
        %dma_wait3A_234 = arith.constant 0 : i32
        %dma_wait3A_235 = arith.constant 0 : i32
        %dma_wait3A_236 = tpu.memref_slice %arg5[%dma_wait3A_234, %dma_wait3A_235] : memref<128x128xf32, #tpu.memory_space<vmem>> -> memref<80x128xf32, #tpu.memory_space<vmem>>
        %dma_wait3A_237 = arith.constant 49920 : i32
        %dma_wait3A_238 = arith.constant 0 : i32
        %dma_wait3A_239 = tpu.memref_slice %arg2[%dma_wait3A_237, %dma_wait3A_238] : memref<50000x128xf32, #tpu.memory_space<hbm>> -> memref<80x128xf32, #tpu.memory_space<hbm>>
        tpu.wait_dma2 semaphore(%run_scoped3A : memref<!tpu.dma_semaphore, #tpu.memory_space<semaphore_mem>>) src(%dma_wait3A_239 : memref<80x128xf32, #tpu.memory_space<hbm>>) dst(%dma_wait3A_236 : memref<80x128xf32, #tpu.memory_space<vmem>>)
        tpu.yield
      }) : () -> ()
      "tpu.region"() ({
        %run_scoped3A = tpu.sem_alloc : memref<!tpu.dma_semaphore, #tpu.memory_space<semaphore_mem>>
        %dma_start3A = arith.constant 0 : i32
        %dma_start3A_218 = arith.constant 0 : i32
        %dma_start3A_219 = tpu.memref_slice %arg8[%dma_start3A, %dma_start3A_218] : memref<264x128xf32, #tpu.memory_space<vmem_shared>> -> memref<264x128xf32, #tpu.memory_space<vmem_shared>>
        tpu.enqueue_indirect_dma source(%arg5 : memref<128x128xf32, #tpu.memory_space<vmem>>) target(%dma_start3A_219 : memref<264x128xf32, #tpu.memory_space<vmem_shared>>) offsets(%arg6 : memref<128xi32, #tpu.memory_space<vmem>>) semaphore(%run_scoped3A : memref<!tpu.dma_semaphore, #tpu.memory_space<semaphore_mem>>) {add = true}
        %dma_wait3A = arith.constant 0 : i32
        %dma_wait3A_220 = arith.constant 0 : i32
        %dma_wait3A_221 = tpu.memref_slice %arg8[%dma_wait3A, %dma_wait3A_220] : memref<264x128xf32, #tpu.memory_space<vmem_shared>> -> memref<264x128xf32, #tpu.memory_space<vmem_shared>>
        tpu.wait_indirect_dma semaphore(%run_scoped3A : memref<!tpu.dma_semaphore, #tpu.memory_space<semaphore_mem>>) src(%arg5 : memref<128x128xf32, #tpu.memory_space<vmem>>) dst(%dma_wait3A_221 : memref<264x128xf32, #tpu.memory_space<vmem_shared>>)
        tpu.yield
      }) : () -> ()
    } else {
    }
    %add3A_142 = arith.constant 352 : i32
    %add3A_143 = arith.addi %add3A, %add3A_142 : i32
    %lt3A_144 = arith.constant 390 : i32
    %lt3A_145 = arith.cmpi slt, %add3A_143, %lt3A_144 : i32
    %convert_element_type3A_146 = arith.extui %lt3A_145 : i1 to i32
    %cond3A_147 = arith.constant 0 : i32
    %cond3A_148 = arith.cmpi ne, %convert_element_type3A_146, %cond3A_147 : i32
    scf.if %cond3A_148 {
      %mul3A_172 = arith.constant 128 : i32
      %mul3A_173 = arith.muli %add3A_143, %mul3A_172 : i32
      "tpu.region"() ({
        %run_scoped3A = tpu.sem_alloc : memref<!tpu.dma_semaphore, #tpu.memory_space<semaphore_mem>>
        %dma_start3A = tpu.memref_slice %arg3[%mul3A_173] : memref<50000xi32, #tpu.memory_space<hbm>> -> memref<128xi32, #tpu.memory_space<hbm>>
        %dma_start3A_174 = tpu.memref_slice %arg3[%mul3A_173] : memref<50000xi32, #tpu.memory_space<hbm>> -> memref<128xi32, #tpu.memory_space<hbm>>
        tpu.enqueue_dma source(%dma_start3A_174 : memref<128xi32, #tpu.memory_space<hbm>>) target(%arg6 : memref<128xi32, #tpu.memory_space<vmem>>) target_semaphore(%run_scoped3A : memref<!tpu.dma_semaphore, #tpu.memory_space<semaphore_mem>>)
        %dma_wait3A = tpu.memref_slice %arg3[%mul3A_173] : memref<50000xi32, #tpu.memory_space<hbm>> -> memref<128xi32, #tpu.memory_space<hbm>>
        %dma_wait3A_175 = tpu.memref_slice %arg3[%mul3A_173] : memref<50000xi32, #tpu.memory_space<hbm>> -> memref<128xi32, #tpu.memory_space<hbm>>
        tpu.wait_dma2 semaphore(%run_scoped3A : memref<!tpu.dma_semaphore, #tpu.memory_space<semaphore_mem>>) src(%dma_wait3A_175 : memref<128xi32, #tpu.memory_space<hbm>>) dst(%arg6 : memref<128xi32, #tpu.memory_space<vmem>>)
        tpu.yield
      }) : () -> ()
      "tpu.region"() ({
        %run_scoped3A = tpu.sem_alloc : memref<!tpu.dma_semaphore, #tpu.memory_space<semaphore_mem>>
        %dma_start3A = arith.constant 0 : i32
        %dma_start3A_174 = tpu.memref_slice %arg2[%mul3A_173, %dma_start3A] : memref<50000x128xf32, #tpu.memory_space<hbm>> -> memref<128x128xf32, #tpu.memory_space<hbm>>
        %dma_start3A_175 = arith.constant 0 : i32
        %dma_start3A_176 = tpu.memref_slice %arg2[%mul3A_173, %dma_start3A_175] : memref<50000x128xf32, #tpu.memory_space<hbm>> -> memref<128x128xf32, #tpu.memory_space<hbm>>
        tpu.enqueue_dma source(%dma_start3A_176 : memref<128x128xf32, #tpu.memory_space<hbm>>) target(%arg5 : memref<128x128xf32, #tpu.memory_space<vmem>>) target_semaphore(%run_scoped3A : memref<!tpu.dma_semaphore, #tpu.memory_space<semaphore_mem>>)
        %dma_wait3A = arith.constant 0 : i32
        %dma_wait3A_177 = tpu.memref_slice %arg2[%mul3A_173, %dma_wait3A] : memref<50000x128xf32, #tpu.memory_space<hbm>> -> memref<128x128xf32, #tpu.memory_space<hbm>>
        %dma_wait3A_178 = arith.constant 0 : i32
        %dma_wait3A_179 = tpu.memref_slice %arg2[%mul3A_173, %dma_wait3A_178] : memref<50000x128xf32, #tpu.memory_space<hbm>> -> memref<128x128xf32, #tpu.memory_space<hbm>>
        tpu.wait_dma2 semaphore(%run_scoped3A : memref<!tpu.dma_semaphore, #tpu.memory_space<semaphore_mem>>) src(%dma_wait3A_179 : memref<128x128xf32, #tpu.memory_space<hbm>>) dst(%arg5 : memref<128x128xf32, #tpu.memory_space<vmem>>)
        tpu.yield
      }) : () -> ()
      "tpu.region"() ({
        %run_scoped3A = tpu.sem_alloc : memref<!tpu.dma_semaphore, #tpu.memory_space<semaphore_mem>>
        %dma_start3A = arith.constant 0 : i32
        %dma_start3A_174 = arith.constant 0 : i32
        %dma_start3A_175 = tpu.memref_slice %arg8[%dma_start3A, %dma_start3A_174] : memref<264x128xf32, #tpu.memory_space<vmem_shared>> -> memref<264x128xf32, #tpu.memory_space<vmem_shared>>
        tpu.enqueue_indirect_dma source(%arg5 : memref<128x128xf32, #tpu.memory_space<vmem>>) target(%dma_start3A_175 : memref<264x128xf32, #tpu.memory_space<vmem_shared>>) offsets(%arg6 : memref<128xi32, #tpu.memory_space<vmem>>) semaphore(%run_scoped3A : memref<!tpu.dma_semaphore, #tpu.memory_space<semaphore_mem>>) {add = true}
        %dma_wait3A = arith.constant 0 : i32
        %dma_wait3A_176 = arith.constant 0 : i32
        %dma_wait3A_177 = tpu.memref_slice %arg8[%dma_wait3A, %dma_wait3A_176] : memref<264x128xf32, #tpu.memory_space<vmem_shared>> -> memref<264x128xf32, #tpu.memory_space<vmem_shared>>
        tpu.wait_indirect_dma semaphore(%run_scoped3A : memref<!tpu.dma_semaphore, #tpu.memory_space<semaphore_mem>>) src(%arg5 : memref<128x128xf32, #tpu.memory_space<vmem>>) dst(%dma_wait3A_177 : memref<264x128xf32, #tpu.memory_space<vmem_shared>>)
        tpu.yield
      }) : () -> ()
    } else {
    }
    %eq3A_149 = arith.constant 390 : i32
    %eq3A_150 = arith.cmpi eq, %add3A_143, %eq3A_149 : i32
    %convert_element_type3A_151 = arith.extui %eq3A_150 : i1 to i32
    %cond3A_152 = arith.constant 0 : i32
    %cond3A_153 = arith.cmpi ne, %convert_element_type3A_151, %cond3A_152 : i32
    scf.if %cond3A_153 {
      %broadcast_in_dim3A = arith.constant 256 : i32
      %broadcast_in_dim3A_172 = vector.broadcast %broadcast_in_dim3A : i32 to vector<16xi32>
      %swap3A = arith.constant 0 : index
      %swap3A_173 = tpu.vector_load %arg6[%swap3A] {strides = array<i32>} : memref<128xi32, #tpu.memory_space<vmem>>, vector<16xi32>,
      %swap3A_174 = vector.shape_cast %swap3A_173 : vector<16xi32> to vector<16xi32>
      %swap3A_175 = vector.shape_cast %broadcast_in_dim3A_172 : vector<16xi32> to vector<16xi32>
      tpu.vector_store %arg6[%swap3A], %swap3A_175 {strides = array<i32>} : memref<128xi32, #tpu.memory_space<vmem>>, vector<16xi32>,
      %broadcast_in_dim3A_176 = arith.constant 256 : i32
      %broadcast_in_dim3A_177 = vector.broadcast %broadcast_in_dim3A_176 : i32 to vector<16xi32>
      %swap3A_178 = arith.constant 16 : index
      %swap3A_179 = tpu.vector_load %arg6[%swap3A_178] {strides = array<i32>} : memref<128xi32, #tpu.memory_space<vmem>>, vector<16xi32>,
      %swap3A_180 = vector.shape_cast %swap3A_179 : vector<16xi32> to vector<16xi32>
      %swap3A_181 = vector.shape_cast %broadcast_in_dim3A_177 : vector<16xi32> to vector<16xi32>
      tpu.vector_store %arg6[%swap3A_178], %swap3A_181 {strides = array<i32>} : memref<128xi32, #tpu.memory_space<vmem>>, vector<16xi32>,
      %broadcast_in_dim3A_182 = arith.constant 256 : i32
      %broadcast_in_dim3A_183 = vector.broadcast %broadcast_in_dim3A_182 : i32 to vector<16xi32>
      %swap3A_184 = arith.constant 32 : index
      %swap3A_185 = tpu.vector_load %arg6[%swap3A_184] {strides = array<i32>} : memref<128xi32, #tpu.memory_space<vmem>>, vector<16xi32>,
      %swap3A_186 = vector.shape_cast %swap3A_185 : vector<16xi32> to vector<16xi32>
      %swap3A_187 = vector.shape_cast %broadcast_in_dim3A_183 : vector<16xi32> to vector<16xi32>
      tpu.vector_store %arg6[%swap3A_184], %swap3A_187 {strides = array<i32>} : memref<128xi32, #tpu.memory_space<vmem>>, vector<16xi32>,
      %broadcast_in_dim3A_188 = arith.constant 256 : i32
      %broadcast_in_dim3A_189 = vector.broadcast %broadcast_in_dim3A_188 : i32 to vector<16xi32>
      %swap3A_190 = arith.constant 48 : index
      %swap3A_191 = tpu.vector_load %arg6[%swap3A_190] {strides = array<i32>} : memref<128xi32, #tpu.memory_space<vmem>>, vector<16xi32>,
      %swap3A_192 = vector.shape_cast %swap3A_191 : vector<16xi32> to vector<16xi32>
      %swap3A_193 = vector.shape_cast %broadcast_in_dim3A_189 : vector<16xi32> to vector<16xi32>
      tpu.vector_store %arg6[%swap3A_190], %swap3A_193 {strides = array<i32>} : memref<128xi32, #tpu.memory_space<vmem>>, vector<16xi32>,
      %broadcast_in_dim3A_194 = arith.constant 256 : i32
      %broadcast_in_dim3A_195 = vector.broadcast %broadcast_in_dim3A_194 : i32 to vector<16xi32>
      %swap3A_196 = arith.constant 64 : index
      %swap3A_197 = tpu.vector_load %arg6[%swap3A_196] {strides = array<i32>} : memref<128xi32, #tpu.memory_space<vmem>>, vector<16xi32>,
      %swap3A_198 = vector.shape_cast %swap3A_197 : vector<16xi32> to vector<16xi32>
      %swap3A_199 = vector.shape_cast %broadcast_in_dim3A_195 : vector<16xi32> to vector<16xi32>
      tpu.vector_store %arg6[%swap3A_196], %swap3A_199 {strides = array<i32>} : memref<128xi32, #tpu.memory_space<vmem>>, vector<16xi32>,
      %broadcast_in_dim3A_200 = arith.constant 256 : i32
      %broadcast_in_dim3A_201 = vector.broadcast %broadcast_in_dim3A_200 : i32 to vector<16xi32>
      %swap3A_202 = arith.constant 80 : index
      %swap3A_203 = tpu.vector_load %arg6[%swap3A_202] {strides = array<i32>} : memref<128xi32, #tpu.memory_space<vmem>>, vector<16xi32>,
      %swap3A_204 = vector.shape_cast %swap3A_203 : vector<16xi32> to vector<16xi32>
      %swap3A_205 = vector.shape_cast %broadcast_in_dim3A_201 : vector<16xi32> to vector<16xi32>
      tpu.vector_store %arg6[%swap3A_202], %swap3A_205 {strides = array<i32>} : memref<128xi32, #tpu.memory_space<vmem>>, vector<16xi32>,
      %broadcast_in_dim3A_206 = arith.constant 256 : i32
      %broadcast_in_dim3A_207 = vector.broadcast %broadcast_in_dim3A_206 : i32 to vector<16xi32>
      %swap3A_208 = arith.constant 96 : index
      %swap3A_209 = tpu.vector_load %arg6[%swap3A_208] {strides = array<i32>} : memref<128xi32, #tpu.memory_space<vmem>>, vector<16xi32>,
      %swap3A_210 = vector.shape_cast %swap3A_209 : vector<16xi32> to vector<16xi32>
      %swap3A_211 = vector.shape_cast %broadcast_in_dim3A_207 : vector<16xi32> to vector<16xi32>
      tpu.vector_store %arg6[%swap3A_208], %swap3A_211 {strides = array<i32>} : memref<128xi32, #tpu.memory_space<vmem>>, vector<16xi32>,
      %broadcast_in_dim3A_212 = arith.constant 256 : i32
      %broadcast_in_dim3A_213 = vector.broadcast %broadcast_in_dim3A_212 : i32 to vector<16xi32>
      %swap3A_214 = arith.constant 112 : index
      %swap3A_215 = tpu.vector_load %arg6[%swap3A_214] {strides = array<i32>} : memref<128xi32, #tpu.memory_space<vmem>>, vector<16xi32>,
      %swap3A_216 = vector.shape_cast %swap3A_215 : vector<16xi32> to vector<16xi32>
      %swap3A_217 = vector.shape_cast %broadcast_in_dim3A_213 : vector<16xi32> to vector<16xi32>
      tpu.vector_store %arg6[%swap3A_214], %swap3A_217 {strides = array<i32>} : memref<128xi32, #tpu.memory_space<vmem>>, vector<16xi32>,
      "tpu.region"() ({
        %run_scoped3A = tpu.sem_alloc : memref<!tpu.dma_semaphore, #tpu.memory_space<semaphore_mem>>
        %dma_start3A = arith.constant 0 : i32
        %dma_start3A_218 = tpu.memref_slice %arg6[%dma_start3A] : memref<128xi32, #tpu.memory_space<vmem>> -> memref<80xi32, #tpu.memory_space<vmem>>
        %dma_start3A_219 = arith.constant 49920 : i32
        %dma_start3A_220 = tpu.memref_slice %arg3[%dma_start3A_219] : memref<50000xi32, #tpu.memory_space<hbm>> -> memref<80xi32, #tpu.memory_space<hbm>>
        %dma_start3A_221 = arith.constant 0 : i32
        %dma_start3A_222 = tpu.memref_slice %arg6[%dma_start3A_221] : memref<128xi32, #tpu.memory_space<vmem>> -> memref<80xi32, #tpu.memory_space<vmem>>
        %dma_start3A_223 = arith.constant 49920 : i32
        %dma_start3A_224 = tpu.memref_slice %arg3[%dma_start3A_223] : memref<50000xi32, #tpu.memory_space<hbm>> -> memref<80xi32, #tpu.memory_space<hbm>>
        tpu.enqueue_dma source(%dma_start3A_224 : memref<80xi32, #tpu.memory_space<hbm>>) target(%dma_start3A_222 : memref<80xi32, #tpu.memory_space<vmem>>) target_semaphore(%run_scoped3A : memref<!tpu.dma_semaphore, #tpu.memory_space<semaphore_mem>>)
        %dma_wait3A = arith.constant 0 : i32
        %dma_wait3A_225 = tpu.memref_slice %arg6[%dma_wait3A] : memref<128xi32, #tpu.memory_space<vmem>> -> memref<80xi32, #tpu.memory_space<vmem>>
        %dma_wait3A_226 = arith.constant 49920 : i32
        %dma_wait3A_227 = tpu.memref_slice %arg3[%dma_wait3A_226] : memref<50000xi32, #tpu.memory_space<hbm>> -> memref<80xi32, #tpu.memory_space<hbm>>
        %dma_wait3A_228 = arith.constant 0 : i32
        %dma_wait3A_229 = tpu.memref_slice %arg6[%dma_wait3A_228] : memref<128xi32, #tpu.memory_space<vmem>> -> memref<80xi32, #tpu.memory_space<vmem>>
        %dma_wait3A_230 = arith.constant 49920 : i32
        %dma_wait3A_231 = tpu.memref_slice %arg3[%dma_wait3A_230] : memref<50000xi32, #tpu.memory_space<hbm>> -> memref<80xi32, #tpu.memory_space<hbm>>
        tpu.wait_dma2 semaphore(%run_scoped3A : memref<!tpu.dma_semaphore, #tpu.memory_space<semaphore_mem>>) src(%dma_wait3A_231 : memref<80xi32, #tpu.memory_space<hbm>>) dst(%dma_wait3A_229 : memref<80xi32, #tpu.memory_space<vmem>>)
        tpu.yield
      }) : () -> ()
      "tpu.region"() ({
        %run_scoped3A = tpu.sem_alloc : memref<!tpu.dma_semaphore, #tpu.memory_space<semaphore_mem>>
        %dma_start3A = arith.constant 0 : i32
        %dma_start3A_218 = arith.constant 0 : i32
        %dma_start3A_219 = tpu.memref_slice %arg5[%dma_start3A, %dma_start3A_218] : memref<128x128xf32, #tpu.memory_space<vmem>> -> memref<80x128xf32, #tpu.memory_space<vmem>>
        %dma_start3A_220 = arith.constant 49920 : i32
        %dma_start3A_221 = arith.constant 0 : i32
        %dma_start3A_222 = tpu.memref_slice %arg2[%dma_start3A_220, %dma_start3A_221] : memref<50000x128xf32, #tpu.memory_space<hbm>> -> memref<80x128xf32, #tpu.memory_space<hbm>>
        %dma_start3A_223 = arith.constant 0 : i32
        %dma_start3A_224 = arith.constant 0 : i32
        %dma_start3A_225 = tpu.memref_slice %arg5[%dma_start3A_223, %dma_start3A_224] : memref<128x128xf32, #tpu.memory_space<vmem>> -> memref<80x128xf32, #tpu.memory_space<vmem>>
        %dma_start3A_226 = arith.constant 49920 : i32
        %dma_start3A_227 = arith.constant 0 : i32
        %dma_start3A_228 = tpu.memref_slice %arg2[%dma_start3A_226, %dma_start3A_227] : memref<50000x128xf32, #tpu.memory_space<hbm>> -> memref<80x128xf32, #tpu.memory_space<hbm>>
        tpu.enqueue_dma source(%dma_start3A_228 : memref<80x128xf32, #tpu.memory_space<hbm>>) target(%dma_start3A_225 : memref<80x128xf32, #tpu.memory_space<vmem>>) target_semaphore(%run_scoped3A : memref<!tpu.dma_semaphore, #tpu.memory_space<semaphore_mem>>)
        %dma_wait3A = arith.constant 0 : i32
        %dma_wait3A_229 = arith.constant 0 : i32
        %dma_wait3A_230 = tpu.memref_slice %arg5[%dma_wait3A, %dma_wait3A_229] : memref<128x128xf32, #tpu.memory_space<vmem>> -> memref<80x128xf32, #tpu.memory_space<vmem>>
        %dma_wait3A_231 = arith.constant 49920 : i32
        %dma_wait3A_232 = arith.constant 0 : i32
        %dma_wait3A_233 = tpu.memref_slice %arg2[%dma_wait3A_231, %dma_wait3A_232] : memref<50000x128xf32, #tpu.memory_space<hbm>> -> memref<80x128xf32, #tpu.memory_space<hbm>>
        %dma_wait3A_234 = arith.constant 0 : i32
        %dma_wait3A_235 = arith.constant 0 : i32
        %dma_wait3A_236 = tpu.memref_slice %arg5[%dma_wait3A_234, %dma_wait3A_235] : memref<128x128xf32, #tpu.memory_space<vmem>> -> memref<80x128xf32, #tpu.memory_space<vmem>>
        %dma_wait3A_237 = arith.constant 49920 : i32
        %dma_wait3A_238 = arith.constant 0 : i32
        %dma_wait3A_239 = tpu.memref_slice %arg2[%dma_wait3A_237, %dma_wait3A_238] : memref<50000x128xf32, #tpu.memory_space<hbm>> -> memref<80x128xf32, #tpu.memory_space<hbm>>
        tpu.wait_dma2 semaphore(%run_scoped3A : memref<!tpu.dma_semaphore, #tpu.memory_space<semaphore_mem>>) src(%dma_wait3A_239 : memref<80x128xf32, #tpu.memory_space<hbm>>) dst(%dma_wait3A_236 : memref<80x128xf32, #tpu.memory_space<vmem>>)
        tpu.yield
      }) : () -> ()
      "tpu.region"() ({
        %run_scoped3A = tpu.sem_alloc : memref<!tpu.dma_semaphore, #tpu.memory_space<semaphore_mem>>
        %dma_start3A = arith.constant 0 : i32
        %dma_start3A_218 = arith.constant 0 : i32
        %dma_start3A_219 = tpu.memref_slice %arg8[%dma_start3A, %dma_start3A_218] : memref<264x128xf32, #tpu.memory_space<vmem_shared>> -> memref<264x128xf32, #tpu.memory_space<vmem_shared>>
        tpu.enqueue_indirect_dma source(%arg5 : memref<128x128xf32, #tpu.memory_space<vmem>>) target(%dma_start3A_219 : memref<264x128xf32, #tpu.memory_space<vmem_shared>>) offsets(%arg6 : memref<128xi32, #tpu.memory_space<vmem>>) semaphore(%run_scoped3A : memref<!tpu.dma_semaphore, #tpu.memory_space<semaphore_mem>>) {add = true}
        %dma_wait3A = arith.constant 0 : i32
        %dma_wait3A_220 = arith.constant 0 : i32
        %dma_wait3A_221 = tpu.memref_slice %arg8[%dma_wait3A, %dma_wait3A_220] : memref<264x128xf32, #tpu.memory_space<vmem_shared>> -> memref<264x128xf32, #tpu.memory_space<vmem_shared>>
        tpu.wait_indirect_dma semaphore(%run_scoped3A : memref<!tpu.dma_semaphore, #tpu.memory_space<semaphore_mem>>) src(%arg5 : memref<128x128xf32, #tpu.memory_space<vmem>>) dst(%dma_wait3A_221 : memref<264x128xf32, #tpu.memory_space<vmem_shared>>)
        tpu.yield
      }) : () -> ()
    } else {
    }
    %add3A_154 = arith.constant 384 : i32
    %add3A_155 = arith.addi %add3A, %add3A_154 : i32
    %lt3A_156 = arith.constant 390 : i32
    %lt3A_157 = arith.cmpi slt, %add3A_155, %lt3A_156 : i32
    %convert_element_type3A_158 = arith.extui %lt3A_157 : i1 to i32
    %cond3A_159 = arith.constant 0 : i32
    %cond3A_160 = arith.cmpi ne, %convert_element_type3A_158, %cond3A_159 : i32
    scf.if %cond3A_160 {
      %mul3A_172 = arith.constant 128 : i32
      %mul3A_173 = arith.muli %add3A_155, %mul3A_172 : i32
      "tpu.region"() ({
        %run_scoped3A = tpu.sem_alloc : memref<!tpu.dma_semaphore, #tpu.memory_space<semaphore_mem>>
        %dma_start3A = tpu.memref_slice %arg3[%mul3A_173] : memref<50000xi32, #tpu.memory_space<hbm>> -> memref<128xi32, #tpu.memory_space<hbm>>
        %dma_start3A_174 = tpu.memref_slice %arg3[%mul3A_173] : memref<50000xi32, #tpu.memory_space<hbm>> -> memref<128xi32, #tpu.memory_space<hbm>>
        tpu.enqueue_dma source(%dma_start3A_174 : memref<128xi32, #tpu.memory_space<hbm>>) target(%arg6 : memref<128xi32, #tpu.memory_space<vmem>>) target_semaphore(%run_scoped3A : memref<!tpu.dma_semaphore, #tpu.memory_space<semaphore_mem>>)
        %dma_wait3A = tpu.memref_slice %arg3[%mul3A_173] : memref<50000xi32, #tpu.memory_space<hbm>> -> memref<128xi32, #tpu.memory_space<hbm>>
        %dma_wait3A_175 = tpu.memref_slice %arg3[%mul3A_173] : memref<50000xi32, #tpu.memory_space<hbm>> -> memref<128xi32, #tpu.memory_space<hbm>>
        tpu.wait_dma2 semaphore(%run_scoped3A : memref<!tpu.dma_semaphore, #tpu.memory_space<semaphore_mem>>) src(%dma_wait3A_175 : memref<128xi32, #tpu.memory_space<hbm>>) dst(%arg6 : memref<128xi32, #tpu.memory_space<vmem>>)
        tpu.yield
      }) : () -> ()
      "tpu.region"() ({
        %run_scoped3A = tpu.sem_alloc : memref<!tpu.dma_semaphore, #tpu.memory_space<semaphore_mem>>
        %dma_start3A = arith.constant 0 : i32
        %dma_start3A_174 = tpu.memref_slice %arg2[%mul3A_173, %dma_start3A] : memref<50000x128xf32, #tpu.memory_space<hbm>> -> memref<128x128xf32, #tpu.memory_space<hbm>>
        %dma_start3A_175 = arith.constant 0 : i32
        %dma_start3A_176 = tpu.memref_slice %arg2[%mul3A_173, %dma_start3A_175] : memref<50000x128xf32, #tpu.memory_space<hbm>> -> memref<128x128xf32, #tpu.memory_space<hbm>>
        tpu.enqueue_dma source(%dma_start3A_176 : memref<128x128xf32, #tpu.memory_space<hbm>>) target(%arg5 : memref<128x128xf32, #tpu.memory_space<vmem>>) target_semaphore(%run_scoped3A : memref<!tpu.dma_semaphore, #tpu.memory_space<semaphore_mem>>)
        %dma_wait3A = arith.constant 0 : i32
        %dma_wait3A_177 = tpu.memref_slice %arg2[%mul3A_173, %dma_wait3A] : memref<50000x128xf32, #tpu.memory_space<hbm>> -> memref<128x128xf32, #tpu.memory_space<hbm>>
        %dma_wait3A_178 = arith.constant 0 : i32
        %dma_wait3A_179 = tpu.memref_slice %arg2[%mul3A_173, %dma_wait3A_178] : memref<50000x128xf32, #tpu.memory_space<hbm>> -> memref<128x128xf32, #tpu.memory_space<hbm>>
        tpu.wait_dma2 semaphore(%run_scoped3A : memref<!tpu.dma_semaphore, #tpu.memory_space<semaphore_mem>>) src(%dma_wait3A_179 : memref<128x128xf32, #tpu.memory_space<hbm>>) dst(%arg5 : memref<128x128xf32, #tpu.memory_space<vmem>>)
        tpu.yield
      }) : () -> ()
      "tpu.region"() ({
        %run_scoped3A = tpu.sem_alloc : memref<!tpu.dma_semaphore, #tpu.memory_space<semaphore_mem>>
        %dma_start3A = arith.constant 0 : i32
        %dma_start3A_174 = arith.constant 0 : i32
        %dma_start3A_175 = tpu.memref_slice %arg8[%dma_start3A, %dma_start3A_174] : memref<264x128xf32, #tpu.memory_space<vmem_shared>> -> memref<264x128xf32, #tpu.memory_space<vmem_shared>>
        tpu.enqueue_indirect_dma source(%arg5 : memref<128x128xf32, #tpu.memory_space<vmem>>) target(%dma_start3A_175 : memref<264x128xf32, #tpu.memory_space<vmem_shared>>) offsets(%arg6 : memref<128xi32, #tpu.memory_space<vmem>>) semaphore(%run_scoped3A : memref<!tpu.dma_semaphore, #tpu.memory_space<semaphore_mem>>) {add = true}
        %dma_wait3A = arith.constant 0 : i32
        %dma_wait3A_176 = arith.constant 0 : i32
        %dma_wait3A_177 = tpu.memref_slice %arg8[%dma_wait3A, %dma_wait3A_176] : memref<264x128xf32, #tpu.memory_space<vmem_shared>> -> memref<264x128xf32, #tpu.memory_space<vmem_shared>>
        tpu.wait_indirect_dma semaphore(%run_scoped3A : memref<!tpu.dma_semaphore, #tpu.memory_space<semaphore_mem>>) src(%arg5 : memref<128x128xf32, #tpu.memory_space<vmem>>) dst(%dma_wait3A_177 : memref<264x128xf32, #tpu.memory_space<vmem_shared>>)
        tpu.yield
      }) : () -> ()
    } else {
    }
    %eq3A_161 = arith.constant 390 : i32
    %eq3A_162 = arith.cmpi eq, %add3A_155, %eq3A_161 : i32
    %convert_element_type3A_163 = arith.extui %eq3A_162 : i1 to i32
    %cond3A_164 = arith.constant 0 : i32
    %cond3A_165 = arith.cmpi ne, %convert_element_type3A_163, %cond3A_164 : i32
    scf.if %cond3A_165 {
      %broadcast_in_dim3A = arith.constant 256 : i32
      %broadcast_in_dim3A_172 = vector.broadcast %broadcast_in_dim3A : i32 to vector<16xi32>
      %swap3A = arith.constant 0 : index
      %swap3A_173 = tpu.vector_load %arg6[%swap3A] {strides = array<i32>} : memref<128xi32, #tpu.memory_space<vmem>>, vector<16xi32>,
      %swap3A_174 = vector.shape_cast %swap3A_173 : vector<16xi32> to vector<16xi32>
      %swap3A_175 = vector.shape_cast %broadcast_in_dim3A_172 : vector<16xi32> to vector<16xi32>
      tpu.vector_store %arg6[%swap3A], %swap3A_175 {strides = array<i32>} : memref<128xi32, #tpu.memory_space<vmem>>, vector<16xi32>,
      %broadcast_in_dim3A_176 = arith.constant 256 : i32
      %broadcast_in_dim3A_177 = vector.broadcast %broadcast_in_dim3A_176 : i32 to vector<16xi32>
      %swap3A_178 = arith.constant 16 : index
      %swap3A_179 = tpu.vector_load %arg6[%swap3A_178] {strides = array<i32>} : memref<128xi32, #tpu.memory_space<vmem>>, vector<16xi32>,
      %swap3A_180 = vector.shape_cast %swap3A_179 : vector<16xi32> to vector<16xi32>
      %swap3A_181 = vector.shape_cast %broadcast_in_dim3A_177 : vector<16xi32> to vector<16xi32>
      tpu.vector_store %arg6[%swap3A_178], %swap3A_181 {strides = array<i32>} : memref<128xi32, #tpu.memory_space<vmem>>, vector<16xi32>,
      %broadcast_in_dim3A_182 = arith.constant 256 : i32
      %broadcast_in_dim3A_183 = vector.broadcast %broadcast_in_dim3A_182 : i32 to vector<16xi32>
      %swap3A_184 = arith.constant 32 : index
      %swap3A_185 = tpu.vector_load %arg6[%swap3A_184] {strides = array<i32>} : memref<128xi32, #tpu.memory_space<vmem>>, vector<16xi32>,
      %swap3A_186 = vector.shape_cast %swap3A_185 : vector<16xi32> to vector<16xi32>
      %swap3A_187 = vector.shape_cast %broadcast_in_dim3A_183 : vector<16xi32> to vector<16xi32>
      tpu.vector_store %arg6[%swap3A_184], %swap3A_187 {strides = array<i32>} : memref<128xi32, #tpu.memory_space<vmem>>, vector<16xi32>,
      %broadcast_in_dim3A_188 = arith.constant 256 : i32
      %broadcast_in_dim3A_189 = vector.broadcast %broadcast_in_dim3A_188 : i32 to vector<16xi32>
      %swap3A_190 = arith.constant 48 : index
      %swap3A_191 = tpu.vector_load %arg6[%swap3A_190] {strides = array<i32>} : memref<128xi32, #tpu.memory_space<vmem>>, vector<16xi32>,
      %swap3A_192 = vector.shape_cast %swap3A_191 : vector<16xi32> to vector<16xi32>
      %swap3A_193 = vector.shape_cast %broadcast_in_dim3A_189 : vector<16xi32> to vector<16xi32>
      tpu.vector_store %arg6[%swap3A_190], %swap3A_193 {strides = array<i32>} : memref<128xi32, #tpu.memory_space<vmem>>, vector<16xi32>,
      %broadcast_in_dim3A_194 = arith.constant 256 : i32
      %broadcast_in_dim3A_195 = vector.broadcast %broadcast_in_dim3A_194 : i32 to vector<16xi32>
      %swap3A_196 = arith.constant 64 : index
      %swap3A_197 = tpu.vector_load %arg6[%swap3A_196] {strides = array<i32>} : memref<128xi32, #tpu.memory_space<vmem>>, vector<16xi32>,
      %swap3A_198 = vector.shape_cast %swap3A_197 : vector<16xi32> to vector<16xi32>
      %swap3A_199 = vector.shape_cast %broadcast_in_dim3A_195 : vector<16xi32> to vector<16xi32>
      tpu.vector_store %arg6[%swap3A_196], %swap3A_199 {strides = array<i32>} : memref<128xi32, #tpu.memory_space<vmem>>, vector<16xi32>,
      %broadcast_in_dim3A_200 = arith.constant 256 : i32
      %broadcast_in_dim3A_201 = vector.broadcast %broadcast_in_dim3A_200 : i32 to vector<16xi32>
      %swap3A_202 = arith.constant 80 : index
      %swap3A_203 = tpu.vector_load %arg6[%swap3A_202] {strides = array<i32>} : memref<128xi32, #tpu.memory_space<vmem>>, vector<16xi32>,
      %swap3A_204 = vector.shape_cast %swap3A_203 : vector<16xi32> to vector<16xi32>
      %swap3A_205 = vector.shape_cast %broadcast_in_dim3A_201 : vector<16xi32> to vector<16xi32>
      tpu.vector_store %arg6[%swap3A_202], %swap3A_205 {strides = array<i32>} : memref<128xi32, #tpu.memory_space<vmem>>, vector<16xi32>,
      %broadcast_in_dim3A_206 = arith.constant 256 : i32
      %broadcast_in_dim3A_207 = vector.broadcast %broadcast_in_dim3A_206 : i32 to vector<16xi32>
      %swap3A_208 = arith.constant 96 : index
      %swap3A_209 = tpu.vector_load %arg6[%swap3A_208] {strides = array<i32>} : memref<128xi32, #tpu.memory_space<vmem>>, vector<16xi32>,
      %swap3A_210 = vector.shape_cast %swap3A_209 : vector<16xi32> to vector<16xi32>
      %swap3A_211 = vector.shape_cast %broadcast_in_dim3A_207 : vector<16xi32> to vector<16xi32>
      tpu.vector_store %arg6[%swap3A_208], %swap3A_211 {strides = array<i32>} : memref<128xi32, #tpu.memory_space<vmem>>, vector<16xi32>,
      %broadcast_in_dim3A_212 = arith.constant 256 : i32
      %broadcast_in_dim3A_213 = vector.broadcast %broadcast_in_dim3A_212 : i32 to vector<16xi32>
      %swap3A_214 = arith.constant 112 : index
      %swap3A_215 = tpu.vector_load %arg6[%swap3A_214] {strides = array<i32>} : memref<128xi32, #tpu.memory_space<vmem>>, vector<16xi32>,
      %swap3A_216 = vector.shape_cast %swap3A_215 : vector<16xi32> to vector<16xi32>
      %swap3A_217 = vector.shape_cast %broadcast_in_dim3A_213 : vector<16xi32> to vector<16xi32>
      tpu.vector_store %arg6[%swap3A_214], %swap3A_217 {strides = array<i32>} : memref<128xi32, #tpu.memory_space<vmem>>, vector<16xi32>,
      "tpu.region"() ({
        %run_scoped3A = tpu.sem_alloc : memref<!tpu.dma_semaphore, #tpu.memory_space<semaphore_mem>>
        %dma_start3A = arith.constant 0 : i32
        %dma_start3A_218 = tpu.memref_slice %arg6[%dma_start3A] : memref<128xi32, #tpu.memory_space<vmem>> -> memref<80xi32, #tpu.memory_space<vmem>>
        %dma_start3A_219 = arith.constant 49920 : i32
        %dma_start3A_220 = tpu.memref_slice %arg3[%dma_start3A_219] : memref<50000xi32, #tpu.memory_space<hbm>> -> memref<80xi32, #tpu.memory_space<hbm>>
        %dma_start3A_221 = arith.constant 0 : i32
        %dma_start3A_222 = tpu.memref_slice %arg6[%dma_start3A_221] : memref<128xi32, #tpu.memory_space<vmem>> -> memref<80xi32, #tpu.memory_space<vmem>>
        %dma_start3A_223 = arith.constant 49920 : i32
        %dma_start3A_224 = tpu.memref_slice %arg3[%dma_start3A_223] : memref<50000xi32, #tpu.memory_space<hbm>> -> memref<80xi32, #tpu.memory_space<hbm>>
        tpu.enqueue_dma source(%dma_start3A_224 : memref<80xi32, #tpu.memory_space<hbm>>) target(%dma_start3A_222 : memref<80xi32, #tpu.memory_space<vmem>>) target_semaphore(%run_scoped3A : memref<!tpu.dma_semaphore, #tpu.memory_space<semaphore_mem>>)
        %dma_wait3A = arith.constant 0 : i32
        %dma_wait3A_225 = tpu.memref_slice %arg6[%dma_wait3A] : memref<128xi32, #tpu.memory_space<vmem>> -> memref<80xi32, #tpu.memory_space<vmem>>
        %dma_wait3A_226 = arith.constant 49920 : i32
        %dma_wait3A_227 = tpu.memref_slice %arg3[%dma_wait3A_226] : memref<50000xi32, #tpu.memory_space<hbm>> -> memref<80xi32, #tpu.memory_space<hbm>>
        %dma_wait3A_228 = arith.constant 0 : i32
        %dma_wait3A_229 = tpu.memref_slice %arg6[%dma_wait3A_228] : memref<128xi32, #tpu.memory_space<vmem>> -> memref<80xi32, #tpu.memory_space<vmem>>
        %dma_wait3A_230 = arith.constant 49920 : i32
        %dma_wait3A_231 = tpu.memref_slice %arg3[%dma_wait3A_230] : memref<50000xi32, #tpu.memory_space<hbm>> -> memref<80xi32, #tpu.memory_space<hbm>>
        tpu.wait_dma2 semaphore(%run_scoped3A : memref<!tpu.dma_semaphore, #tpu.memory_space<semaphore_mem>>) src(%dma_wait3A_231 : memref<80xi32, #tpu.memory_space<hbm>>) dst(%dma_wait3A_229 : memref<80xi32, #tpu.memory_space<vmem>>)
        tpu.yield
      }) : () -> ()
      "tpu.region"() ({
        %run_scoped3A = tpu.sem_alloc : memref<!tpu.dma_semaphore, #tpu.memory_space<semaphore_mem>>
        %dma_start3A = arith.constant 0 : i32
        %dma_start3A_218 = arith.constant 0 : i32
        %dma_start3A_219 = tpu.memref_slice %arg5[%dma_start3A, %dma_start3A_218] : memref<128x128xf32, #tpu.memory_space<vmem>> -> memref<80x128xf32, #tpu.memory_space<vmem>>
        %dma_start3A_220 = arith.constant 49920 : i32
        %dma_start3A_221 = arith.constant 0 : i32
        %dma_start3A_222 = tpu.memref_slice %arg2[%dma_start3A_220, %dma_start3A_221] : memref<50000x128xf32, #tpu.memory_space<hbm>> -> memref<80x128xf32, #tpu.memory_space<hbm>>
        %dma_start3A_223 = arith.constant 0 : i32
        %dma_start3A_224 = arith.constant 0 : i32
        %dma_start3A_225 = tpu.memref_slice %arg5[%dma_start3A_223, %dma_start3A_224] : memref<128x128xf32, #tpu.memory_space<vmem>> -> memref<80x128xf32, #tpu.memory_space<vmem>>
        %dma_start3A_226 = arith.constant 49920 : i32
        %dma_start3A_227 = arith.constant 0 : i32
        %dma_start3A_228 = tpu.memref_slice %arg2[%dma_start3A_226, %dma_start3A_227] : memref<50000x128xf32, #tpu.memory_space<hbm>> -> memref<80x128xf32, #tpu.memory_space<hbm>>
        tpu.enqueue_dma source(%dma_start3A_228 : memref<80x128xf32, #tpu.memory_space<hbm>>) target(%dma_start3A_225 : memref<80x128xf32, #tpu.memory_space<vmem>>) target_semaphore(%run_scoped3A : memref<!tpu.dma_semaphore, #tpu.memory_space<semaphore_mem>>)
        %dma_wait3A = arith.constant 0 : i32
        %dma_wait3A_229 = arith.constant 0 : i32
        %dma_wait3A_230 = tpu.memref_slice %arg5[%dma_wait3A, %dma_wait3A_229] : memref<128x128xf32, #tpu.memory_space<vmem>> -> memref<80x128xf32, #tpu.memory_space<vmem>>
        %dma_wait3A_231 = arith.constant 49920 : i32
        %dma_wait3A_232 = arith.constant 0 : i32
        %dma_wait3A_233 = tpu.memref_slice %arg2[%dma_wait3A_231, %dma_wait3A_232] : memref<50000x128xf32, #tpu.memory_space<hbm>> -> memref<80x128xf32, #tpu.memory_space<hbm>>
        %dma_wait3A_234 = arith.constant 0 : i32
        %dma_wait3A_235 = arith.constant 0 : i32
        %dma_wait3A_236 = tpu.memref_slice %arg5[%dma_wait3A_234, %dma_wait3A_235] : memref<128x128xf32, #tpu.memory_space<vmem>> -> memref<80x128xf32, #tpu.memory_space<vmem>>
        %dma_wait3A_237 = arith.constant 49920 : i32
        %dma_wait3A_238 = arith.constant 0 : i32
        %dma_wait3A_239 = tpu.memref_slice %arg2[%dma_wait3A_237, %dma_wait3A_238] : memref<50000x128xf32, #tpu.memory_space<hbm>> -> memref<80x128xf32, #tpu.memory_space<hbm>>
        tpu.wait_dma2 semaphore(%run_scoped3A : memref<!tpu.dma_semaphore, #tpu.memory_space<semaphore_mem>>) src(%dma_wait3A_239 : memref<80x128xf32, #tpu.memory_space<hbm>>) dst(%dma_wait3A_236 : memref<80x128xf32, #tpu.memory_space<vmem>>)
        tpu.yield
      }) : () -> ()
      "tpu.region"() ({
        %run_scoped3A = tpu.sem_alloc : memref<!tpu.dma_semaphore, #tpu.memory_space<semaphore_mem>>
        %dma_start3A = arith.constant 0 : i32
        %dma_start3A_218 = arith.constant 0 : i32
        %dma_start3A_219 = tpu.memref_slice %arg8[%dma_start3A, %dma_start3A_218] : memref<264x128xf32, #tpu.memory_space<vmem_shared>> -> memref<264x128xf32, #tpu.memory_space<vmem_shared>>
        tpu.enqueue_indirect_dma source(%arg5 : memref<128x128xf32, #tpu.memory_space<vmem>>) target(%dma_start3A_219 : memref<264x128xf32, #tpu.memory_space<vmem_shared>>) offsets(%arg6 : memref<128xi32, #tpu.memory_space<vmem>>) semaphore(%run_scoped3A : memref<!tpu.dma_semaphore, #tpu.memory_space<semaphore_mem>>) {add = true}
        %dma_wait3A = arith.constant 0 : i32
        %dma_wait3A_220 = arith.constant 0 : i32
        %dma_wait3A_221 = tpu.memref_slice %arg8[%dma_wait3A, %dma_wait3A_220] : memref<264x128xf32, #tpu.memory_space<vmem_shared>> -> memref<264x128xf32, #tpu.memory_space<vmem_shared>>
        tpu.wait_indirect_dma semaphore(%run_scoped3A : memref<!tpu.dma_semaphore, #tpu.memory_space<semaphore_mem>>) src(%arg5 : memref<128x128xf32, #tpu.memory_space<vmem>>) dst(%dma_wait3A_221 : memref<264x128xf32, #tpu.memory_space<vmem_shared>>)
        tpu.yield
      }) : () -> ()
    } else {
    }
    %barrier3A_166 = arith.constant 0 : index
    tpu.barrier barrier_id(%barrier3A_166)
    %eq3A_167 = arith.constant 0 : i32
    %eq3A_168 = arith.cmpi eq, %arg1, %eq3A_167 : i32
    %convert_element_type3A_169 = arith.extui %eq3A_168 : i1 to i32
    %cond3A_170 = arith.constant 0 : i32
    %cond3A_171 = arith.cmpi ne, %convert_element_type3A_169, %cond3A_170 : i32
    scf.if %cond3A_171 {
      "tpu.region"() ({
        %run_scoped3A = tpu.sem_alloc : memref<!tpu.dma_semaphore, #tpu.memory_space<semaphore_mem>>
        %dma_start3A = arith.constant 0 : i32
        %dma_start3A_172 = arith.constant 0 : i32
        %dma_start3A_173 = tpu.memref_slice %arg4[%arg0, %dma_start3A, %dma_start3A_172] : memref<2x256x128xf32, #tpu.memory_space<hbm>> -> memref<1x256x128xf32, #tpu.memory_space<hbm>>
        %dma_start3A_174 = tpu.memref_squeeze %dma_start3A_173 : memref<1x256x128xf32, #tpu.memory_space<hbm>> -> memref<256x128xf32, #tpu.memory_space<hbm>>
        %dma_start3A_175 = arith.constant 0 : i32
        %dma_start3A_176 = arith.constant 0 : i32
        %dma_start3A_177 = tpu.memref_slice %arg8[%dma_start3A_175, %dma_start3A_176] : memref<264x128xf32, #tpu.memory_space<vmem_shared>> -> memref<256x128xf32, #tpu.memory_space<vmem_shared>>
        tpu.enqueue_dma source(%dma_start3A_177 : memref<256x128xf32, #tpu.memory_space<vmem_shared>>) target(%dma_start3A_174 : memref<256x128xf32, #tpu.memory_space<hbm>>) target_semaphore(%run_scoped3A : memref<!tpu.dma_semaphore, #tpu.memory_space<semaphore_mem>>)
        %dma_wait3A = arith.constant 0 : i32
        %dma_wait3A_178 = arith.constant 0 : i32
        %dma_wait3A_179 = tpu.memref_slice %arg4[%arg0, %dma_wait3A, %dma_wait3A_178] : memref<2x256x128xf32, #tpu.memory_space<hbm>> -> memref<1x256x128xf32, #tpu.memory_space<hbm>>
        %dma_wait3A_180 = tpu.memref_squeeze %dma_wait3A_179 : memref<1x256x128xf32, #tpu.memory_space<hbm>> -> memref<256x128xf32, #tpu.memory_space<hbm>>
        %dma_wait3A_181 = arith.constant 0 : i32
        %dma_wait3A_182 = arith.constant 0 : i32
        %dma_wait3A_183 = tpu.memref_slice %arg8[%dma_wait3A_181, %dma_wait3A_182] : memref<264x128xf32, #tpu.memory_space<vmem_shared>> -> memref<256x128xf32, #tpu.memory_space<vmem_shared>>
        tpu.wait_dma2 semaphore(%run_scoped3A : memref<!tpu.dma_semaphore, #tpu.memory_space<semaphore_mem>>) src(%dma_wait3A_183 : memref<256x128xf32, #tpu.memory_space<vmem_shared>>) dst(%dma_wait3A_180 : memref<256x128xf32, #tpu.memory_space<hbm>>)
        tpu.yield
      }) : () -> ()
    } else {
    }
    return
  }
}

module attributes {stable_mosaic.version = 14 : i64} {
  func.func @_pass1_kernel(%arg0: i32, %arg1: memref<5000x384xf32, #tpu.memory_space<vmem>>, %arg2: memref<1x1x5000xi32, #tpu.memory_space<vmem>>, %arg3: memref<5000x128xf32, #tpu.memory_space<vmem>>, %arg4: memref<1x256xf32, #tpu.memory_space<vmem>>) attributes {dimension_semantics = [#tpu.dimension_semantics<arbitrary>], iteration_bounds = array<i64: 10>, scalar_prefetch = 0 : i64, scratch_operands = 0 : i64, tpu.core_type = #tpu.core_type<tc>, window_params = [{transform_indices = @transform_0, window_bounds = array<i64: 5000, 384>}, {transform_indices = @transform_1, window_bounds = array<i64: 1, 1, 5000>}, {transform_indices = @transform_2, window_bounds = array<i64: 5000, 128>}, {pipeline_mode = #tpu.pipeline_mode<synchronous>, transform_indices = @transform_3, window_bounds = array<i64: 1, 256>}]} {
    %get3A = arith.constant 0 : index
    %get3A_0 = arith.constant 0 : index
    %get3A_1 = vector.load %arg1[%get3A, %get3A_0] : memref<5000x384xf32, #tpu.memory_space<vmem>>, vector<5000x384xf32>
    %slice3A = vector.extract_strided_slice %get3A_1 {offsets = [0, 0], sizes = [5000, 128], strides = [1, 1]} : vector<5000x384xf32> to vector<5000x128xf32>
    %slice3A_2 = vector.extract_strided_slice %get3A_1 {offsets = [0, 128], sizes = [5000, 128], strides = [1, 1]} : vector<5000x384xf32> to vector<5000x128xf32>
    %slice3A_3 = vector.extract_strided_slice %get3A_1 {offsets = [0, 256], sizes = [5000, 128], strides = [1, 1]} : vector<5000x384xf32> to vector<5000x128xf32>
    %mul3A = arith.mulf %slice3A, %slice3A : vector<5000x128xf32>
    %mul3A_4 = arith.mulf %slice3A_2, %slice3A_2 : vector<5000x128xf32>
    %add3A = arith.addf %mul3A, %mul3A_4 : vector<5000x128xf32>
    %mul3A_5 = arith.mulf %slice3A_3, %slice3A_3 : vector<5000x128xf32>
    %add3A_6 = arith.addf %add3A, %mul3A_5 : vector<5000x128xf32>
    %sqrt3A = math.sqrt %add3A_6 : vector<5000x128xf32>
    %swap3A = arith.constant 0 : index
    %swap3A_7 = arith.constant 0 : index
    %swap3A_8 = vector.load %arg3[%swap3A, %swap3A_7] : memref<5000x128xf32, #tpu.memory_space<vmem>>, vector<5000x128xf32>
    tpu.vector_store %arg3[%swap3A, %swap3A_7], %sqrt3A {strides = array<i32>} : memref<5000x128xf32, #tpu.memory_space<vmem>>, vector<5000x128xf32>,
    %get3A_9 = arith.constant 0 : index
    %get3A_10 = arith.constant 0 : index
    %get3A_11 = arith.constant 0 : index
    %get3A_12 = vector.load %arg2[%get3A_9, %get3A_10, %get3A_11] : memref<1x1x5000xi32, #tpu.memory_space<vmem>>, vector<1x1x5000xi32>
    %get3A_13 = vector.shape_cast %get3A_12 : vector<1x1x5000xi32> to vector<5000xi32>
    %iota3A = tpu.iota {dimensions = array<i32: 0>} : vector<256x5000xi32>
    %broadcast_in_dim3A = vector.shape_cast %get3A_13 : vector<5000xi32> to vector<1x5000xi32>
    %eq3A = vector.broadcast %broadcast_in_dim3A : vector<1x5000xi32> to vector<256x5000xi32>
    %eq3A_14 = arith.cmpi eq, %iota3A, %eq3A : vector<256x5000xi32>
    %convert_element_type3A = arith.extui %eq3A_14 : vector<256x5000xi1> to vector<256x5000xi32>
    %convert_element_type3A_15 = arith.sitofp %convert_element_type3A : vector<256x5000xi32> to vector<256x5000xf32>
    %reduce_sum3A = arith.constant dense<0.000000e+00> : vector<256xf32>
    %reduce_sum3A_16 = vector.multi_reduction <add>, %convert_element_type3A_15, %reduce_sum3A [1] : vector<256x5000xf32> to vector<256xf32>
    %broadcast_in_dim3A_17 = vector.shape_cast %reduce_sum3A_16 : vector<256xf32> to vector<1x256xf32>
    %eq3A_18 = arith.constant 0 : i32
    %eq3A_19 = arith.cmpi eq, %arg0, %eq3A_18 : i32
    %convert_element_type3A_20 = arith.extui %eq3A_19 : i1 to i32
    %cond3A = arith.constant 0 : i32
    %cond3A_21 = arith.cmpi ne, %convert_element_type3A_20, %cond3A : i32
    scf.if %cond3A_21 {
      %broadcast_in_dim3A_29 = arith.constant 0.000000e+00 : f32
      %broadcast_in_dim3A_30 = vector.broadcast %broadcast_in_dim3A_29 : f32 to vector<1x256xf32>
      %swap3A_31 = arith.constant 0 : index
      %swap3A_32 = arith.constant 0 : index
      %swap3A_33 = vector.load %arg4[%swap3A_31, %swap3A_32] : memref<1x256xf32, #tpu.memory_space<vmem>>, vector<1x256xf32>
      tpu.vector_store %arg4[%swap3A_31, %swap3A_32], %broadcast_in_dim3A_30 {strides = array<i32>} : memref<1x256xf32, #tpu.memory_space<vmem>>, vector<1x256xf32>,
    } else {
    }
    %get3A_22 = arith.constant 0 : index
    %get3A_23 = arith.constant 0 : index
    %get3A_24 = vector.load %arg4[%get3A_22, %get3A_23] : memref<1x256xf32, #tpu.memory_space<vmem>>, vector<1x256xf32>
    %add3A_25 = arith.addf %get3A_24, %broadcast_in_dim3A_17 : vector<1x256xf32>
    %swap3A_26 = arith.constant 0 : index
    %swap3A_27 = arith.constant 0 : index
    %swap3A_28 = vector.load %arg4[%swap3A_26, %swap3A_27] : memref<1x256xf32, #tpu.memory_space<vmem>>, vector<1x256xf32>
    tpu.vector_store %arg4[%swap3A_26, %swap3A_27], %add3A_25 {strides = array<i32>} : memref<1x256xf32, #tpu.memory_space<vmem>>, vector<1x256xf32>,
    return
  }
  func.func @transform_0(%arg0: i32) -> (i32, i32) {
    %c0_i32 = arith.constant 0 : i32
    %c0_i32_0 = arith.constant 0 : i32
    return %arg0, %c0_i32 : i32, i32
  }
  func.func @transform_1(%arg0: i32) -> (i32, i32, i32) {
    %c0_i32 = arith.constant 0 : i32
    %c0_i32_0 = arith.constant 0 : i32
    %c0_i32_1 = arith.constant 0 : i32
    return %arg0, %c0_i32, %c0_i32_0 : i32, i32, i32
  }
  func.func @transform_2(%arg0: i32) -> (i32, i32) {
    %c0_i32 = arith.constant 0 : i32
    %c0_i32_0 = arith.constant 0 : i32
    return %arg0, %c0_i32 : i32, i32
  }
  func.func @transform_3(%arg0: i32) -> (i32, i32) {
    %c0_i32 = arith.constant 0 : i32
    %c0_i32_0 = arith.constant 0 : i32
    %c0_i32_1 = arith.constant 0 : i32
    return %c0_i32, %c0_i32_0 : i32, i32
  }
}

module attributes {stable_mosaic.version = 14 : i64} {
  func.func @_pass2_kernel(%arg0: i32, %arg1: memref<5000x384xf32, #tpu.memory_space<vmem>>, %arg2: memref<1x1x5000xi32, #tpu.memory_space<vmem>>, %arg3: memref<2x256x128xf32, #tpu.memory_space<vmem>>, %arg4: memref<1x256xf32, #tpu.memory_space<vmem>>, %arg5: memref<1x1x128xf32, #tpu.memory_space<vmem>>, %arg6: memref<5000x384xf32, #tpu.memory_space<vmem>>) attributes {dimension_semantics = [#tpu.dimension_semantics<arbitrary>], iteration_bounds = array<i64: 10>, scalar_prefetch = 0 : i64, scratch_operands = 0 : i64, tpu.core_type = #tpu.core_type<tc>, window_params = [{transform_indices = @transform_0, window_bounds = array<i64: 5000, 384>}, {transform_indices = @transform_1, window_bounds = array<i64: 1, 1, 5000>}, {pipeline_mode = #tpu.pipeline_mode<synchronous>, transform_indices = @transform_2, window_bounds = array<i64: 2, 256, 128>}, {pipeline_mode = #tpu.pipeline_mode<synchronous>, transform_indices = @transform_3, window_bounds = array<i64: 1, 256>}, {pipeline_mode = #tpu.pipeline_mode<synchronous>, transform_indices = @transform_4, window_bounds = array<i64: 1, 1, 128>}, {transform_indices = @transform_5, window_bounds = array<i64: 5000, 384>}]} {
    %get3A = arith.constant 0 : index
    %get3A_0 = arith.constant 0 : index
    %get3A_1 = vector.load %arg1[%get3A, %get3A_0] : memref<5000x384xf32, #tpu.memory_space<vmem>>, vector<5000x384xf32>
    %get3A_2 = arith.constant 0 : index
    %get3A_3 = arith.constant 0 : index
    %get3A_4 = arith.constant 0 : index
    %get3A_5 = vector.load %arg2[%get3A_2, %get3A_3, %get3A_4] : memref<1x1x5000xi32, #tpu.memory_space<vmem>>, vector<1x1x5000xi32>
    %get3A_6 = vector.shape_cast %get3A_5 : vector<1x1x5000xi32> to vector<5000xi32>
    %get3A_7 = arith.constant 0 : index
    %get3A_8 = arith.constant 0 : index
    %get3A_9 = vector.load %arg4[%get3A_7, %get3A_8] : memref<1x256xf32, #tpu.memory_space<vmem>>, vector<1x256xf32>
    %get3A_10 = vector.shape_cast %get3A_9 : vector<1x256xf32> to vector<256xf32>
    %max3A = arith.constant 1.000000e+00 : f32
    %max3A_11 = vector.broadcast %max3A : f32 to vector<256xf32>
    %max3A_12 = arith.maximumf %get3A_10, %max3A_11 : vector<256xf32>
    %get3A_13 = arith.constant 0 : index
    %get3A_14 = arith.constant 0 : index
    %get3A_15 = arith.constant 0 : index
    %get3A_16 = vector.load %arg3[%get3A_13, %get3A_14, %get3A_15] : memref<2x256x128xf32, #tpu.memory_space<vmem>>, vector<1x256x128xf32>
    %get3A_17 = vector.shape_cast %get3A_16 : vector<1x256x128xf32> to vector<256x128xf32>
    %get3A_18 = arith.constant 1 : index
    %get3A_19 = arith.constant 0 : index
    %get3A_20 = arith.constant 0 : index
    %get3A_21 = vector.load %arg3[%get3A_18, %get3A_19, %get3A_20] : memref<2x256x128xf32, #tpu.memory_space<vmem>>, vector<1x256x128xf32>
    %get3A_22 = vector.shape_cast %get3A_21 : vector<1x256x128xf32> to vector<256x128xf32>
    %add3A = arith.addf %get3A_17, %get3A_22 : vector<256x128xf32>
    %broadcast_in_dim3A = vector.shape_cast %max3A_12 : vector<256xf32> to vector<256x1xf32>
    %div3A = vector.broadcast %broadcast_in_dim3A : vector<256x1xf32> to vector<256x128xf32>
    %div3A_23 = arith.divf %add3A, %div3A : vector<256x128xf32>
    %broadcast_in_dim3A_24 = vector.shape_cast %get3A_6 : vector<5000xi32> to vector<5000x1xi32>
    %iota3A = tpu.iota {dimensions = array<i32: 1>} : vector<5000x256xi32>
    %eq3A = vector.broadcast %broadcast_in_dim3A_24 : vector<5000x1xi32> to vector<5000x256xi32>
    %eq3A_25 = arith.cmpi eq, %eq3A, %iota3A : vector<5000x256xi32>
    %convert_element_type3A = arith.extui %eq3A_25 : vector<5000x256xi1> to vector<5000x256xi32>
    %convert_element_type3A_26 = arith.sitofp %convert_element_type3A : vector<5000x256xi32> to vector<5000x256xf32>
    %dot_general3A = arith.constant dense<0.000000e+00> : vector<5000x128xf32>
    %dot_general3A_27 = tpu.matmul %convert_element_type3A_26, %div3A_23, %dot_general3A {dimension_numbers = #tpu.dot_dimension_numbers<[1], [0], [0], [1], [0, 0, 1, 1], [], []>, transpose_lhs_hint = false} : vector<5000x256xf32>, vector<256x128xf32>, vector<5000x128xf32> -> vector<5000x128xf32>
    %get3A_28 = arith.constant 0 : index
    %get3A_29 = arith.constant 0 : index
    %get3A_30 = arith.constant 0 : index
    %get3A_31 = vector.load %arg5[%get3A_28, %get3A_29, %get3A_30] : memref<1x1x128xf32, #tpu.memory_space<vmem>>, vector<1x1x128xf32>
    %get3A_32 = vector.shape_cast %get3A_31 : vector<1x1x128xf32> to vector<128xf32>
    %broadcast_in_dim3A_33 = vector.shape_cast %get3A_32 : vector<128xf32> to vector<1x128xf32>
    %add3A_34 = arith.constant 9.99999974E-6 : f32
    %add3A_35 = vector.broadcast %add3A_34 : f32 to vector<5000x128xf32>
    %add3A_36 = arith.addf %dot_general3A_27, %add3A_35 : vector<5000x128xf32>
    %div3A_37 = vector.broadcast %broadcast_in_dim3A_33 : vector<1x128xf32> to vector<5000x128xf32>
    %div3A_38 = arith.divf %div3A_37, %add3A_36 : vector<5000x128xf32>
    %slice3A = vector.extract_strided_slice %get3A_1 {offsets = [0, 0], sizes = [5000, 128], strides = [1, 1]} : vector<5000x384xf32> to vector<5000x128xf32>
    %mul3A = arith.mulf %slice3A, %div3A_38 : vector<5000x128xf32>
    %swap3A = arith.constant 0 : index
    %swap3A_39 = arith.constant 0 : index
    %swap3A_40 = vector.load %arg6[%swap3A, %swap3A_39] : memref<5000x384xf32, #tpu.memory_space<vmem>>, vector<5000x128xf32>
    tpu.vector_store %arg6[%swap3A, %swap3A_39], %mul3A {strides = array<i32>} : memref<5000x384xf32, #tpu.memory_space<vmem>>, vector<5000x128xf32>,
    %slice3A_41 = vector.extract_strided_slice %get3A_1 {offsets = [0, 128], sizes = [5000, 128], strides = [1, 1]} : vector<5000x384xf32> to vector<5000x128xf32>
    %mul3A_42 = arith.mulf %slice3A_41, %div3A_38 : vector<5000x128xf32>
    %swap3A_43 = arith.constant 0 : index
    %swap3A_44 = arith.constant 128 : index
    %swap3A_45 = vector.load %arg6[%swap3A_43, %swap3A_44] : memref<5000x384xf32, #tpu.memory_space<vmem>>, vector<5000x128xf32>
    tpu.vector_store %arg6[%swap3A_43, %swap3A_44], %mul3A_42 {strides = array<i32>} : memref<5000x384xf32, #tpu.memory_space<vmem>>, vector<5000x128xf32>,
    %slice3A_46 = vector.extract_strided_slice %get3A_1 {offsets = [0, 256], sizes = [5000, 128], strides = [1, 1]} : vector<5000x384xf32> to vector<5000x128xf32>
    %mul3A_47 = arith.mulf %slice3A_46, %div3A_38 : vector<5000x128xf32>
    %swap3A_48 = arith.constant 0 : index
    %swap3A_49 = arith.constant 256 : index
    %swap3A_50 = vector.load %arg6[%swap3A_48, %swap3A_49] : memref<5000x384xf32, #tpu.memory_space<vmem>>, vector<5000x128xf32>
    tpu.vector_store %arg6[%swap3A_48, %swap3A_49], %mul3A_47 {strides = array<i32>} : memref<5000x384xf32, #tpu.memory_space<vmem>>, vector<5000x128xf32>,
    return
  }
  func.func @transform_0(%arg0: i32) -> (i32, i32) {
    %c0_i32 = arith.constant 0 : i32
    %c0_i32_0 = arith.constant 0 : i32
    return %arg0, %c0_i32 : i32, i32
  }
  func.func @transform_1(%arg0: i32) -> (i32, i32, i32) {
    %c0_i32 = arith.constant 0 : i32
    %c0_i32_0 = arith.constant 0 : i32
    %c0_i32_1 = arith.constant 0 : i32
    return %arg0, %c0_i32, %c0_i32_0 : i32, i32, i32
  }
  func.func @transform_2(%arg0: i32) -> (i32, i32, i32) {
    %c0_i32 = arith.constant 0 : i32
    %c0_i32_0 = arith.constant 0 : i32
    %c0_i32_1 = arith.constant 0 : i32
    %c0_i32_2 = arith.constant 0 : i32
    return %c0_i32, %c0_i32_0, %c0_i32_1 : i32, i32, i32
  }
  func.func @transform_3(%arg0: i32) -> (i32, i32) {
    %c0_i32 = arith.constant 0 : i32
    %c0_i32_0 = arith.constant 0 : i32
    %c0_i32_1 = arith.constant 0 : i32
    return %c0_i32, %c0_i32_0 : i32, i32
  }
  func.func @transform_4(%arg0: i32) -> (i32, i32, i32) {
    %c0_i32 = arith.constant 0 : i32
    %c0_i32_0 = arith.constant 0 : i32
    %c0_i32_1 = arith.constant 0 : i32
    %c0_i32_2 = arith.constant 0 : i32
    return %c0_i32, %c0_i32_0, %c0_i32_1 : i32, i32, i32
  }
  func.func @transform_5(%arg0: i32) -> (i32, i32) {
    %c0_i32 = arith.constant 0 : i32
    %c0_i32_0 = arith.constant 0 : i32
    return %arg0, %c0_i32 : i32, i32
  }
}

</mosaic_0001>

<sc_bundles>
// kernel: kernel.5.cloned.1.call-start
scs
__scs_entry_jumppad:
0x0: {  	(pc) =	sbr.rel $0x88, $3  }
0x1: {  	(tag) =	ssettag $0x0;
	lr =	simm.s32 $0x1  }
0x2: {  	[smem:$0x3F9E] =	sst lr;
	_ =	strace $0xD0000000  }
0x3: {  	_ = 	snop  }
0x4: {  	_ = 	snop  }
0x5: {  	_ = 	snop  }
0x6: {  	_ = 	snop  }
0x7: {  	_ = 	snop  }
__scs_overlays_trampoline_lowered:
0x8: {  	[smem:$0x3FAD] =	sst s0  }
0x9: {  	[smem:$0x3FAE] =	sst s1  }
0xa: {  	[smem:$0x3FAF] =	sst s2  }
0xb: {  	[smem:$0x3FB0] =	sst s3  }
0xc: {  	[smem:$0x3FB1] =	sst s4  }
0xd: {  	[smem:$0x3FB2] =	sst s5  }
0xe: {  	[smem:$0x3FB3] =	sst s6  }
0xf: {  	[smem:$0x3FB4] =	sst s7  }
0x10: {  	[smem:$0x3FB5] =	sst s8  }
0x11: {  	[smem:$0x3FB6] =	sst s9;
	s0 =	simm.s32 @!p0 $0x0  }
0x12: {  	s1 =	sld [smem:$0x3F9C];
	s0 =	simm.s32 @p0 $0x1  }
0x13: {  	[smem:$0x3FB7] =	sst s0;
	s0 =	simm.s32 @!p1 $0x0  }
0x14: {  	s2 =	sld [smem:$0x3F9B];
	s0 =	simm.s32 @p1 $0x1  }
0x15: {  	[smem:$0x3FB8] =	sst s0;
	s0 =	simm.s32 @!p2 $0x0  }
0x16: {  	s3 =	sld [smem:$0x3FDB];
	s0 =	simm.s32 @p2 $0x1  }
0x17: {  	s4 =	simm.s32 $0x1BF5;
	[smem:$0x3FBA] =	sst s0  }
0x18: {  	s0 =	sld [smem:$0x3F9D];
	_ =	swait.ge [sflag:s4], $0x0  }
0x19: {  	s7 =	sld [smem:$0x3F9E]  }
0x1a: {  	s8 =	sadd.s32 $0xFFFFE003, lr  }
0x1b: {  	s9 =	sadd.s32 $0xFFFFFEF7, lr;
	s5 =	simm.s32 $0xFFFFFFFF;
	p2 =	slt.u32 s8, $0xFFFFF086  }
0x1c: {  	p1 =	slt.u32 s9, $0xF7A;
	s5 =	simm.s32 @!p2 $0x0  }
0x1d: {  	s5 =	simm.s32 @p1 $0x1;
	p0 =	seq.s32 s7, s2  }
0x1e: {  	s7 =	smul.u32 @!p0 $0xF7A, s2;
	p2 =	seq.s32 @!p0 s5, $0x0  }
0x1f: {  	s9 =	smul.u32 $0xF7A, s1;
	s8 =	simm.s32 @!p0 $0x1BF5;
	p2 =	por !p2, p0  }
0x20: {  	[sflag:s8] =	ssyncset.s32 @!p0 $0xFFFFF086;
	s6 =	sadd.s32 @!p0 s3, s7;
	s7 =	simm.s32 @!p0 $0x108  }
0x21: {  	s3 =	sadd.s32 s3, s9;
	s6 =	sadd.s32 @!p0 $0x88, s6;
	s7 =	simm.s32 @p2 $0x1082  }
0x22: {  	[simem:s7], [sflag:s8] =	dma.local @!p0 [hbm:s6], $0xF7A  }
0x23: {  	s9 =	sor.u32 $0xD0000000, s2;
	s6 =	simm.s32 $0x108;
	_ =	swait.ge @!p0 [sflag:s8], $0x0  }
0x24: {  	s3 =	sadd.s32 $0x88, s3;
	s6 =	simm.s32 @!p1 $0x1082;
	[sflag:s4] =	ssyncset.s32 $0xFFFFF086  }
0x25: {  	[simem:s6], [sflag:s4] =	dma.local [hbm:s3], $0xF7A  }
0x26: {  	[smem:$0x3F9E] =	sst s1;
	(tag) =	ssettag s2;
	_ =	strace s9  }
0x27: {  	s1 =	sld [smem:$0x3FAE]  }
0x28: {  	s2 =	sld [smem:$0x3FAF]  }
0x29: {  	s4 =	sld [smem:$0x3FB1]  }
0x2a: {  	p0 =	seq.s32 s5, $0x0;
	s5 =	sld [smem:$0x3FB2]  }
0x2b: {  	s6 =	sld [smem:$0x3FB3]  }
0x2c: {  	s7 =	sld [smem:$0x3FB4]  }
0x2d: {  	s3 =	simm.s32 $0x108;
	s8 =	sld [smem:$0x3FB5]  }
0x2e: {  	s3 =	simm.s32 @!p0 $0x1082;
	s9 =	sld [smem:$0x3FB6]  }
0x2f: {  	lr =	sadd.s32 s0, s3;
	s0 =	sld [smem:$0x3FAD]  }
0x30: {  	s3 =	sld [smem:$0x3FB0]  }
0x31: {  	[smem:$0x3FB9] =	sst s10  }
0x32: {  	s10 =	sld [smem:$0x3FB7];
	_ =	sdelay $0x3  }
0x33: {  	p0 =	seq.s32 s10, $0x1;
	s10 =	sld [smem:$0x3FB9];
	_ =	sdelay $0x3  }
0x34: {  	[smem:$0x3FB9] =	sst s10  }
0x35: {  	s10 =	sld [smem:$0x3FB8];
	_ =	sdelay $0x3  }
0x36: {  	p1 =	seq.s32 s10, $0x1;
	s10 =	sld [smem:$0x3FB9];
	_ =	sdelay $0x3  }
0x37: {  	[smem:$0x3FB9] =	sst s10  }
0x38: {  	s10 =	sld [smem:$0x3FBA]  }
0x39: {  	_ = 	snop;
	(pc) =	sbr.ind lr, $3  }
0x3a: {  	_ = 	snop  }
0x3b: {  	_ = 	snop  }
0x3c: {  	p2 =	seq.s32 s10, $0x1;
	s10 =	sld [smem:$0x3FB9]  }
0x3d: {  	_ =	shalt  }
0x3e: {  	_ =	shalt  }
0x3f: {  	_ =	shalt  }
0x40: {  	_ =	shalt  }
0x41: {  	_ =	shalt  }
0x42: {  	_ =	shalt  }
0x43: {  	_ =	shalt  }
0x44: {  	_ =	shalt  }
0x45: {  	_ =	shalt  }
0x46: {  	_ =	shalt  }
0x47: {  	_ =	shalt  }
0x48: {  	_ =	shalt  }
0x49: {  	_ =	shalt  }
0x4a: {  	_ =	shalt  }
0x4b: {  	_ =	shalt  }
0x4c: {  	_ =	shalt  }
0x4d: {  	_ =	shalt  }
0x4e: {  	_ =	shalt  }
0x4f: {  	_ =	shalt  }
0x50: {  	_ =	shalt  }
0x51: {  	_ =	shalt  }
0x52: {  	_ =	shalt  }
0x53: {  	_ =	shalt  }
0x54: {  	_ =	shalt  }
0x55: {  	_ =	shalt  }
0x56: {  	_ =	shalt  }
0x57: {  	_ =	shalt  }
0x58: {  	_ =	shalt  }
0x59: {  	_ =	shalt  }
0x5a: {  	_ =	shalt  }
0x5b: {  	_ =	shalt  }
0x5c: {  	_ =	shalt  }
0x5d: {  	_ =	shalt  }
0x5e: {  	_ =	shalt  }
0x5f: {  	_ =	shalt  }
0x60: {  	_ =	shalt  }
0x61: {  	_ =	shalt  }
0x62: {  	_ =	shalt  }
0x63: {  	_ =	shalt  }
0x64: {  	_ =	shalt  }
0x65: {  	_ =	shalt  }
0x66: {  	_ =	shalt  }
0x67: {  	_ =	shalt  }
0x68: {  	_ =	shalt  }
0x69: {  	_ =	shalt  }
0x6a: {  	_ =	shalt  }
0x6b: {  	_ =	shalt  }
0x6c: {  	_ =	shalt  }
0x6d: {  	_ =	shalt  }
0x6e: {  	_ =	shalt  }
0x6f: {  	_ =	shalt  }
0x70: {  	_ =	shalt  }
0x71: {  	_ =	shalt  }
0x72: {  	_ =	shalt  }
0x73: {  	_ =	shalt  }
0x74: {  	_ =	shalt  }
0x75: {  	_ =	shalt  }
0x76: {  	_ =	shalt  }
0x77: {  	_ =	shalt  }
0x78: {  	_ =	shalt  }
0x79: {  	_ =	shalt  }
0x7a: {  	_ =	shalt  }
0x7b: {  	_ =	shalt  }
0x7c: {  	_ =	shalt  }
0x7d: {  	_ =	shalt  }
0x7e: {  	_ =	shalt  }
0x7f: {  	_ =	shalt  }
0x80: {  	_ =	shalt  }
0x81: {  	_ =	shalt  }
0x82: {  	_ =	shalt  }
0x83: {  	_ =	shalt  }
0x84: {  	_ =	shalt  }
0x85: {  	_ =	shalt  }
0x86: {  	_ =	shalt  }
0x87: {  	_ =	shalt  }
.Lfunc_end0:
.L_simem_size_0:
called_computation.1_lowered:
.L_overlay_start_0:
0x88: {  	s2 =	sld [smem:$0x3FD9]  }
0x89: {  	s3 =	sld [smem:$0x3FFE];
	_ =	sdelay $0x1  }
0x8a: {  	s1 =	srdreg.scid  }
0x8b: {  	s0 =	sand.u32 $0x1, s1  }
0x8c: {  	s17 =	sshll.u32 s0, $0xA;
	s2 =	sadd.s32 s3, s2  }
0x8d: {  	s2 =	sadd.s32 s2, s17  }
0x8e: {  	[smem:$0x3FC5] =	sst s2  }
0x8f: {  	_ = 	snop  }
0x90: {  	s2 =	sld [smem:$0x3FC7];
	(tm) =	ssettm $0x1  }
0x91: {  	s18 =	sld [smem:$0x3FFB];
	_ =	sdelay $0x3  }
0x92: {  	_ =	strace s18  }
0x93: {  	s3 =	sld [smem:$0x3FFC];
	_ =	sdelay $0x3  }
0x94: {  	_ =	strace s3  }
0x95: {  	s3 =	sld [smem:$0x3FFD];
	_ =	sdelay $0x3  }
0x96: {  	_ =	strace s3  }
0x97: {  	_ =	strace $0x8FFFFFFF  }
0x98: {  	s19 =	sld [smem:$0x3FDB];
	_ =	sdelay $0x1  }
0x99: {  	s4 =	simm.s32 $_scs_section_size  }
0x9a: {  	s5 =	simm.s32 $_size__tile_overlayer_lowered;
	s6 =	simm.s32 $_tile_overlayer_lowered  }
0x9b: {  	s22 =	simm.s32 $0x1BFF;
	s21 =	sshll.u32 s6, $0x1;
	s3 =	sadd.s32 s4, s19  }
0x9c: {  	s7 =	simm.s32 $0x0;
	s20 =	sshll.u32 s5, $0x1;
	s5 =	sadd.s32 s21, s3  }
0x9d: {  	[timem:s7], [sflag:s22] =	dma.local [hbm:s5], s20  }
0x9e: {  	_ =	swait.ge [sflag:s22], s20  }
0x9f: {  	s4 =	ssub.s32 $0x0, s20;
	[sflag:s22] =	ssyncset.done $0x0  }
0xa0: {  	[sflag:s22] =	ssyncadd.s32 s4;
	_ =	sdelay $0x1  }
0xa1: {  	s23 =	simm.s32 $0x1B8B  }
0xa2: {  	_ =	swait.ge [sflag:s23], $0x1  }
0xa3: {  	[sflag:s23] =	ssyncset.done $0x0  }
0xa4: {  	s25 =	simm.s32 $0x1B8E;
	s24 =	sld [smem:$0x3FFE];
	[sflag:s23] =	ssyncadd.s32 $0xFFFFFFFF  }
0xa5: {  	s26 =	simm.s32 $execute0_lowered;
	[smem:$0x3FD2] =	sst s25  }
0xa6: {  	s5 =	sshll.u32 s26, $0x1;
	_ =	strace $0x80000046;
	[dreg:$0x1] =	wrdreg $0xFFFFFFFF  }
0xa7: {  	s28 =	simm.s32 $_size_execute0_lowered;
	s3 =	sadd.s32 s3, s5;
	[dreg:$0x0] =	wrdreg $0x0  }
0xa8: {  	s5 =	sshll.u32 s28, $0x1;
	[dreg:$0x2] =	wrdreg s3  }
0xa9: {  	[dreg:$0x3] =	wrdreg s5  }
0xaa: {  	[dreg:$0x4] =	wrdreg $0xC0  }
0xab: {  	_ =	task [dreg:s7], $0x5FFFF  }
0xac: {  	[dreg:$0x1] =	wrdreg $0xFFFFFFFF  }
0xad: {  	[dreg:$0x0] =	wrdreg $0x60  }
0xae: {  	[dreg:$0x2] =	wrdreg s24  }
0xaf: {  	[dreg:$0x3] =	wrdreg s2  }
0xb0: {  	[dreg:$0x4] =	wrdreg $0x48800  }
0xb1: {  	[dreg:$0x5] =	wrdreg $0x9  }
0xb2: {  	_ =	task.clear_ibuf [dreg:s7], $0x6FFFF;
	_ =	strace $0x90000046  }
0xb3: {  	s29 =	simm.s32 $0x9;
	_ =	strace $0x80000048  }
0xb4: {  	_ =	swait.ge [sflag:s29], $0x1  }
0xb5: {  	[sflag:s29] =	ssyncadd.s32 $0xFFFFFFFF  }
0xb6: {  	_ =	strace $0x90000048  }
0xb7: {  	_ =	sfence  }
0xb8: {  	s30 =	sld [smem:$0x0];
	_ =	sdelay $0x2  }
0xb9: {  	s31 =	sshll.u32 s1, $0xD;
	s1 =	sshrl.u32 s1, $0x2  }
0xba: {  	s3 =	sand.u32 $0x4000, s31;
	s1 =	sadd.s32 s1, s30  }
0xbb: {  	s0 =	sor.u32 s3, s0;
	s1 =	sshll.u32 s1, $0x11  }
0xbc: {  	s0 =	sor.u32 s1, s0  }
0xbd: {  	s0 =	sadd.s32 $0x8F2B, s0  }
0xbe: {  	[sflag:s0] =	ssyncadd.remote.s32 $0x1  }
0xbf: {  	_ =	sfence.sel $0xFFFF  }
0xc0: {  	[dreg:$0x0] =	wrdreg $0xFFFFFFFF;
	(pc) =	sbr.abs _section_cstart, $3  }
0xc1: {  	[dreg:$0x1] =	wrdreg $0xFFFFFFFF  }
0xc2: {  	_ =	task.clear_ibuf [dreg:s7], $0x2FFFF;
	_ =	strace $0x9FFFFFFF  }
0xc3: {  	(tm) =	ssettm $0x7FFFFFFF  }
tec
execute0_lowered:
.L_overlay_start_1:
0x0: {  	(tag) =	ssettag $0x1  }
0x1: {  	s2 =	srdreg.scid;
	s1 =	rddreg [dreg:$0x0];
	s0 =	simm.s32 $0x0  }
0x2: {  	s4 =	stileid.u32;
	s30 =	rddreg [dreg:$0x1];
	s3 =	sand.u32 $0x1, s2  }
0x3: {  	[smem:$0x7FF] =	sst s0;
	s5 =	sadd.s32 $0xE00, s1;
	s31 =	sor.u32 $0x180, s4  }
0x4: {  	p0 =	sne.s32 s4, $0x0;
	s2 =	sshll.u32 s3, $0x4;
	s6 =	ssub.s32 $0x2, s3  }
0x5: {  	s3 =	sshll.u32 s3, $0xC;
	s12 =	sor.u32 s4, s2;
	s26 =	sshrl.u32 s6, $0x1  }
0x6: {  	s3 =	sadd.s32 s3, s1;
	s4 =	sshll.u32 s4, $0xB;
	s1 =	sadd.s32 $0xC3E00, s1  }
0x7: {  	s7 =	sshll.u32 s12, $0xB;
	s15 =	sor.u32 $0x20, s12;
	s2 =	ssub.s32 s6, s26  }
0x8: {  	s19 =	sor.u32 $0x40, s12;
	s20 =	sor.u32 $0x60, s12;
	s21 =	sor.u32 $0x80, s12  }
0x9: {  	s22 =	sor.u32 $0xA0, s12;
	s23 =	sor.u32 $0xC0, s12;
	s24 =	sor.u32 $0xE0, s12  }
0xa: {  	s25 =	sor.u32 $0x100, s12;
	s26 =	sor.u32 $0x120, s12;
	s28 =	sor.u32 $0x140, s12  }
0xb: {  	s29 =	sor.u32 $0x160, s12;
	p1 =	sgt.u32 s12, $0x5;
	p2 =	sne.s32 s12, $0x6  }
0xc: {  	s17 =	sshll.u32 s12, $0x4;
	s7 =	sadd.s32 s5, s7;
	s8 =	sshll.u32 s15, $0xB  }
0xd: {  	s9 =	sshll.u32 s19, $0xB;
	s10 =	sshll.u32 s20, $0xB;
	s13 =	sshll.u32 s21, $0xB  }
0xe: {  	s14 =	sshll.u32 s22, $0xB;
	s16 =	sshll.u32 s23, $0xB;
	s17 =	sadd.s32 s30, s17  }
0xf: {  	s18 =	sshll.u32 s15, $0x4;
	s19 =	sshll.u32 s19, $0x4;
	s20 =	sshll.u32 s20, $0x4  }
0x10: {  	s21 =	sshll.u32 s21, $0x4;
	s22 =	sshll.u32 s22, $0x4;
	s23 =	sshll.u32 s23, $0x4  }
0x11: {  	s12 =	sshll.u32 s29, $0x4;
	s15 =	sshll.u32 s31, $0x4;
	[dreg:$0x4] =	wrdreg s7  }
0x12: {  	s6 =	sadd.s32 s5, s8;
	s11 =	sadd.s32 s5, s10;
	s7 =	sadd.s32 s5, s16  }
0x13: {  	s8 =	sshll.u32 s24, $0xB;
	s10 =	sshll.u32 s26, $0xB;
	s16 =	sshll.u32 s31, $0xB  }
0x14: {  	s18 =	sadd.s32 s30, s18;
	s19 =	sadd.s32 s30, s19;
	s20 =	sadd.s32 s30, s20  }
0x15: {  	s21 =	sadd.s32 s30, s21;
	s22 =	sadd.s32 s30, s22;
	s23 =	sadd.s32 s30, s23  }
0x16: {  	s24 =	sshll.u32 s24, $0x4;
	s26 =	sshll.u32 s26, $0x4;
	s31 =	sadd.s32 $0xC4400, s3  }
0x17: {  	s3 =	simm.s32 $0x0;
	[dreg:$0x5] =	wrdreg s6;
	s6 =	sadd.s32 s5, s9  }
0x18: {  	[dreg:$0x7] =	wrdreg s11;
	s8 =	sadd.s32 s5, s8;
	s9 =	sshll.u32 s25, $0xB  }
0x19: {  	s10 =	sadd.s32 s5, s10;
	s11 =	sshll.u32 s28, $0xB;
	s24 =	sadd.s32 s30, s24  }
0x1a: {  	s25 =	sshll.u32 s25, $0x4;
	s26 =	sadd.s32 s30, s26;
	[dreg:$0x6] =	wrdreg s6  }
0x1b: {  	s6 =	sadd.s32 s5, s13;
	s9 =	sadd.s32 s5, s9;
	s13 =	rddreg [dreg:$0x2]  }
0x1c: {  	s11 =	sadd.s32 s5, s11;
	s25 =	sadd.s32 s30, s25;
	[dreg:$0x8] =	wrdreg s6  }
0x1d: {  	s6 =	sadd.s32 s5, s14;
	s14 =	sshll.u32 s29, $0xB;
	s29 =	sadd.s32 s30, s12  }
0x1e: {  	s12 =	sadd.s32 s30, s15;
	s14 =	sadd.s32 s5, s14;
	s5 =	sadd.s32 s5, s16  }
.Ltmp0:
0x1f: {  	s15 =	sadd.s32 $0x1860, s30;
	[dreg:$0x9] =	wrdreg s5;
	(pc) =	sbr.rel .LBB2_1-.Ltmp0, $4  }
0x20: {  	s5 =	sshll.u32 s28, $0x4;
	_ =	strace $0x80000047;
	[dreg:$0xa] =	wrdreg s12  }
0x21: {  	s16 =	sadd.s32 s4, s13;
	s28 =	sadd.s32 s30, s5;
	[dreg:$0xb] =	wrdreg s15  }
0x22: {  	[dreg:$0xc] =	wrdreg s1;
	s12 =	smax.u32 s2, $0x1;
	s15 =	sadd.s32 $0x8000, s13  }
0x23: {  	v0 =	vimm.f32 $0.0e+00;
	v1 =	vimm.s32 $0x100;
	s30 =	simm.s32 $0x1;
	s1 =	simm.s32 $0x4000;
	s2 =	simm.s32 $0x80  }
.LBB2_4:
0x24: {  	s4 =	rddreg [dreg:$0xa]  }
0x25: {  	[tilespmem:s1], [sflag:$0x1] =	stream.linear.gather [hbm4b:s4+s0], $0x80, $0x38;
	[tilespmem:$0x50C0] =	vst v63  }
0x26: {  	_ =	swait.ge [sflag:s30], $0x80  }
0x27: {  	[sflag:s30] =	ssyncset.done $0x0  }
0x28: {  	s5 =	rddreg [dreg:$0x9];
	[sflag:s30] =	ssyncadd.s32 $0xFFFFFF80  }
0x29: {  	[tilespmem:s0], [sflag:$0x1] =	stream.linear.gather [hbm4b:s5+s0], $0x4000, $0x38;
	[tilespmem:$0x50C0] =	vst v63  }
0x2a: {  	_ =	swait.ge [sflag:s30], $0x4000  }
0x2b: {  	[sflag:s30] =	ssyncset.done $0x0  }
0x2c: {  	[sflag:s30] =	ssyncadd.s32 $0xFFFFC000  }
.LBB2_7:
0x2d: {  	[spmem:s13] =	stream.indirect.scatter.add.f32 [tilespmem:s0], [sflag:$0x1], $0x80, s1, s2, $0xb8;
	[tilespmem:$0x50C0] =	vst v63  }
0x2e: {  	_ =	swait.ge [sflag:s30], $0x4000  }
0x2f: {  	[sflag:s30] =	ssyncset.done $0x0  }
0x30: {  	[sflag:s30] =	ssyncadd.s32 $0xFFFFC000  }
.LBB2_8:
0x31: {  	[bflag:$0x0] =	sbarrier.arrive $0xFFFF  }
0x32: {  	s4 =	sshrl.u32 @!p0 s13, $0x3;
	s5 =	simm.s32 @!p0 $0x1C01;
	s3 =	sadd.s32 $0x1, s3  }
0x33: {  	[hbm:s31], [sflag:s5] =	dma.local @!p0 [spmem:s4], $0x1000  }
0x34: {  	p3 =	sne.s32 s3, s12  }
.Ltmp1:
0x35: {  	_ = 	snop;
	(pc) =	sbr.rel @!p3 .LBB2_9-.Ltmp1, $4  }
0x36: {  	s4 =	simm.s32 @!p0 $0x1  }
0x37: {  	_ =	swait.ge @!p0 [sflag:s4], $0x1000  }
0x38: {  	[sflag:s4] =	ssyncset.done @!p0 $0x0  }
0x39: {  	[sflag:s4] =	ssyncadd.s32 @!p0 $0xFFFFF000  }
.LBB2_1:
0x3a: {  	s4 =	simm.s32 $0x0;
	s5 =	simm.s32 $0x200  }
.LBB2_2:
0x3b: {  	p3 =	sne.s32 s5, $0x1E00;
	[tilespmem:s4+$0x40F0] =	vst v0  }
0x3c: {  	[tilespmem:s4+$0x4080] =	vst v0  }
0x3d: {  	[tilespmem:s4+$0x4090] =	vst v0  }
.Ltmp2:
0x3e: {  	[tilespmem:s4+$0x40A0] =	vst v0;
	(pc) =	sbr.rel @p3 .LBB2_2-.Ltmp2, $4  }
0x3f: {  	[tilespmem:s4+$0x40B0] =	vst v0  }
0x40: {  	[tilespmem:s4+$0x40C0] =	vst v0  }
0x41: {  	[tilespmem:s4+$0x40D0] =	vst v0  }
0x42: {  	[tilespmem:s4+$0x40E0] =	vst v0;
	s4 =	sshra.s32 s5, $0x2;
	s5 =	sadd.s32 $0x200, s5  }
0x43: {  	[tilespmem:s4+$0x40F0] =	vst v0  }
0x44: {  	[tilespmem:s4+$0x4080] =	vst v0  }
0x45: {  	[tilespmem:s4+$0x4090] =	vst v0  }
0x46: {  	[tilespmem:s4+$0x40A0] =	vst v0  }
0x47: {  	[tilespmem:s4+$0x40B0] =	vst v0  }
0x48: {  	[tilespmem:s4+$0x40C0] =	vst v0  }
0x49: {  	[tilespmem:s4+$0x40D0] =	vst v0  }
0x4a: {  	[tilespmem:s4+$0x40E0] =	vst v0;
	s5 =	simm.s32 $0x4080  }
0x4b: {  	[spmem:s16] =	stream.linear.scatter [tilespmem:s5], [sflag:$0x1], $0x800, $0x38;
	[tilespmem:$0x50C0] =	vst v63  }
0x4c: {  	_ =	swait.ge [sflag:s30], $0x800  }
0x4d: {  	[sflag:s30] =	ssyncset.done $0x0  }
0x4e: {  	s4 =	simm.s32 @!p0 $0x4080;
	[sflag:s30] =	ssyncadd.s32 $0xFFFFF800  }
0x4f: {  	[spmem:s15] =	stream.linear.scatter @!p0 [tilespmem:s4], [sflag:$0x1], $0x400, $0x38;
	[tilespmem:$0x50C0] =	vst v63  }
0x50: {  	s4 =	simm.s32 @!p0 $0x1  }
0x51: {  	_ =	swait.ge @!p0 [sflag:s4], $0x400  }
0x52: {  	[sflag:s4] =	ssyncset.done @!p0 $0x0  }
0x53: {  	[sflag:s4] =	ssyncadd.s32 @!p0 $0xFFFFFC00  }
0x54: {  	[bflag:$0x0] =	sbarrier.arrive $0xFFFF  }
0x55: {  	[tilespmem:s1], [sflag:$0x1] =	stream.linear.gather [hbm4b:s17+s0], $0x80, $0x38;
	[tilespmem:$0x50C0] =	vst v63  }
0x56: {  	_ =	swait.ge [sflag:s30], $0x80  }
0x57: {  	[sflag:s30] =	ssyncset.done $0x0  }
0x58: {  	s5 =	rddreg [dreg:$0x4];
	[sflag:s30] =	ssyncadd.s32 $0xFFFFFF80  }
0x59: {  	[tilespmem:s0], [sflag:$0x1] =	stream.linear.gather [hbm4b:s5+s0], $0x4000, $0x38;
	[tilespmem:$0x50C0] =	vst v63  }
0x5a: {  	_ =	swait.ge [sflag:s30], $0x4000  }
0x5b: {  	[sflag:s30] =	ssyncset.done $0x0  }
0x5c: {  	[sflag:s30] =	ssyncadd.s32 $0xFFFFC000  }
0x5d: {  	[spmem:s13] =	stream.indirect.scatter.add.f32 [tilespmem:s0], [sflag:$0x1], $0x80, s1, s2, $0xb8;
	[tilespmem:$0x50C0] =	vst v63  }
0x5e: {  	_ =	swait.ge [sflag:s30], $0x4000  }
0x5f: {  	[sflag:s30] =	ssyncset.done $0x0  }
0x60: {  	[sflag:s30] =	ssyncadd.s32 $0xFFFFC000  }
0x61: {  	[tilespmem:s1], [sflag:$0x1] =	stream.linear.gather [hbm4b:s18+s0], $0x80, $0x38;
	[tilespmem:$0x50C0] =	vst v63  }
0x62: {  	_ =	swait.ge [sflag:s30], $0x80  }
0x63: {  	[sflag:s30] =	ssyncset.done $0x0  }
0x64: {  	s5 =	rddreg [dreg:$0x5];
	[sflag:s30] =	ssyncadd.s32 $0xFFFFFF80  }
0x65: {  	[tilespmem:s0], [sflag:$0x1] =	stream.linear.gather [hbm4b:s5+s0], $0x4000, $0x38;
	[tilespmem:$0x50C0] =	vst v63  }
0x66: {  	_ =	swait.ge [sflag:s30], $0x4000  }
0x67: {  	[sflag:s30] =	ssyncset.done $0x0  }
0x68: {  	[sflag:s30] =	ssyncadd.s32 $0xFFFFC000  }
0x69: {  	[spmem:s13] =	stream.indirect.scatter.add.f32 [tilespmem:s0], [sflag:$0x1], $0x80, s1, s2, $0xb8;
	[tilespmem:$0x50C0] =	vst v63  }
0x6a: {  	_ =	swait.ge [sflag:s30], $0x4000  }
0x6b: {  	[sflag:s30] =	ssyncset.done $0x0  }
0x6c: {  	[sflag:s30] =	ssyncadd.s32 $0xFFFFC000  }
0x6d: {  	[tilespmem:s1], [sflag:$0x1] =	stream.linear.gather [hbm4b:s19+s0], $0x80, $0x38;
	[tilespmem:$0x50C0] =	vst v63  }
0x6e: {  	_ =	swait.ge [sflag:s30], $0x80  }
0x6f: {  	[sflag:s30] =	ssyncset.done $0x0  }
0x70: {  	s5 =	rddreg [dreg:$0x6];
	[sflag:s30] =	ssyncadd.s32 $0xFFFFFF80  }
0x71: {  	[tilespmem:s0], [sflag:$0x1] =	stream.linear.gather [hbm4b:s5+s0], $0x4000, $0x38;
	[tilespmem:$0x50C0] =	vst v63  }
0x72: {  	_ =	swait.ge [sflag:s30], $0x4000  }
0x73: {  	[sflag:s30] =	ssyncset.done $0x0  }
0x74: {  	[sflag:s30] =	ssyncadd.s32 $0xFFFFC000  }
0x75: {  	[spmem:s13] =	stream.indirect.scatter.add.f32 [tilespmem:s0], [sflag:$0x1], $0x80, s1, s2, $0xb8;
	[tilespmem:$0x50C0] =	vst v63  }
0x76: {  	_ =	swait.ge [sflag:s30], $0x4000  }
0x77: {  	[sflag:s30] =	ssyncset.done $0x0  }
0x78: {  	[sflag:s30] =	ssyncadd.s32 $0xFFFFC000  }
0x79: {  	[tilespmem:s1], [sflag:$0x1] =	stream.linear.gather [hbm4b:s20+s0], $0x80, $0x38;
	[tilespmem:$0x50C0] =	vst v63  }
0x7a: {  	_ =	swait.ge [sflag:s30], $0x80  }
0x7b: {  	[sflag:s30] =	ssyncset.done $0x0  }
0x7c: {  	s5 =	rddreg [dreg:$0x7];
	[sflag:s30] =	ssyncadd.s32 $0xFFFFFF80  }
0x7d: {  	[tilespmem:s0], [sflag:$0x1] =	stream.linear.gather [hbm4b:s5+s0], $0x4000, $0x38;
	[tilespmem:$0x50C0] =	vst v63  }
0x7e: {  	_ =	swait.ge [sflag:s30], $0x4000  }
0x7f: {  	[sflag:s30] =	ssyncset.done $0x0  }
0x80: {  	[sflag:s30] =	ssyncadd.s32 $0xFFFFC000  }
0x81: {  	[spmem:s13] =	stream.indirect.scatter.add.f32 [tilespmem:s0], [sflag:$0x1], $0x80, s1, s2, $0xb8;
	[tilespmem:$0x50C0] =	vst v63  }
0x82: {  	_ =	swait.ge [sflag:s30], $0x4000  }
0x83: {  	[sflag:s30] =	ssyncset.done $0x0  }
0x84: {  	[sflag:s30] =	ssyncadd.s32 $0xFFFFC000  }
0x85: {  	[tilespmem:s1], [sflag:$0x1] =	stream.linear.gather [hbm4b:s21+s0], $0x80, $0x38;
	[tilespmem:$0x50C0] =	vst v63  }
0x86: {  	_ =	swait.ge [sflag:s30], $0x80  }
0x87: {  	[sflag:s30] =	ssyncset.done $0x0  }
0x88: {  	s5 =	rddreg [dreg:$0x8];
	[sflag:s30] =	ssyncadd.s32 $0xFFFFFF80  }
0x89: {  	[tilespmem:s0], [sflag:$0x1] =	stream.linear.gather [hbm4b:s5+s0], $0x4000, $0x38;
	[tilespmem:$0x50C0] =	vst v63  }
0x8a: {  	_ =	swait.ge [sflag:s30], $0x4000  }
0x8b: {  	[sflag:s30] =	ssyncset.done $0x0  }
0x8c: {  	[sflag:s30] =	ssyncadd.s32 $0xFFFFC000  }
0x8d: {  	[spmem:s13] =	stream.indirect.scatter.add.f32 [tilespmem:s0], [sflag:$0x1], $0x80, s1, s2, $0xb8;
	[tilespmem:$0x50C0] =	vst v63  }
0x8e: {  	_ =	swait.ge [sflag:s30], $0x4000  }
0x8f: {  	[sflag:s30] =	ssyncset.done $0x0  }
0x90: {  	[sflag:s30] =	ssyncadd.s32 $0xFFFFC000  }
0x91: {  	[tilespmem:s1], [sflag:$0x1] =	stream.linear.gather [hbm4b:s22+s0], $0x80, $0x38;
	[tilespmem:$0x50C0] =	vst v63  }
0x92: {  	_ =	swait.ge [sflag:s30], $0x80  }
0x93: {  	[sflag:s30] =	ssyncset.done $0x0  }
0x94: {  	[sflag:s30] =	ssyncadd.s32 $0xFFFFFF80  }
0x95: {  	[tilespmem:s0], [sflag:$0x1] =	stream.linear.gather [hbm4b:s6+s0], $0x4000, $0x38;
	[tilespmem:$0x50C0] =	vst v63  }
0x96: {  	_ =	swait.ge [sflag:s30], $0x4000  }
0x97: {  	[sflag:s30] =	ssyncset.done $0x0  }
0x98: {  	[sflag:s30] =	ssyncadd.s32 $0xFFFFC000  }
0x99: {  	[spmem:s13] =	stream.indirect.scatter.add.f32 [tilespmem:s0], [sflag:$0x1], $0x80, s1, s2, $0xb8;
	[tilespmem:$0x50C0] =	vst v63  }
0x9a: {  	_ =	swait.ge [sflag:s30], $0x4000  }
0x9b: {  	[sflag:s30] =	ssyncset.done $0x0  }
0x9c: {  	[sflag:s30] =	ssyncadd.s32 $0xFFFFC000  }
0x9d: {  	[tilespmem:s1], [sflag:$0x1] =	stream.linear.gather [hbm4b:s23+s0], $0x80, $0x38;
	[tilespmem:$0x50C0] =	vst v63  }
0x9e: {  	_ =	swait.ge [sflag:s30], $0x80  }
0x9f: {  	[sflag:s30] =	ssyncset.done $0x0  }
0xa0: {  	[sflag:s30] =	ssyncadd.s32 $0xFFFFFF80  }
0xa1: {  	[tilespmem:s0], [sflag:$0x1] =	stream.linear.gather [hbm4b:s7+s0], $0x4000, $0x38;
	[tilespmem:$0x50C0] =	vst v63  }
0xa2: {  	_ =	swait.ge [sflag:s30], $0x4000  }
0xa3: {  	[sflag:s30] =	ssyncset.done $0x0  }
0xa4: {  	[sflag:s30] =	ssyncadd.s32 $0xFFFFC000  }
0xa5: {  	[spmem:s13] =	stream.indirect.scatter.add.f32 [tilespmem:s0], [sflag:$0x1], $0x80, s1, s2, $0xb8;
	[tilespmem:$0x50C0] =	vst v63  }
0xa6: {  	_ =	swait.ge [sflag:s30], $0x4000  }
0xa7: {  	[sflag:s30] =	ssyncset.done $0x0  }
0xa8: {  	[sflag:s30] =	ssyncadd.s32 $0xFFFFC000  }
0xa9: {  	[tilespmem:s1], [sflag:$0x1] =	stream.linear.gather [hbm4b:s24+s0], $0x80, $0x38;
	[tilespmem:$0x50C0] =	vst v63  }
0xaa: {  	_ =	swait.ge [sflag:s30], $0x80  }
0xab: {  	[sflag:s30] =	ssyncset.done $0x0  }
0xac: {  	[sflag:s30] =	ssyncadd.s32 $0xFFFFFF80  }
0xad: {  	[tilespmem:s0], [sflag:$0x1] =	stream.linear.gather [hbm4b:s8+s0], $0x4000, $0x38;
	[tilespmem:$0x50C0] =	vst v63  }
0xae: {  	_ =	swait.ge [sflag:s30], $0x4000  }
0xaf: {  	[sflag:s30] =	ssyncset.done $0x0  }
0xb0: {  	[sflag:s30] =	ssyncadd.s32 $0xFFFFC000  }
0xb1: {  	[spmem:s13] =	stream.indirect.scatter.add.f32 [tilespmem:s0], [sflag:$0x1], $0x80, s1, s2, $0xb8;
	[tilespmem:$0x50C0] =	vst v63  }
0xb2: {  	_ =	swait.ge [sflag:s30], $0x4000  }
0xb3: {  	[sflag:s30] =	ssyncset.done $0x0  }
0xb4: {  	[sflag:s30] =	ssyncadd.s32 $0xFFFFC000  }
0xb5: {  	[tilespmem:s1], [sflag:$0x1] =	stream.linear.gather [hbm4b:s25+s0], $0x80, $0x38;
	[tilespmem:$0x50C0] =	vst v63  }
0xb6: {  	_ =	swait.ge [sflag:s30], $0x80  }
0xb7: {  	[sflag:s30] =	ssyncset.done $0x0  }
0xb8: {  	[sflag:s30] =	ssyncadd.s32 $0xFFFFFF80  }
0xb9: {  	[tilespmem:s0], [sflag:$0x1] =	stream.linear.gather [hbm4b:s9+s0], $0x4000, $0x38;
	[tilespmem:$0x50C0] =	vst v63  }
0xba: {  	_ =	swait.ge [sflag:s30], $0x4000  }
0xbb: {  	[sflag:s30] =	ssyncset.done $0x0  }
0xbc: {  	[sflag:s30] =	ssyncadd.s32 $0xFFFFC000  }
0xbd: {  	[spmem:s13] =	stream.indirect.scatter.add.f32 [tilespmem:s0], [sflag:$0x1], $0x80, s1, s2, $0xb8;
	[tilespmem:$0x50C0] =	vst v63  }
0xbe: {  	_ =	swait.ge [sflag:s30], $0x4000  }
0xbf: {  	[sflag:s30] =	ssyncset.done $0x0  }
0xc0: {  	[sflag:s30] =	ssyncadd.s32 $0xFFFFC000  }
0xc1: {  	[tilespmem:s1], [sflag:$0x1] =	stream.linear.gather [hbm4b:s26+s0], $0x80, $0x38;
	[tilespmem:$0x50C0] =	vst v63  }
0xc2: {  	_ =	swait.ge [sflag:s30], $0x80  }
0xc3: {  	[sflag:s30] =	ssyncset.done $0x0  }
0xc4: {  	[sflag:s30] =	ssyncadd.s32 $0xFFFFFF80  }
0xc5: {  	[tilespmem:s0], [sflag:$0x1] =	stream.linear.gather [hbm4b:s10+s0], $0x4000, $0x38;
	[tilespmem:$0x50C0] =	vst v63  }
0xc6: {  	_ =	swait.ge [sflag:s30], $0x4000  }
0xc7: {  	[sflag:s30] =	ssyncset.done $0x0  }
0xc8: {  	[sflag:s30] =	ssyncadd.s32 $0xFFFFC000  }
0xc9: {  	[spmem:s13] =	stream.indirect.scatter.add.f32 [tilespmem:s0], [sflag:$0x1], $0x80, s1, s2, $0xb8;
	[tilespmem:$0x50C0] =	vst v63  }
0xca: {  	_ =	swait.ge [sflag:s30], $0x4000  }
0xcb: {  	[sflag:s30] =	ssyncset.done $0x0  }
0xcc: {  	[sflag:s30] =	ssyncadd.s32 $0xFFFFC000  }
0xcd: {  	[tilespmem:s1], [sflag:$0x1] =	stream.linear.gather [hbm4b:s28+s0], $0x80, $0x38;
	[tilespmem:$0x50C0] =	vst v63  }
0xce: {  	_ =	swait.ge [sflag:s30], $0x80  }
0xcf: {  	[sflag:s30] =	ssyncset.done $0x0  }
0xd0: {  	[sflag:s30] =	ssyncadd.s32 $0xFFFFFF80  }
0xd1: {  	[tilespmem:s0], [sflag:$0x1] =	stream.linear.gather [hbm4b:s11+s0], $0x4000, $0x38;
	[tilespmem:$0x50C0] =	vst v63  }
0xd2: {  	_ =	swait.ge [sflag:s30], $0x4000  }
0xd3: {  	[sflag:s30] =	ssyncset.done $0x0  }
0xd4: {  	[sflag:s30] =	ssyncadd.s32 $0xFFFFC000  }
0xd5: {  	[spmem:s13] =	stream.indirect.scatter.add.f32 [tilespmem:s0], [sflag:$0x1], $0x80, s1, s2, $0xb8;
	[tilespmem:$0x50C0] =	vst v63  }
0xd6: {  	_ =	swait.ge [sflag:s30], $0x4000  }
0xd7: {  	[sflag:s30] =	ssyncset.done $0x0  }
0xd8: {  	[sflag:s30] =	ssyncadd.s32 $0xFFFFC000  }
0xd9: {  	[tilespmem:s1], [sflag:$0x1] =	stream.linear.gather [hbm4b:s29+s0], $0x80, $0x38;
	[tilespmem:$0x50C0] =	vst v63  }
0xda: {  	_ =	swait.ge [sflag:s30], $0x80  }
0xdb: {  	[sflag:s30] =	ssyncset.done $0x0  }
0xdc: {  	[sflag:s30] =	ssyncadd.s32 $0xFFFFFF80  }
0xdd: {  	[tilespmem:s0], [sflag:$0x1] =	stream.linear.gather [hbm4b:s14+s0], $0x4000, $0x38;
	[tilespmem:$0x50C0] =	vst v63  }
0xde: {  	_ =	swait.ge [sflag:s30], $0x4000  }
0xdf: {  	[sflag:s30] =	ssyncset.done $0x0  }
.Ltmp3:
0xe0: {  	[sflag:s30] =	ssyncadd.s32 $0xFFFFC000;
	(pc) =	sbr.rel @!p1 .LBB2_4-.Ltmp3, $4  }
0xe1: {  	[spmem:s13] =	stream.indirect.scatter.add.f32 [tilespmem:s0], [sflag:$0x1], $0x80, s1, s2, $0xb8;
	[tilespmem:$0x50C0] =	vst v63  }
0xe2: {  	_ =	swait.ge [sflag:s30], $0x4000  }
0xe3: {  	[sflag:s30] =	ssyncset.done $0x0  }
0xe4: {  	[sflag:s30] =	ssyncadd.s32 $0xFFFFC000  }
.Ltmp4:
0xe5: {  	(pc) =	sbr.rel @p2 .LBB2_8-.Ltmp4, $1  }
0xe6: {  	_ =	sdelay $0x3  }
0xe7: {  	[tilespmem:$0x4000] =	vst v1  }
0xe8: {  	[tilespmem:$0x4010] =	vst v1  }
0xe9: {  	[tilespmem:$0x4020] =	vst v1  }
0xea: {  	[tilespmem:$0x4030] =	vst v1  }
0xeb: {  	[tilespmem:$0x4040] =	vst v1  }
0xec: {  	[tilespmem:$0x4050] =	vst v1  }
0xed: {  	[tilespmem:$0x4060] =	vst v1  }
0xee: {  	[tilespmem:$0x4070] =	vst v1;
	s4 =	rddreg [dreg:$0xb]  }
0xef: {  	[tilespmem:s1], [sflag:$0x1] =	stream.linear.gather [hbm4b:s4+s0], $0x50, $0x38;
	[tilespmem:$0x50C0] =	vst v63  }
0xf0: {  	_ =	swait.ge [sflag:s30], $0x50  }
0xf1: {  	[sflag:s30] =	ssyncset.done $0x0  }
.Ltmp5:
0xf2: {  	s5 =	rddreg [dreg:$0xc];
	[sflag:s30] =	ssyncadd.s32 $0xFFFFFFB0;
	(pc) =	sbr.rel .LBB2_7-.Ltmp5, $4  }
0xf3: {  	[tilespmem:s0], [sflag:$0x1] =	stream.linear.gather [hbm4b:s5+s0], $0x2800, $0x38;
	[tilespmem:$0x50C0] =	vst v63  }
0xf4: {  	_ =	swait.ge [sflag:s30], $0x2800  }
0xf5: {  	[sflag:s30] =	ssyncset.done $0x0  }
0xf6: {  	[sflag:s30] =	ssyncadd.s32 $0xFFFFD800  }
.LBB2_9:
0xf7: {  	_ =	sfence.sel $0x180000  }
0xf8: {  	[bflag:$0x0] =	sbarrier.arrive $0xFFFF  }
0xf9: {  	_ =	strace $0x90000047  }
0xfa: {  	[bflag:$0x2] =	sbarrier.arrive $0xFFFF  }
0xfb: {  	s0 =	rddreg [dreg:$0x3]  }
0xfc: {  	s0 =	sadd.s32 @!p0 $0x100000, s0  }
0xfd: {  	[sflag:s0] =	ssyncadd.tile.s32 @!p0 $0x1;
	_ =	shalt  }
.Lfunc_end2:
_tile_overlayer_lowered:
.L_overlay_start_2:
0xfe: {  	(tag) =	ssettag $0x2  }
0xff: {  	s0 =	rddreg [dreg:$0x0];
	s2 =	stileid.u32  }
0x100: {  	s1 =	rddreg [dreg:$0x1];
	p0 =	sne.s32 s2, $0x0  }
0x101: {  	s3 =	rddreg [dreg:$0x2];
	[bflag:$0x3] =	sbarrier.arrive $0xFFFF;
	s2 =	simm.s32 @!p0 $0x1C01  }
0x102: {  	[timem:s3], [sflag:s2] =	dma.local @!p0 [hbm:s0], s1  }
0x103: {  	s0 =	simm.s32 @!p0 $0x1  }
0x104: {  	_ =	swait.ge @!p0 [sflag:s0], s1  }
0x105: {  	s1 =	ssub.s32 @!p0 $0x0, s1;
	[sflag:s0] =	ssyncset.done @!p0 $0x0  }
0x106: {  	[sflag:s0] =	ssyncadd.s32 @!p0 s1  }
0x107: {  	[bflag:$0x3] =	sbarrier.arrive $0xFFFF  }
0x108: {  	_ =	shalt  }

// kernel: sparse-core-data-format-call.cloned.1.call-start
scs
called_computation_lowered:
.L_overlay_start_0:
0x0: {  	s2 =	sld [smem:$0x3FD9]  }
0x1: {  	s3 =	sld [smem:$0x3FFE];
	_ =	sdelay $0x1  }
0x2: {  	s1 =	srdreg.scid  }
0x3: {  	s0 =	sand.u32 $0x1, s1  }
0x4: {  	s18 =	sshll.u32 s0, $0xA;
	s2 =	sadd.s32 s3, s2  }
0x5: {  	s2 =	sadd.s32 s2, s18  }
0x6: {  	[smem:$0x3FC5] =	sst s2  }
0x7: {  	_ = 	snop  }
0x8: {  	s2 =	sld [smem:$0x3FD0];
	(tm) =	ssettm $0x1  }
0x9: {  	s19 =	sld [smem:$0x3FFB];
	_ =	sdelay $0x3  }
0xa: {  	_ =	strace s19  }
0xb: {  	s3 =	sld [smem:$0x3FFC];
	_ =	sdelay $0x3  }
0xc: {  	_ =	strace s3  }
0xd: {  	s3 =	sld [smem:$0x3FFD];
	_ =	sdelay $0x3  }
0xe: {  	_ =	strace s3  }
0xf: {  	_ =	strace $0x8FFFFFFF  }
0x10: {  	s20 =	sld [smem:$0x3FDB];
	_ =	sdelay $0x1  }
0x11: {  	s4 =	simm.s32 $_scs_section_size  }
0x12: {  	s5 =	simm.s32 $_size__tile_overlayer_lowered;
	s6 =	simm.s32 $_tile_overlayer_lowered  }
0x13: {  	s23 =	simm.s32 $0x1BFF;
	s22 =	sshll.u32 s6, $0x1;
	s3 =	sadd.s32 s4, s20  }
0x14: {  	s7 =	simm.s32 $0x0;
	s21 =	sshll.u32 s5, $0x1;
	s5 =	sadd.s32 s22, s3  }
0x15: {  	[timem:s7], [sflag:s23] =	dma.local [hbm:s5], s21  }
0x16: {  	_ =	swait.ge [sflag:s23], s21  }
0x17: {  	s4 =	ssub.s32 $0x0, s21;
	[sflag:s23] =	ssyncset.done $0x0  }
0x18: {  	[sflag:s23] =	ssyncadd.s32 s4;
	_ =	sdelay $0x1  }
0x19: {  	s24 =	simm.s32 $0x1B8B  }
0x1a: {  	_ =	swait.ge [sflag:s24], $0x1  }
0x1b: {  	[sflag:s24] =	ssyncset.done $0x0  }
0x1c: {  	s26 =	simm.s32 $0x1B8E;
	s25 =	sld [smem:$0x3FFE];
	[sflag:s24] =	ssyncadd.s32 $0xFFFFFFFF  }
0x1d: {  	s27 =	simm.s32 $execute0_lowered;
	[smem:$0x3FD2] =	sst s26  }
0x1e: {  	s5 =	sshll.u32 s27, $0x1;
	_ =	strace $0x80000049;
	[dreg:$0x1] =	wrdreg $0xFFFFFFFF  }
0x1f: {  	s28 =	simm.s32 $_size_execute0_lowered;
	s3 =	sadd.s32 s3, s5;
	[dreg:$0x0] =	wrdreg $0x0  }
0x20: {  	s5 =	sshll.u32 s28, $0x1;
	[dreg:$0x2] =	wrdreg s3  }
0x21: {  	[dreg:$0x3] =	wrdreg s5  }
0x22: {  	[dreg:$0x4] =	wrdreg $0xC0  }
0x23: {  	_ =	task [dreg:s7], $0x5FFFF  }
0x24: {  	[dreg:$0x1] =	wrdreg $0xFFFFFFFF  }
0x25: {  	[dreg:$0x0] =	wrdreg $0x60  }
0x26: {  	[dreg:$0x2] =	wrdreg s25  }
0x27: {  	[dreg:$0x3] =	wrdreg s2  }
0x28: {  	[dreg:$0x4] =	wrdreg $0x9  }
0x29: {  	_ =	task.clear_ibuf [dreg:s7], $0x5FFFF;
	_ =	strace $0x90000049  }
0x2a: {  	s29 =	simm.s32 $0x9;
	_ =	strace $0x8000004B  }
0x2b: {  	_ =	swait.ge [sflag:s29], $0x1  }
0x2c: {  	[sflag:s29] =	ssyncadd.s32 $0xFFFFFFFF  }
0x2d: {  	_ =	strace $0x9000004B  }
0x2e: {  	_ =	sfence  }
0x2f: {  	s30 =	sld [smem:$0x0];
	_ =	sdelay $0x2  }
0x30: {  	s31 =	sshll.u32 s1, $0xD;
	s1 =	sshrl.u32 s1, $0x2  }
0x31: {  	s3 =	sand.u32 $0x4000, s31;
	s1 =	sadd.s32 s1, s30  }
0x32: {  	s0 =	sor.u32 s3, s0;
	s1 =	sshll.u32 s1, $0x11  }
0x33: {  	s0 =	sor.u32 s1, s0  }
0x34: {  	s0 =	sadd.s32 $0x8F2B, s0  }
0x35: {  	[sflag:s0] =	ssyncadd.remote.s32 $0x1  }
0x36: {  	_ =	sfence.sel $0xFFFF  }
0x37: {  	[dreg:$0x0] =	wrdreg $0xFFFFFFFF;
	(pc) =	sbr.abs _section_cstart, $3  }
0x38: {  	[dreg:$0x1] =	wrdreg $0xFFFFFFFF  }
0x39: {  	_ =	task.clear_ibuf [dreg:s7], $0x2FFFF;
	_ =	strace $0x9FFFFFFF  }
0x3a: {  	(tm) =	ssettm $0x7FFFFFFF  }
0x3b: {  	_ =	shalt  }
tec
execute0_lowered:
.L_overlay_start_1:
0x0: {  	(tag) =	ssettag $0x1  }
0x1: {  	s0 =	srdreg.scid;
	s5 =	rddreg [dreg:$0x0]  }
0x2: {  	s2 =	rddreg [dreg:$0x1];
	s4 =	simm.s32 $0x1;
	s7 =	simm.s32 $0x2  }
0x3: {  	s16 =	simm.s32 $0x0;
	p0 =	por $0x0, $0x0;
	s1 =	sshll.u32 s0, $0x4  }
0x4: {  	s15 =	simm.s32 $0x0;
	s0 =	stileid.u32;
	s1 =	sand.u32 $0x10, s1  }
0x5: {  	s17 =	simm.s32 $0x0;
	s9 =	simm.s32 $0x0;
	s1 =	sor.u32 s0, s1  }
0x6: {  	s10 =	simm.s32 $0x0;
	s12 =	simm.s32 $0x0;
	s3 =	sshll.u32 s1, $0x7  }
.Ltmp0:
0x7: {  	s13 =	simm.s32 $0x0;
	s6 =	ssub.s32 $0xC300, s3;
	(pc) =	sbr.rel .LBB1_1-.Ltmp0, $4  }
0x8: {  	s1 =	rddreg [dreg:$0x2];
	_ =	strace $0x8000004A;
	s6 =	sshrl.u32 s6, $0xC  }
0x9: {  	s14 =	simm.s32 $0x0;
	[sflag:s4] =	ssyncpa.u1 $0x0;
	s8 =	smul.u32 $0x3, s6  }
0xa: {  	s5 =	sadd.s32 $0x24AE00, s5;
	s11 =	smov.u32 s3;
	[sflag:s7] =	ssyncpa.u1 $0x0  }
0xb: {  	s6 =	sadd.s32 $0x3, s8;
	s7 =	sadd.s32 $0x4, s8;
	s8 =	simm.s32 $0x0  }
.LBB1_5:
0xc: {  	p1 =	slt.u32 s14, $0x2  }
0xd: {  	p2 =	sgt.s32 @!p1 s17, $0x2  }
0xe: {  	s18 =	smov.u32 s17;
	s19 =	sshra.s32 @!p1 s17, $0x1F;
	p2 =	por !p2, p1  }
0xf: {  	s17 =	sand.u32 @!p1 s19, s17;
	s18 =	simm.s32 @p2 $0x2  }
0x10: {  	p2 =	sgt.s32 @!p1 s16, $0xC2D0;
	s17 =	ssub.s32 @!p1 s18, s17  }
0x11: {  	s19 =	sshra.s32 @!p1 s16, $0x1F;
	p2 =	por !p2, p1;
	s18 =	sadd.s32 @!p1 $0xFFFFFFFE, s17  }
0x12: {  	s17 =	ssub.s32 @!p1 $0x3, s17;
	p3 =	sgt.s32 @!p1 s18, $0x0;
	s18 =	smov.u32 s16  }
0x13: {  	s16 =	sand.u32 @!p1 s19, s16;
	s19 =	ssub.s32 @!p1 $0x0, s15;
	s18 =	simm.s32 @p2 $0xC2D0  }
0x14: {  	p2 =	por !p3, p1;
	s15 =	smin.u32 @!p1 s15, s19;
	s19 =	smov.u32 s12  }
0x15: {  	s17 =	simm.s32 @!p2 $0x0;
	s16 =	ssub.s32 @!p1 s18, s16;
	p2 =	sgt.s32 @!p1 s15, $0x7F  }
0x16: {  	s15 =	ssub.s32 @!p1 $0x80, s15;
	s18 =	sadd.s32 @!p1 $0xFFFF3D30, s16;
	p2 =	por !p2, p1  }
0x17: {  	s16 =	ssub.s32 @!p1 $0xC350, s16;
	s15 =	simm.s32 @!p2 $0x0;
	p2 =	sgt.s32 @!p1 s18, $0x7F  }
0x18: {  	s18 =	sadd.s32 $0x1000, s11;
	p2 =	por !p2, p1;
	s15 =	smul.u32 @!p1 s17, s15  }
0x19: {  	s17 =	sadd.s32 $0x80, s12;
	s16 =	simm.s32 @!p2 $0x0;
	p2 =	sgt.s32 s18, $0xC34F  }
0x1a: {  	s15 =	smul.u32 @!p1 s16, s15;
	s19 =	smov.u32 @p2 s17  }
0x1b: {  	s18 =	smov.u32 @p2 s3;
	s16 =	simm.s32 $0x1;
	p2 =	sgt.s32 s19, $0x7F  }
0x1c: {  	s16 =	simm.s32 @!p2 $0x0  }
0x1d: {  	p0 =	por !p0, !p0;
	s22 =	sadd.s32 s16, s13  }
0x1e: {  	s20 =	simm.s32 @!p1 $0x2;
	s19 =	simm.s32 @p2 $0x0;
	p2 =	sgt.s32 s22, $0x2  }
0x1f: {  	s17 =	smov.u32 s10;
	s22 =	simm.s32 @p2 $0x0;
	p2 =	sne.s32 s14, s7  }
.Ltmp1:
0x20: {  	s10 =	smov.u32 s13;
	s15 =	sand.u32 @!p1 $0x3FFFFFFF, s15;
	(pc) =	sbr.rel @!p2 .LBB1_6-.Ltmp1, $4  }
0x21: {  	_ =	swait.ge @!p1 [sflag:s20], s15;
	s21 =	ssub.s32 @!p1 $0x0, s15;
	s16 =	smov.u32 s8  }
0x22: {  	s15 =	smov.u32 s9;
	s8 =	smov.u32 s11;
	s9 =	smov.u32 s12  }
0x23: {  	s11 =	smov.u32 s18;
	s12 =	smov.u32 s19;
	[sflag:s20] =	ssyncset.done @!p1 $0x0  }
0x24: {  	s14 =	sadd.s32 $0x1, s14;
	[sflag:s20] =	ssyncadd.s32 @!p1 s21;
	s13 =	smov.u32 s22  }
.LBB1_1:
0x25: {  	p1 =	sge.u32 s14, s6  }
0x26: {  	s18 =	sshrl.u32 @!p1 s12, $0x3  }
0x27: {  	s19 =	sshll.u32 @!p1 s11, $0x3;
	s18 =	smul.u32 @!p1 $0x61C00, s18  }
0x28: {  	s20 =	sshll.u32 @!p1 s12, $0x7;
	s19 =	sand.u32 @!p1 $0xFFFFFC00, s19  }
0x29: {  	s18 =	sadd.s32 @!p1 s18, s19;
	s19 =	sand.u32 @!p1 $0x380, s20  }
0x2a: {  	s20 =	sand.u32 @!p1 $0x7F, s11;
	s18 =	sor.u32 @!p1 s19, s18  }
0x2b: {  	s19 =	sor.u32 @!p1 s20, s18  }
0x2c: {  	s20 =	smulhi.u32 @!p1 $0xA79C7B17, s19  }
0x2d: {  	s18 =	smulhi.u32 @!p1 $0xA79C7B17, s18  }
0x2e: {  	s20 =	sshrl.u32 @!p1 s20, $0xF  }
0x2f: {  	s18 =	sshrl.u32 @!p1 s18, $0xF;
	s20 =	smul.u32 @!p1 $0xC380, s20  }
0x30: {  	s21 =	sxor.u32 @!p1 $0xFFFFFFFF, s14;
	s22 =	smul.u32 @!p1 $0xC3800, s13;
	s18 =	sand.u32 @!p1 $0x7F, s18  }
0x31: {  	s21 =	sshll.u32 @!p1 s21, $0xE;
	s18 =	smul.u32 @!p1 $0x1870, s18;
	s19 =	ssub.s32 @!p1 s19, s20  }
0x32: {  	s20 =	sand.u32 @!p1 $0x4000, s21;
	s21 =	sadd.s32 @!p1 s5, s22;
	s22 =	sand.u32 @!p1 $0x7, s19  }
0x33: {  	s19 =	sshrl.u32 @!p1 s19, $0x3;
	s18 =	sadd.s32 @!p1 s18, s21;
	s21 =	sshll.u32 @!p1 s22, $0x12  }
0x34: {  	s18 =	sadd.s32 @!p1 s19, s18;
	s19 =	sor.u32 @!p1 $0x400, s21;
	s21 =	simm.s32 @!p1 $0x61C00  }
0x35: {  	[tilespmem:s20], [sflag:$0x1] =	stream.strided.gather @!p1 [hbm4b:s18+s19], $0x4000, s21, s19, $0x38;
	[tilespmem:$0x10100] =	vst v63  }
0x36: {  	p1 =	seq.s32 s14, $0x0  }
0x37: {  	p2 =	sge.u32 @!p1 s14, s7  }
0x38: {  	p1 =	por p1, p2  }
.Ltmp2:
0x39: {  	_ = 	snop;
	(pc) =	sbr.rel @p1 .LBB1_5-.Ltmp2, $1  }
0x3a: {  	_ =	sdelay $0x3  }
0x3b: {  	s18 =	simm.s32 $0x1  }
0x3c: {  	_ =	swait.ge [sflag:s4], $0x4000;
	s18 =	simm.s32 @!p0 $0x0  }
0x3d: {  	[sflag:s4] =	ssyncset.done $0x0;
	s19 =	sshll.u32 s18, $0xE  }
0x3e: {  	[sflag:s4] =	ssyncadd.s32 $0xFFFFC000;
	s19 =	sor.u32 $0x40, s19  }
0x3f: {  	s18 =	smul.u32 $0x10200, s18;
	v0 =	vld [tilespmem:s19+$0x30]  }
0x40: {  	v1 =	vld [tilespmem:s19+$0xFFFFFFD0]  }
0x41: {  	s18 =	sshrl.u32 s18, $0x2;
	v5 =	vld [tilespmem:s19+$0xFFFFFFE0]  }
0x42: {  	v6 =	vld [tilespmem:s19+$0xFFFFFFF0];
	s21 =	sor.u32 $0x8000, s18  }
0x43: {  	s31 =	sand.u32 $0x1, s14;
	v4 =	vld [tilespmem:s19+$0x0];
	s20 =	sadd.s32 $0x0, s21  }
0x44: {  	v3 =	vld [tilespmem:s19+$0x10];
	s18 =	smul.u32 $0x10200, s31;
	[tilespmem:s20+$0x3870 ss:$0x81] =	vst.msk $0xffff, v0  }
0x45: {  	v2 =	vld [tilespmem:s19+$0x20];
	[tilespmem:s20+$0x810 ss:$0x81] =	vst.msk $0xffff, v1  }
0x46: {  	s18 =	sshrl.u32 s18, $0x2;
	v0 =	vld [tilespmem:s19+$0xFFFFFFC0];
	[tilespmem:s20+$0x1020 ss:$0x81] =	vst.msk $0xffff, v5;
	s19 =	sadd.s32 $0x80, s19  }
0x47: {  	s22 =	simm.s32 $0x4;
	s23 =	simm.s32 $0x8;
	s18 =	sor.u32 $0x8000, s18;
	[tilespmem:s20+$0x1830 ss:$0x81] =	vst.msk $0xffff, v6;
	v1 =	vld [tilespmem:s19+$0x30]  }
.LBB1_3:
0x48: {  	p1 =	sne.s32 s23, $0x1FC;
	v5 =	vld [tilespmem:s19+$0xFFFFFFD0];
	[tilespmem:s20+$0x2040 ss:$0x81] =	vst.msk $0xffff, v4  }
0x49: {  	v6 =	vld [tilespmem:s19+$0xFFFFFFE0];
	[tilespmem:s20+$0x2850 ss:$0x81] =	vst.msk $0xffff, v3  }
0x4a: {  	s24 =	sshra.s32 s22, $0x2;
	s22 =	smov.u32 s23;
	v7 =	vld [tilespmem:s19+$0xFFFFFFF0];
	[tilespmem:s20+$0x3060 ss:$0x81] =	vst.msk $0xffff, v2  }
.Ltmp3:
0x4b: {  	v4 =	vld [tilespmem:s19+$0x0];
	[tilespmem:s20+$0x0 ss:$0x81] =	vst.msk $0xffff, v0;
	s20 =	sadd.s32 s24, s21;
	(pc) =	sbr.rel @p1 .LBB1_3-.Ltmp3, $4  }
0x4c: {  	v3 =	vld [tilespmem:s19+$0x10];
	[tilespmem:s20+$0x3870 ss:$0x81] =	vst.msk $0xffff, v1  }
0x4d: {  	[tilespmem:s20+$0x810 ss:$0x81] =	vst.msk $0xffff, v5;
	v2 =	vld [tilespmem:s19+$0x20]  }
0x4e: {  	v0 =	vld [tilespmem:s19+$0xFFFFFFC0];
	[tilespmem:s20+$0x1020 ss:$0x81] =	vst.msk $0xffff, v6;
	s19 =	sadd.s32 $0x80, s19  }
0x4f: {  	s23 =	sadd.s32 $0x4, s23;
	v1 =	vld [tilespmem:s19+$0x30];
	[tilespmem:s20+$0x1830 ss:$0x81] =	vst.msk $0xffff, v7  }
0x50: {  	s23 =	sshll.u32 s8, $0x7;
	s24 =	sshll.u32 s9, $0x3  }
0x51: {  	p1 =	sgt.s32 s10, $0x2;
	s26 =	sshra.s32 s10, $0x1F;
	s22 =	sshra.s32 s22, $0x2  }
0x52: {  	s29 =	ssub.s32 $0x0, s9;
	s25 =	sand.u32 $0xFFFFFC00, s23;
	s24 =	sand.u32 $0xFFFFFC00, s24  }
0x53: {  	[tilespmem:s20+$0x2040 ss:$0x81] =	vst.msk $0xffff, v4;
	s30 =	sshra.s32 s8, $0x1F;
	s23 =	sand.u32 $0x380, s23;
	s24 =	sadd.s32 s24, s25  }
0x54: {  	s21 =	sadd.s32 s22, s21;
	[tilespmem:s20+$0x2850 ss:$0x81] =	vst.msk $0xffff, v3;
	s23 =	sor.u32 s23, s24;
	s24 =	smov.u32 s10  }
0x55: {  	s25 =	sand.u32 s26, s10;
	[tilespmem:s20+$0x3060 ss:$0x81] =	vst.msk $0xffff, v2;
	s23 =	sshrl.u32 s23, $0x7;
	s24 =	simm.s32 @!p1 $0x2  }
0x56: {  	v5 =	vld [tilespmem:s19+$0xFFFFFFD0];
	[tilespmem:s20+$0x0 ss:$0x81] =	vst.msk $0xffff, v0;
	s20 =	sand.u32 s30, s8;
	s26 =	smulhi.u32 $0x14F8B59, s23;
	s24 =	ssub.s32 s24, s25  }
0x57: {  	v58 =	vld [tilespmem:s19+$0xFFFFFFE0];
	s27 =	sadd.s32 $0xFFFFFFFE, s24;
	s22 =	ssub.s32 $0x3, s24;
	s24 =	smov.u32 s8  }
0x58: {  	v59 =	vld [tilespmem:s19+$0xFFFFFFF0];
	s28 =	sshrl.u32 s26, $0x8;
	p1 =	sgt.s32 s27, $0x0;
	s26 =	smin.u32 s9, s29  }
0x59: {  	v60 =	vld [tilespmem:s19+$0x0];
	s27 =	smul.u32 $0xC3500, s10;
	s22 =	simm.s32 @p1 $0x0;
	p1 =	sgt.s32 s8, $0xC2D0  }
0x5a: {  	v61 =	vld [tilespmem:s19+$0x10];
	[tilespmem:s21+$0x3870 ss:$0x81] =	vst.msk $0xffff, v1;
	s24 =	simm.s32 @!p1 $0xC2D0;
	p1 =	sgt.s32 s26, $0x7F;
	s26 =	ssub.s32 $0x80, s26  }
0x5b: {  	v62 =	vld [tilespmem:s19+$0x20];
	[tilespmem:s21+$0x810 ss:$0x81] =	vst.msk $0xffff, v5;
	s31 =	smul.u32 $0xC350, s28;
	s20 =	ssub.s32 s24, s20;
	s26 =	simm.s32 @p1 $0x0  }
0x5c: {  	v63 =	vld [tilespmem:s19+$0xFFFFFFC0];
	[tilespmem:s21+$0x1020 ss:$0x81] =	vst.msk $0xffff, v58;
	s25 =	smul.u32 s22, s26;
	s26 =	sadd.s32 $0xFFFF3D30, s20  }
0x5d: {  	[tilespmem:s21+$0x1830 ss:$0x81] =	vst.msk $0xffff, v59;
	s28 =	sshrl.u32 s9, $0x3;
	s20 =	ssub.s32 $0xC350, s20;
	p1 =	sgt.s32 s26, $0x7F  }
.Ltmp4:
0x5e: {  	[tilespmem:s21+$0x2040 ss:$0x81] =	vst.msk $0xffff, v60;
	s29 =	sand.u32 $0xF, s28;
	s20 =	simm.s32 @p1 $0x0;
	(pc) =	sbr.rel .LBB1_5-.Ltmp4, $4  }
0x5f: {  	[tilespmem:s21+$0x2850 ss:$0x81] =	vst.msk $0xffff, v61;
	s23 =	ssub.s32 s23, s31;
	s22 =	sadd.s32 s2, s27;
	s19 =	smul.u32 s20, s25  }
0x60: {  	[tilespmem:s21+$0x3060 ss:$0x81] =	vst.msk $0xffff, v62;
	s30 =	sshll.u32 s23, $0x4;
	s20 =	sadd.s32 s29, s22  }
0x61: {  	[tilespmem:s21+$0x0 ss:$0x81] =	vst.msk $0xffff, v63;
	s31 =	sand.u32 $0x7, s9;
	s20 =	sadd.s32 s30, s20;
	s19 =	sand.u32 $0x3FFFFFFF, s19  }
0x62: {  	[hbm4b:s20+s31] =	stream.linear.scatter [tilespmem:s18], [sflag:$0x2], s19, $0x20;
	[tilespmem:$0x10100] =	vst v63  }
.LBB1_6:
0x63: {  	_ =	sfence.sel $0x180000  }
0x64: {  	s2 =	simm.s32 $0x1;
	[bflag:$0x0] =	sbarrier.arrive $0xFFFF  }
0x65: {  	s31 =	simm.s32 $0x2;
	[sflag:s2] =	ssyncpa.u1 $0x1  }
0x66: {  	[sflag:s31] =	ssyncpa.u1 $0x1  }
0x67: {  	p0 =	sne.s32 s0, $0x0;
	_ =	strace $0x9000004A  }
0x68: {  	s0 =	sadd.s32 @!p0 $0x100000, s1;
	[bflag:$0x2] =	sbarrier.arrive $0xFFFF  }
0x69: {  	[sflag:s0] =	ssyncadd.tile.s32 @!p0 $0x1;
	_ =	shalt  }
.Lfunc_end1:
_tile_overlayer_lowered:
.L_overlay_start_2:
0x6a: {  	(tag) =	ssettag $0x2  }
0x6b: {  	s0 =	rddreg [dreg:$0x0];
	s2 =	stileid.u32  }
0x6c: {  	s1 =	rddreg [dreg:$0x1];
	p0 =	sne.s32 s2, $0x0  }
0x6d: {  	s3 =	rddreg [dreg:$0x2];
	[bflag:$0x3] =	sbarrier.arrive $0xFFFF;
	s2 =	simm.s32 @!p0 $0x1C01  }
0x6e: {  	[timem:s3], [sflag:s2] =	dma.local @!p0 [hbm:s0], s1  }
0x6f: {  	s0 =	simm.s32 @!p0 $0x1  }
0x70: {  	_ =	swait.ge @!p0 [sflag:s0], s1  }
0x71: {  	s1 =	ssub.s32 @!p0 $0x0, s1;
	[sflag:s0] =	ssyncset.done @!p0 $0x0  }
0x72: {  	[sflag:s0] =	ssyncadd.s32 @!p0 s1  }
0x73: {  	[bflag:$0x3] =	sbarrier.arrive $0xFFFF  }
0x74: {  	_ =	shalt  }

</sc_bundles>
